<compile_context>
chip_gen: v7x
topology: tpu7x:2x2x1
jax: 0.10.2.dev20260603
libtpu: 0.0.44.dev20260713+nightly
codegen_flags: <defaults>
</compile_context>

<pallas_src>
import functools

import jax
import jax.numpy as jnp
from jax import lax
from jax.experimental import pallas as pl
from jax.experimental.pallas import tpu as pltpu
from jax.experimental.pallas import tpu_sc as plsc

_NC = 2
_NS = 16
_NW = _NC * _NS
_L = 16

_ROWS = 1000001
_BATCH = 16384
_CHUNK = 512
_N_FULL = _ROWS // _CHUNK
_CH_PER_W = _N_FULL // _NW
_TAIL_LO = _N_FULL * _CHUNK
_TAIL_W = _ROWS - _TAIL_LO
_NBUF = 3

_HITS_CAP = 896
_HITS_DUMP = _HITS_CAP + _L
_WORK_CAP = 128
_WORK_DUMP = _WORK_CAP + _L
_STAGE = 32


def _lanes():
    return lax.broadcasted_iota(jnp.int32, (_L,), 0)


def _splat(x):
    return jnp.full((_L,), x, dtype=jnp.int32)


def _scalar_at(ref, w):
    base = (w // _L) * _L
    vec = ref[pl.ds(base, _L)]
    lane = w - base
    return jnp.max(jnp.where(_lanes() == lane, vec, jnp.int32(-1)))


def _collect_hits(idx_v, hits_r, hits_b, wid, count):

    def body(g, cnt):
        v = idx_v[pl.ds(g * _L, _L)]
        m = ((v >> 9) & (_NW - 1)) == wid
        mi = m.astype(jnp.int32)
        pos = jnp.where(m, cnt - 1 + jnp.cumsum(mi), _HITS_DUMP)
        plsc.store_scatter(hits_r, [pos], v)
        plsc.store_scatter(hits_b, [pos], _lanes() + g * _L)
        return jnp.minimum(cnt + jnp.sum(mi), _HITS_CAP)

    return lax.fori_loop(0, _BATCH // _L, body, count)


def _reset_scatteridx(scatteridx):
    for k in range(_STAGE // _L):
        scatteridx[pl.ds(k * _L, _L)] = _splat(_BATCH)


def _scan_hits(hits_r, hits_b, work_m, work_b, win_lo, win_w, count):

    def scan_body(h, wc):
        hv = hits_r[pl.ds(h * _L, _L)]
        bv = hits_b[pl.ds(h * _L, _L)]
        m = (hv >= win_lo) & (hv < win_lo + win_w)
        mi = m.astype(jnp.int32)
        pos = jnp.where(m, wc - 1 + jnp.cumsum(mi), _WORK_DUMP)
        plsc.store_scatter(work_m, [pos], hv - win_lo)
        plsc.store_scatter(work_b, [pos], bv)
        return jnp.minimum(wc + jnp.sum(mi), _WORK_CAP)

    n_win = (count + _L - 1) // _L
    return lax.fori_loop(0, n_win, scan_body, jnp.int32(0))


def _extract_hits(buf, wc, work_m, work_b, rowstage, scatteridx, out_hbm,
                  scat_sem, nrows):

    def hit_body(w, nr):
        m_loc = _scalar_at(work_m, w)
        b = _scalar_at(work_b, w)
        for g in range(4):
            cvec = _lanes() + g * _L
            vals = plsc.load_gather(buf, [cvec, _splat(m_loc)])
            rowstage[nr, pl.ds(g * _L, _L)] = vals
        sbase = (nr // _L) * _L
        svec = scatteridx[pl.ds(sbase, _L)]
        scatteridx[pl.ds(sbase, _L)] = jnp.where(
            _lanes() == nr - sbase, b, svec
        )
        full = nr + 1 == _STAGE

        @pl.when(full)
        def _():
            pltpu.async_copy(rowstage, out_hbm.at[scatteridx], scat_sem).wait()
            _reset_scatteridx(scatteridx)

        return jnp.where(full, jnp.int32(0), nr + 1)

    return lax.fori_loop(0, wc, hit_body, nrows)


def _make_sc_gather(batch, emb_dim):
    mesh = plsc.VectorSubcoreMesh(core_axis_name="c", subcore_axis_name="s")

    @functools.partial(
        pl.kernel,
        out_type=jax.ShapeDtypeStruct((batch + 8, 2 * emb_dim), jnp.float32),
        mesh=mesh,
        scratch_types=[
            pltpu.VMEM((batch,), jnp.int32),
            pltpu.VMEM((_NBUF, emb_dim, _CHUNK), jnp.float32),
            pltpu.VMEM((emb_dim, _TAIL_W), jnp.float32),
            pltpu.VMEM((_HITS_DUMP + _L,), jnp.int32),
            pltpu.VMEM((_HITS_DUMP + _L,), jnp.int32),
            pltpu.VMEM((_WORK_DUMP + _L,), jnp.int32),
            pltpu.VMEM((_WORK_DUMP + _L,), jnp.int32),
            pltpu.VMEM((_STAGE, 2 * emb_dim), jnp.float32),
            pltpu.VMEM((_STAGE,), jnp.int32),
            pltpu.SemaphoreType.DMA,
            pltpu.SemaphoreType.DMA,
        ],
        compiler_params=pltpu.CompilerParams(needs_layout_passes=False),
    )
    def gather(table_t_hbm, idx_hbm, out_hbm, idx_v, buf, tail_buf, hits_r,
               hits_b, work_m, work_b, rowstage, scatteridx, stream_sem,
               scat_sem):
        wid = lax.axis_index("s") * _NC + lax.axis_index("c")

        def chunk_lo(c):
            return (wid + _NW * c) * _CHUNK

        n_chunks = _CH_PER_W + (wid == 0).astype(jnp.int32)

        for p in range(_NBUF - 1):
            pltpu.async_copy(
                table_t_hbm.at[:, pl.ds((wid + _NW * p) * _CHUNK, _CHUNK)],
                buf.at[p], stream_sem,
            )

        pltpu.sync_copy(idx_hbm, idx_v)
        _reset_scatteridx(scatteridx)
        for k in range(0, _HITS_DUMP + _L, _L):
            hits_r[pl.ds(k, _L)] = _splat(jnp.int32(2**31 - 1))

        count = _collect_hits(idx_v, hits_r, hits_b, wid, jnp.int32(0))

        def chunk_body(c, nrows):
            wc = _scan_hits(hits_r, hits_b, work_m, work_b, chunk_lo(c),
                            _CHUNK, count)
            pltpu.make_async_copy(
                table_t_hbm.at[:, pl.ds(0, _CHUNK)], buf.at[c % _NBUF],
                stream_sem,
            ).wait()

            @pl.when(c + _NBUF - 1 < n_chunks)
            def _():
                pltpu.async_copy(
                    table_t_hbm.at[:, pl.ds(chunk_lo(c + _NBUF - 1), _CHUNK)],
                    buf.at[(c + _NBUF - 1) % _NBUF], stream_sem,
                )

            return _extract_hits(buf.at[c % _NBUF], wc, work_m, work_b,
                                 rowstage, scatteridx, out_hbm, scat_sem,
                                 nrows)

        nrows = lax.fori_loop(0, n_chunks, chunk_body, jnp.int32(0))

        wc = _scan_hits(hits_r, hits_b, work_m, work_b, _TAIL_LO, _CHUNK,
                        count)
        pltpu.sync_copy(table_t_hbm.at[:, pl.ds(_TAIL_LO, _TAIL_W)], tail_buf)
        nrows = _extract_hits(tail_buf, wc, work_m, work_b, rowstage,
                              scatteridx, out_hbm, scat_sem, nrows)

        @pl.when(nrows > 0)
        def _():
            pltpu.async_copy(rowstage, out_hbm.at[scatteridx], scat_sem).wait()

    return gather


def _mlp_body(x_ref, w1_ref, b1_ref, w2_ref, b2_ref, o_ref):
    x = x_ref[:, :64]
    h = jnp.dot(x, w1_ref[...], preferred_element_type=jnp.float32)
    h = jnp.maximum(h + b1_ref[...], 0.0)
    y = jnp.dot(h, w2_ref[...], preferred_element_type=jnp.float32)
    o_ref[...] = (y + b2_ref[...]).T


def kernel(user_id, table, W1, b1, W2, b2):
    batch = user_id.shape[0]
    emb_dim = table.shape[1]

    table_t = table.T
    idx = user_id.astype(jnp.int32)
    emb_pad = _make_sc_gather(batch, emb_dim)(table_t, idx)

    block = 2048
    grid = batch // block
    out_t = pl.pallas_call(
        _mlp_body,
        grid=(grid,),
        in_specs=[
            pl.BlockSpec((block, 2 * emb_dim), lambda i: (i, 0)),
            pl.BlockSpec((emb_dim, emb_dim), lambda i: (0, 0)),
            pl.BlockSpec((1, emb_dim), lambda i: (0, 0)),
            pl.BlockSpec((emb_dim, emb_dim), lambda i: (0, 0)),
            pl.BlockSpec((1, emb_dim), lambda i: (0, 0)),
        ],
        out_specs=pl.BlockSpec((emb_dim, block), lambda i: (0, i)),
        out_shape=jax.ShapeDtypeStruct((emb_dim, batch), jnp.float32),
    )(emb_pad, W1, b1.reshape(1, emb_dim), W2, b2.reshape(1, emb_dim))
    return out_t.T

# --- scband reference (transcript-rebuilt; emitter-appended) ---
"""Pipeline reference for scband-user-tower-61143154425950 (READ-ONLY COPY).

The authoritative reference and input builder live on the scoring server;
editing this copy changes nothing except your own understanding.
"""

import jax, jax.numpy as jnp
import numpy as np

VOCAB = 1000000
TABLE_ROWS = VOCAB + 1  # StringLookup adds one OOV bucket
EMB_DIM = 64
BATCH = 16384


def setup_inputs(seed: int = 0) -> dict:
    key = jax.random.key(seed)
    k1, k2, k3, k4, k5, k6 = jax.random.split(key, 6)
    user_id = jax.random.randint(k1, (BATCH,), 0, TABLE_ROWS)
    table = jax.random.normal(k2, (TABLE_ROWS, EMB_DIM), dtype=jnp.float32) * 0.02
    W1 = jax.random.normal(k3, (EMB_DIM, EMB_DIM), dtype=jnp.float32) * (1.0 / np.sqrt(EMB_DIM))
    b1 = jnp.zeros((EMB_DIM,), dtype=jnp.float32)
    W2 = jax.random.normal(k4, (EMB_DIM, EMB_DIM), dtype=jnp.float32) * (1.0 / np.sqrt(EMB_DIM))
    b2 = jnp.zeros((EMB_DIM,), dtype=jnp.float32)
    return {"user_id": user_id, "table": table, "W1": W1, "b1": b1, "W2": W2, "b2": b2}


def reference(user_id, table, W1, b1, W2, b2):
    # StringLookup is modeled as pre-resolved integer ids into the (vocab+1)-row table
    user_emb = jnp.take(table, user_id, axis=0)          # embedding lookup
    h = jax.nn.relu(user_emb @ W1 + b1)                  # Dense(emb_dim, relu)
    out = h @ W2 + b2                                    # Dense(emb_dim)
    return out

if __name__ == "__main__":
    import jax
    _d = setup_inputs()
    print(jax.jit(kernel)(*tuple(_d.values())))

</pallas_src>

<mosaic_0001>
#map = affine_map<(d0, d1) -> (0, 0)>
#map1 = affine_map<(d0, d1) -> (0)>
module attributes {stable_mosaic.version = 14 : i64} {
  func.func @gather(%arg0: i32, %arg1: i32, %arg2: memref<64x1000001xf32, #tpu.memory_space<hbm>>, %arg3: memref<16384xi32, #tpu.memory_space<hbm>>, %arg4: memref<16392x128xf32, #tpu.memory_space<hbm>>, %arg5: memref<16384xi32, #tpu.memory_space<vmem>>, %arg6: memref<3x64x512xf32, #tpu.memory_space<vmem>>, %arg7: memref<64x65xf32, #tpu.memory_space<vmem>>, %arg8: memref<928xi32, #tpu.memory_space<vmem>>, %arg9: memref<928xi32, #tpu.memory_space<vmem>>, %arg10: memref<160xi32, #tpu.memory_space<vmem>>, %arg11: memref<160xi32, #tpu.memory_space<vmem>>, %arg12: memref<32x128xf32, #tpu.memory_space<vmem>>, %arg13: memref<32xi32, #tpu.memory_space<vmem>>, %arg14: memref<!tpu.dma_semaphore, #tpu.memory_space<semaphore_mem>>, %arg15: memref<!tpu.dma_semaphore, #tpu.memory_space<semaphore_mem>>) attributes {dimension_semantics = [#tpu.dimension_semantics<core_parallel>, #tpu.dimension_semantics<subcore_parallel>], iteration_bounds = array<i64: 2, 16>, scalar_prefetch = 0 : i64, scratch_operands = 11 : i64, tpu.core_type = #tpu.core_type<sc_vector_subcore>, window_params = [{transform_indices = #map}, {transform_indices = #map1}, {transform_indices = #map}]} {
    %mul3A = arith.constant 2 : i32
    %mul3A_0 = arith.muli %arg1, %mul3A : i32
    %add3A = arith.addi %mul3A_0, %arg0 : i32
    %eq3A = arith.constant 0 : i32
    %eq3A_1 = arith.cmpi eq, %add3A, %eq3A : i32
    %convert_element_type3A = arith.extui %eq3A_1 : i1 to i32
    %add3A_2 = arith.constant 61 : i32
    %add3A_3 = arith.addi %add3A_2, %convert_element_type3A : i32
    %add3A_4 = arith.constant 0 : i32
    %add3A_5 = arith.addi %add3A, %add3A_4 : i32
    %mul3A_6 = arith.constant 512 : i32
    %mul3A_7 = arith.muli %add3A_5, %mul3A_6 : i32
    %dma_start3A = arith.constant 0 : i32
    %dma_start3A_8 = arith.constant 0 : i32
    %dma_start3A_9 = arith.constant 0 : i32
    %dma_start3A_10 = tpu.memref_slice %arg6[%dma_start3A, %dma_start3A_8, %dma_start3A_9] : memref<3x64x512xf32, #tpu.memory_space<vmem>> -> memref<1x64x512xf32, #tpu.memory_space<vmem>>
    %dma_start3A_11 = tpu.memref_squeeze %dma_start3A_10 : memref<1x64x512xf32, #tpu.memory_space<vmem>> -> memref<64x512xf32, #tpu.memory_space<vmem>>
    %dma_start3A_12 = arith.constant 0 : i32
    %dma_start3A_13 = tpu.memref_slice %arg2[%dma_start3A_12, %mul3A_7] : memref<64x1000001xf32, #tpu.memory_space<hbm>> -> memref<64x512xf32, #tpu.memory_space<hbm>>
    %dma_start3A_14 = arith.constant 0 : i32
    %dma_start3A_15 = arith.constant 0 : i32
    %dma_start3A_16 = tpu.memref_slice %arg6[%dma_start3A, %dma_start3A_14, %dma_start3A_15] : memref<3x64x512xf32, #tpu.memory_space<vmem>> -> memref<1x64x512xf32, #tpu.memory_space<vmem>>
    %dma_start3A_17 = tpu.memref_squeeze %dma_start3A_16 : memref<1x64x512xf32, #tpu.memory_space<vmem>> -> memref<64x512xf32, #tpu.memory_space<vmem>>
    %dma_start3A_18 = arith.constant 0 : i32
    %dma_start3A_19 = tpu.memref_slice %arg2[%dma_start3A_18, %mul3A_7] : memref<64x1000001xf32, #tpu.memory_space<hbm>> -> memref<64x512xf32, #tpu.memory_space<hbm>>
    tpu.enqueue_dma source(%dma_start3A_19 : memref<64x512xf32, #tpu.memory_space<hbm>>) target(%dma_start3A_17 : memref<64x512xf32, #tpu.memory_space<vmem>>) target_semaphore(%arg14 : memref<!tpu.dma_semaphore, #tpu.memory_space<semaphore_mem>>)
    %add3A_20 = arith.constant 32 : i32
    %add3A_21 = arith.addi %add3A, %add3A_20 : i32
    %mul3A_22 = arith.constant 512 : i32
    %mul3A_23 = arith.muli %add3A_21, %mul3A_22 : i32
    %dma_start3A_24 = arith.constant 1 : i32
    %dma_start3A_25 = arith.constant 0 : i32
    %dma_start3A_26 = arith.constant 0 : i32
    %dma_start3A_27 = tpu.memref_slice %arg6[%dma_start3A_24, %dma_start3A_25, %dma_start3A_26] : memref<3x64x512xf32, #tpu.memory_space<vmem>> -> memref<1x64x512xf32, #tpu.memory_space<vmem>>
    %dma_start3A_28 = tpu.memref_squeeze %dma_start3A_27 : memref<1x64x512xf32, #tpu.memory_space<vmem>> -> memref<64x512xf32, #tpu.memory_space<vmem>>
    %dma_start3A_29 = arith.constant 0 : i32
    %dma_start3A_30 = tpu.memref_slice %arg2[%dma_start3A_29, %mul3A_23] : memref<64x1000001xf32, #tpu.memory_space<hbm>> -> memref<64x512xf32, #tpu.memory_space<hbm>>
    %dma_start3A_31 = arith.constant 0 : i32
    %dma_start3A_32 = arith.constant 0 : i32
    %dma_start3A_33 = tpu.memref_slice %arg6[%dma_start3A_24, %dma_start3A_31, %dma_start3A_32] : memref<3x64x512xf32, #tpu.memory_space<vmem>> -> memref<1x64x512xf32, #tpu.memory_space<vmem>>
    %dma_start3A_34 = tpu.memref_squeeze %dma_start3A_33 : memref<1x64x512xf32, #tpu.memory_space<vmem>> -> memref<64x512xf32, #tpu.memory_space<vmem>>
    %dma_start3A_35 = arith.constant 0 : i32
    %dma_start3A_36 = tpu.memref_slice %arg2[%dma_start3A_35, %mul3A_23] : memref<64x1000001xf32, #tpu.memory_space<hbm>> -> memref<64x512xf32, #tpu.memory_space<hbm>>
    tpu.enqueue_dma source(%dma_start3A_36 : memref<64x512xf32, #tpu.memory_space<hbm>>) target(%dma_start3A_34 : memref<64x512xf32, #tpu.memory_space<vmem>>) target_semaphore(%arg14 : memref<!tpu.dma_semaphore, #tpu.memory_space<semaphore_mem>>)
    "tpu.region"() ({
      %run_scoped3A = tpu.sem_alloc : memref<!tpu.dma_semaphore, #tpu.memory_space<semaphore_mem>>
      tpu.enqueue_dma source(%arg3 : memref<16384xi32, #tpu.memory_space<hbm>>) target(%arg5 : memref<16384xi32, #tpu.memory_space<vmem>>) target_semaphore(%run_scoped3A : memref<!tpu.dma_semaphore, #tpu.memory_space<semaphore_mem>>)
      tpu.wait_dma2 semaphore(%run_scoped3A : memref<!tpu.dma_semaphore, #tpu.memory_space<semaphore_mem>>) src(%arg3 : memref<16384xi32, #tpu.memory_space<hbm>>) dst(%arg5 : memref<16384xi32, #tpu.memory_space<vmem>>)
      tpu.yield
    }) : () -> ()
    %broadcast_in_dim3A = arith.constant 16384 : i32
    %broadcast_in_dim3A_37 = vector.broadcast %broadcast_in_dim3A : i32 to vector<16xi32>
    %swap3A = arith.constant 0 : index
    %swap3A_38 = tpu.vector_load %arg13[%swap3A] {strides = array<i32>} : memref<32xi32, #tpu.memory_space<vmem>>, vector<16xi32>,
    tpu.vector_store %arg13[%swap3A], %broadcast_in_dim3A_37 {strides = array<i32>} : memref<32xi32, #tpu.memory_space<vmem>>, vector<16xi32>,
    %broadcast_in_dim3A_39 = arith.constant 16384 : i32
    %broadcast_in_dim3A_40 = vector.broadcast %broadcast_in_dim3A_39 : i32 to vector<16xi32>
    %swap3A_41 = arith.constant 16 : index
    %swap3A_42 = tpu.vector_load %arg13[%swap3A_41] {strides = array<i32>} : memref<32xi32, #tpu.memory_space<vmem>>, vector<16xi32>,
    tpu.vector_store %arg13[%swap3A_41], %broadcast_in_dim3A_40 {strides = array<i32>} : memref<32xi32, #tpu.memory_space<vmem>>, vector<16xi32>,
    %broadcast_in_dim3A_43 = arith.constant 2147483647 : i32
    %broadcast_in_dim3A_44 = vector.broadcast %broadcast_in_dim3A_43 : i32 to vector<16xi32>
    %swap3A_45 = arith.constant 0 : index
    %swap3A_46 = tpu.vector_load %arg8[%swap3A_45] {strides = array<i32>} : memref<928xi32, #tpu.memory_space<vmem>>, vector<16xi32>,
    tpu.vector_store %arg8[%swap3A_45], %broadcast_in_dim3A_44 {strides = array<i32>} : memref<928xi32, #tpu.memory_space<vmem>>, vector<16xi32>,
    %broadcast_in_dim3A_47 = arith.constant 2147483647 : i32
    %broadcast_in_dim3A_48 = vector.broadcast %broadcast_in_dim3A_47 : i32 to vector<16xi32>
    %swap3A_49 = arith.constant 16 : index
    %swap3A_50 = tpu.vector_load %arg8[%swap3A_49] {strides = array<i32>} : memref<928xi32, #tpu.memory_space<vmem>>, vector<16xi32>,
    tpu.vector_store %arg8[%swap3A_49], %broadcast_in_dim3A_48 {strides = array<i32>} : memref<928xi32, #tpu.memory_space<vmem>>, vector<16xi32>,
    %broadcast_in_dim3A_51 = arith.constant 2147483647 : i32
    %broadcast_in_dim3A_52 = vector.broadcast %broadcast_in_dim3A_51 : i32 to vector<16xi32>
    %swap3A_53 = arith.constant 32 : index
    %swap3A_54 = tpu.vector_load %arg8[%swap3A_53] {strides = array<i32>} : memref<928xi32, #tpu.memory_space<vmem>>, vector<16xi32>,
    tpu.vector_store %arg8[%swap3A_53], %broadcast_in_dim3A_52 {strides = array<i32>} : memref<928xi32, #tpu.memory_space<vmem>>, vector<16xi32>,
    %broadcast_in_dim3A_55 = arith.constant 2147483647 : i32
    %broadcast_in_dim3A_56 = vector.broadcast %broadcast_in_dim3A_55 : i32 to vector<16xi32>
    %swap3A_57 = arith.constant 48 : index
    %swap3A_58 = tpu.vector_load %arg8[%swap3A_57] {strides = array<i32>} : memref<928xi32, #tpu.memory_space<vmem>>, vector<16xi32>,
    tpu.vector_store %arg8[%swap3A_57], %broadcast_in_dim3A_56 {strides = array<i32>} : memref<928xi32, #tpu.memory_space<vmem>>, vector<16xi32>,
    %broadcast_in_dim3A_59 = arith.constant 2147483647 : i32
    %broadcast_in_dim3A_60 = vector.broadcast %broadcast_in_dim3A_59 : i32 to vector<16xi32>
    %swap3A_61 = arith.constant 64 : index
    %swap3A_62 = tpu.vector_load %arg8[%swap3A_61] {strides = array<i32>} : memref<928xi32, #tpu.memory_space<vmem>>, vector<16xi32>,
    tpu.vector_store %arg8[%swap3A_61], %broadcast_in_dim3A_60 {strides = array<i32>} : memref<928xi32, #tpu.memory_space<vmem>>, vector<16xi32>,
    %broadcast_in_dim3A_63 = arith.constant 2147483647 : i32
    %broadcast_in_dim3A_64 = vector.broadcast %broadcast_in_dim3A_63 : i32 to vector<16xi32>
    %swap3A_65 = arith.constant 80 : index
    %swap3A_66 = tpu.vector_load %arg8[%swap3A_65] {strides = array<i32>} : memref<928xi32, #tpu.memory_space<vmem>>, vector<16xi32>,
    tpu.vector_store %arg8[%swap3A_65], %broadcast_in_dim3A_64 {strides = array<i32>} : memref<928xi32, #tpu.memory_space<vmem>>, vector<16xi32>,
    %broadcast_in_dim3A_67 = arith.constant 2147483647 : i32
    %broadcast_in_dim3A_68 = vector.broadcast %broadcast_in_dim3A_67 : i32 to vector<16xi32>
    %swap3A_69 = arith.constant 96 : index
    %swap3A_70 = tpu.vector_load %arg8[%swap3A_69] {strides = array<i32>} : memref<928xi32, #tpu.memory_space<vmem>>, vector<16xi32>,
    tpu.vector_store %arg8[%swap3A_69], %broadcast_in_dim3A_68 {strides = array<i32>} : memref<928xi32, #tpu.memory_space<vmem>>, vector<16xi32>,
    %broadcast_in_dim3A_71 = arith.constant 2147483647 : i32
    %broadcast_in_dim3A_72 = vector.broadcast %broadcast_in_dim3A_71 : i32 to vector<16xi32>
    %swap3A_73 = arith.constant 112 : index
    %swap3A_74 = tpu.vector_load %arg8[%swap3A_73] {strides = array<i32>} : memref<928xi32, #tpu.memory_space<vmem>>, vector<16xi32>,
    tpu.vector_store %arg8[%swap3A_73], %broadcast_in_dim3A_72 {strides = array<i32>} : memref<928xi32, #tpu.memory_space<vmem>>, vector<16xi32>,
    %broadcast_in_dim3A_75 = arith.constant 2147483647 : i32
    %broadcast_in_dim3A_76 = vector.broadcast %broadcast_in_dim3A_75 : i32 to vector<16xi32>
    %swap3A_77 = arith.constant 128 : index
    %swap3A_78 = tpu.vector_load %arg8[%swap3A_77] {strides = array<i32>} : memref<928xi32, #tpu.memory_space<vmem>>, vector<16xi32>,
    tpu.vector_store %arg8[%swap3A_77], %broadcast_in_dim3A_76 {strides = array<i32>} : memref<928xi32, #tpu.memory_space<vmem>>, vector<16xi32>,
    %broadcast_in_dim3A_79 = arith.constant 2147483647 : i32
    %broadcast_in_dim3A_80 = vector.broadcast %broadcast_in_dim3A_79 : i32 to vector<16xi32>
    %swap3A_81 = arith.constant 144 : index
    %swap3A_82 = tpu.vector_load %arg8[%swap3A_81] {strides = array<i32>} : memref<928xi32, #tpu.memory_space<vmem>>, vector<16xi32>,
    tpu.vector_store %arg8[%swap3A_81], %broadcast_in_dim3A_80 {strides = array<i32>} : memref<928xi32, #tpu.memory_space<vmem>>, vector<16xi32>,
    %broadcast_in_dim3A_83 = arith.constant 2147483647 : i32
    %broadcast_in_dim3A_84 = vector.broadcast %broadcast_in_dim3A_83 : i32 to vector<16xi32>
    %swap3A_85 = arith.constant 160 : index
    %swap3A_86 = tpu.vector_load %arg8[%swap3A_85] {strides = array<i32>} : memref<928xi32, #tpu.memory_space<vmem>>, vector<16xi32>,
    tpu.vector_store %arg8[%swap3A_85], %broadcast_in_dim3A_84 {strides = array<i32>} : memref<928xi32, #tpu.memory_space<vmem>>, vector<16xi32>,
    %broadcast_in_dim3A_87 = arith.constant 2147483647 : i32
    %broadcast_in_dim3A_88 = vector.broadcast %broadcast_in_dim3A_87 : i32 to vector<16xi32>
    %swap3A_89 = arith.constant 176 : index
    %swap3A_90 = tpu.vector_load %arg8[%swap3A_89] {strides = array<i32>} : memref<928xi32, #tpu.memory_space<vmem>>, vector<16xi32>,
    tpu.vector_store %arg8[%swap3A_89], %broadcast_in_dim3A_88 {strides = array<i32>} : memref<928xi32, #tpu.memory_space<vmem>>, vector<16xi32>,
    %broadcast_in_dim3A_91 = arith.constant 2147483647 : i32
    %broadcast_in_dim3A_92 = vector.broadcast %broadcast_in_dim3A_91 : i32 to vector<16xi32>
    %swap3A_93 = arith.constant 192 : index
    %swap3A_94 = tpu.vector_load %arg8[%swap3A_93] {strides = array<i32>} : memref<928xi32, #tpu.memory_space<vmem>>, vector<16xi32>,
    tpu.vector_store %arg8[%swap3A_93], %broadcast_in_dim3A_92 {strides = array<i32>} : memref<928xi32, #tpu.memory_space<vmem>>, vector<16xi32>,
    %broadcast_in_dim3A_95 = arith.constant 2147483647 : i32
    %broadcast_in_dim3A_96 = vector.broadcast %broadcast_in_dim3A_95 : i32 to vector<16xi32>
    %swap3A_97 = arith.constant 208 : index
    %swap3A_98 = tpu.vector_load %arg8[%swap3A_97] {strides = array<i32>} : memref<928xi32, #tpu.memory_space<vmem>>, vector<16xi32>,
    tpu.vector_store %arg8[%swap3A_97], %broadcast_in_dim3A_96 {strides = array<i32>} : memref<928xi32, #tpu.memory_space<vmem>>, vector<16xi32>,
    %broadcast_in_dim3A_99 = arith.constant 2147483647 : i32
    %broadcast_in_dim3A_100 = vector.broadcast %broadcast_in_dim3A_99 : i32 to vector<16xi32>
    %swap3A_101 = arith.constant 224 : index
    %swap3A_102 = tpu.vector_load %arg8[%swap3A_101] {strides = array<i32>} : memref<928xi32, #tpu.memory_space<vmem>>, vector<16xi32>,
    tpu.vector_store %arg8[%swap3A_101], %broadcast_in_dim3A_100 {strides = array<i32>} : memref<928xi32, #tpu.memory_space<vmem>>, vector<16xi32>,
    %broadcast_in_dim3A_103 = arith.constant 2147483647 : i32
    %broadcast_in_dim3A_104 = vector.broadcast %broadcast_in_dim3A_103 : i32 to vector<16xi32>
    %swap3A_105 = arith.constant 240 : index
    %swap3A_106 = tpu.vector_load %arg8[%swap3A_105] {strides = array<i32>} : memref<928xi32, #tpu.memory_space<vmem>>, vector<16xi32>,
    tpu.vector_store %arg8[%swap3A_105], %broadcast_in_dim3A_104 {strides = array<i32>} : memref<928xi32, #tpu.memory_space<vmem>>, vector<16xi32>,
    %broadcast_in_dim3A_107 = arith.constant 2147483647 : i32
    %broadcast_in_dim3A_108 = vector.broadcast %broadcast_in_dim3A_107 : i32 to vector<16xi32>
    %swap3A_109 = arith.constant 256 : index
    %swap3A_110 = tpu.vector_load %arg8[%swap3A_109] {strides = array<i32>} : memref<928xi32, #tpu.memory_space<vmem>>, vector<16xi32>,
    tpu.vector_store %arg8[%swap3A_109], %broadcast_in_dim3A_108 {strides = array<i32>} : memref<928xi32, #tpu.memory_space<vmem>>, vector<16xi32>,
    %broadcast_in_dim3A_111 = arith.constant 2147483647 : i32
    %broadcast_in_dim3A_112 = vector.broadcast %broadcast_in_dim3A_111 : i32 to vector<16xi32>
    %swap3A_113 = arith.constant 272 : index
    %swap3A_114 = tpu.vector_load %arg8[%swap3A_113] {strides = array<i32>} : memref<928xi32, #tpu.memory_space<vmem>>, vector<16xi32>,
    tpu.vector_store %arg8[%swap3A_113], %broadcast_in_dim3A_112 {strides = array<i32>} : memref<928xi32, #tpu.memory_space<vmem>>, vector<16xi32>,
    %broadcast_in_dim3A_115 = arith.constant 2147483647 : i32
    %broadcast_in_dim3A_116 = vector.broadcast %broadcast_in_dim3A_115 : i32 to vector<16xi32>
    %swap3A_117 = arith.constant 288 : index
    %swap3A_118 = tpu.vector_load %arg8[%swap3A_117] {strides = array<i32>} : memref<928xi32, #tpu.memory_space<vmem>>, vector<16xi32>,
    tpu.vector_store %arg8[%swap3A_117], %broadcast_in_dim3A_116 {strides = array<i32>} : memref<928xi32, #tpu.memory_space<vmem>>, vector<16xi32>,
    %broadcast_in_dim3A_119 = arith.constant 2147483647 : i32
    %broadcast_in_dim3A_120 = vector.broadcast %broadcast_in_dim3A_119 : i32 to vector<16xi32>
    %swap3A_121 = arith.constant 304 : index
    %swap3A_122 = tpu.vector_load %arg8[%swap3A_121] {strides = array<i32>} : memref<928xi32, #tpu.memory_space<vmem>>, vector<16xi32>,
    tpu.vector_store %arg8[%swap3A_121], %broadcast_in_dim3A_120 {strides = array<i32>} : memref<928xi32, #tpu.memory_space<vmem>>, vector<16xi32>,
    %broadcast_in_dim3A_123 = arith.constant 2147483647 : i32
    %broadcast_in_dim3A_124 = vector.broadcast %broadcast_in_dim3A_123 : i32 to vector<16xi32>
    %swap3A_125 = arith.constant 320 : index
    %swap3A_126 = tpu.vector_load %arg8[%swap3A_125] {strides = array<i32>} : memref<928xi32, #tpu.memory_space<vmem>>, vector<16xi32>,
    tpu.vector_store %arg8[%swap3A_125], %broadcast_in_dim3A_124 {strides = array<i32>} : memref<928xi32, #tpu.memory_space<vmem>>, vector<16xi32>,
    %broadcast_in_dim3A_127 = arith.constant 2147483647 : i32
    %broadcast_in_dim3A_128 = vector.broadcast %broadcast_in_dim3A_127 : i32 to vector<16xi32>
    %swap3A_129 = arith.constant 336 : index
    %swap3A_130 = tpu.vector_load %arg8[%swap3A_129] {strides = array<i32>} : memref<928xi32, #tpu.memory_space<vmem>>, vector<16xi32>,
    tpu.vector_store %arg8[%swap3A_129], %broadcast_in_dim3A_128 {strides = array<i32>} : memref<928xi32, #tpu.memory_space<vmem>>, vector<16xi32>,
    %broadcast_in_dim3A_131 = arith.constant 2147483647 : i32
    %broadcast_in_dim3A_132 = vector.broadcast %broadcast_in_dim3A_131 : i32 to vector<16xi32>
    %swap3A_133 = arith.constant 352 : index
    %swap3A_134 = tpu.vector_load %arg8[%swap3A_133] {strides = array<i32>} : memref<928xi32, #tpu.memory_space<vmem>>, vector<16xi32>,
    tpu.vector_store %arg8[%swap3A_133], %broadcast_in_dim3A_132 {strides = array<i32>} : memref<928xi32, #tpu.memory_space<vmem>>, vector<16xi32>,
    %broadcast_in_dim3A_135 = arith.constant 2147483647 : i32
    %broadcast_in_dim3A_136 = vector.broadcast %broadcast_in_dim3A_135 : i32 to vector<16xi32>
    %swap3A_137 = arith.constant 368 : index
    %swap3A_138 = tpu.vector_load %arg8[%swap3A_137] {strides = array<i32>} : memref<928xi32, #tpu.memory_space<vmem>>, vector<16xi32>,
    tpu.vector_store %arg8[%swap3A_137], %broadcast_in_dim3A_136 {strides = array<i32>} : memref<928xi32, #tpu.memory_space<vmem>>, vector<16xi32>,
    %broadcast_in_dim3A_139 = arith.constant 2147483647 : i32
    %broadcast_in_dim3A_140 = vector.broadcast %broadcast_in_dim3A_139 : i32 to vector<16xi32>
    %swap3A_141 = arith.constant 384 : index
    %swap3A_142 = tpu.vector_load %arg8[%swap3A_141] {strides = array<i32>} : memref<928xi32, #tpu.memory_space<vmem>>, vector<16xi32>,
    tpu.vector_store %arg8[%swap3A_141], %broadcast_in_dim3A_140 {strides = array<i32>} : memref<928xi32, #tpu.memory_space<vmem>>, vector<16xi32>,
    %broadcast_in_dim3A_143 = arith.constant 2147483647 : i32
    %broadcast_in_dim3A_144 = vector.broadcast %broadcast_in_dim3A_143 : i32 to vector<16xi32>
    %swap3A_145 = arith.constant 400 : index
    %swap3A_146 = tpu.vector_load %arg8[%swap3A_145] {strides = array<i32>} : memref<928xi32, #tpu.memory_space<vmem>>, vector<16xi32>,
    tpu.vector_store %arg8[%swap3A_145], %broadcast_in_dim3A_144 {strides = array<i32>} : memref<928xi32, #tpu.memory_space<vmem>>, vector<16xi32>,
    %broadcast_in_dim3A_147 = arith.constant 2147483647 : i32
    %broadcast_in_dim3A_148 = vector.broadcast %broadcast_in_dim3A_147 : i32 to vector<16xi32>
    %swap3A_149 = arith.constant 416 : index
    %swap3A_150 = tpu.vector_load %arg8[%swap3A_149] {strides = array<i32>} : memref<928xi32, #tpu.memory_space<vmem>>, vector<16xi32>,
    tpu.vector_store %arg8[%swap3A_149], %broadcast_in_dim3A_148 {strides = array<i32>} : memref<928xi32, #tpu.memory_space<vmem>>, vector<16xi32>,
    %broadcast_in_dim3A_151 = arith.constant 2147483647 : i32
    %broadcast_in_dim3A_152 = vector.broadcast %broadcast_in_dim3A_151 : i32 to vector<16xi32>
    %swap3A_153 = arith.constant 432 : index
    %swap3A_154 = tpu.vector_load %arg8[%swap3A_153] {strides = array<i32>} : memref<928xi32, #tpu.memory_space<vmem>>, vector<16xi32>,
    tpu.vector_store %arg8[%swap3A_153], %broadcast_in_dim3A_152 {strides = array<i32>} : memref<928xi32, #tpu.memory_space<vmem>>, vector<16xi32>,
    %broadcast_in_dim3A_155 = arith.constant 2147483647 : i32
    %broadcast_in_dim3A_156 = vector.broadcast %broadcast_in_dim3A_155 : i32 to vector<16xi32>
    %swap3A_157 = arith.constant 448 : index
    %swap3A_158 = tpu.vector_load %arg8[%swap3A_157] {strides = array<i32>} : memref<928xi32, #tpu.memory_space<vmem>>, vector<16xi32>,
    tpu.vector_store %arg8[%swap3A_157], %broadcast_in_dim3A_156 {strides = array<i32>} : memref<928xi32, #tpu.memory_space<vmem>>, vector<16xi32>,
    %broadcast_in_dim3A_159 = arith.constant 2147483647 : i32
    %broadcast_in_dim3A_160 = vector.broadcast %broadcast_in_dim3A_159 : i32 to vector<16xi32>
    %swap3A_161 = arith.constant 464 : index
    %swap3A_162 = tpu.vector_load %arg8[%swap3A_161] {strides = array<i32>} : memref<928xi32, #tpu.memory_space<vmem>>, vector<16xi32>,
    tpu.vector_store %arg8[%swap3A_161], %broadcast_in_dim3A_160 {strides = array<i32>} : memref<928xi32, #tpu.memory_space<vmem>>, vector<16xi32>,
    %broadcast_in_dim3A_163 = arith.constant 2147483647 : i32
    %broadcast_in_dim3A_164 = vector.broadcast %broadcast_in_dim3A_163 : i32 to vector<16xi32>
    %swap3A_165 = arith.constant 480 : index
    %swap3A_166 = tpu.vector_load %arg8[%swap3A_165] {strides = array<i32>} : memref<928xi32, #tpu.memory_space<vmem>>, vector<16xi32>,
    tpu.vector_store %arg8[%swap3A_165], %broadcast_in_dim3A_164 {strides = array<i32>} : memref<928xi32, #tpu.memory_space<vmem>>, vector<16xi32>,
    %broadcast_in_dim3A_167 = arith.constant 2147483647 : i32
    %broadcast_in_dim3A_168 = vector.broadcast %broadcast_in_dim3A_167 : i32 to vector<16xi32>
    %swap3A_169 = arith.constant 496 : index
    %swap3A_170 = tpu.vector_load %arg8[%swap3A_169] {strides = array<i32>} : memref<928xi32, #tpu.memory_space<vmem>>, vector<16xi32>,
    tpu.vector_store %arg8[%swap3A_169], %broadcast_in_dim3A_168 {strides = array<i32>} : memref<928xi32, #tpu.memory_space<vmem>>, vector<16xi32>,
    %broadcast_in_dim3A_171 = arith.constant 2147483647 : i32
    %broadcast_in_dim3A_172 = vector.broadcast %broadcast_in_dim3A_171 : i32 to vector<16xi32>
    %swap3A_173 = arith.constant 512 : index
    %swap3A_174 = tpu.vector_load %arg8[%swap3A_173] {strides = array<i32>} : memref<928xi32, #tpu.memory_space<vmem>>, vector<16xi32>,
    tpu.vector_store %arg8[%swap3A_173], %broadcast_in_dim3A_172 {strides = array<i32>} : memref<928xi32, #tpu.memory_space<vmem>>, vector<16xi32>,
    %broadcast_in_dim3A_175 = arith.constant 2147483647 : i32
    %broadcast_in_dim3A_176 = vector.broadcast %broadcast_in_dim3A_175 : i32 to vector<16xi32>
    %swap3A_177 = arith.constant 528 : index
    %swap3A_178 = tpu.vector_load %arg8[%swap3A_177] {strides = array<i32>} : memref<928xi32, #tpu.memory_space<vmem>>, vector<16xi32>,
    tpu.vector_store %arg8[%swap3A_177], %broadcast_in_dim3A_176 {strides = array<i32>} : memref<928xi32, #tpu.memory_space<vmem>>, vector<16xi32>,
    %broadcast_in_dim3A_179 = arith.constant 2147483647 : i32
    %broadcast_in_dim3A_180 = vector.broadcast %broadcast_in_dim3A_179 : i32 to vector<16xi32>
    %swap3A_181 = arith.constant 544 : index
    %swap3A_182 = tpu.vector_load %arg8[%swap3A_181] {strides = array<i32>} : memref<928xi32, #tpu.memory_space<vmem>>, vector<16xi32>,
    tpu.vector_store %arg8[%swap3A_181], %broadcast_in_dim3A_180 {strides = array<i32>} : memref<928xi32, #tpu.memory_space<vmem>>, vector<16xi32>,
    %broadcast_in_dim3A_183 = arith.constant 2147483647 : i32
    %broadcast_in_dim3A_184 = vector.broadcast %broadcast_in_dim3A_183 : i32 to vector<16xi32>
    %swap3A_185 = arith.constant 560 : index
    %swap3A_186 = tpu.vector_load %arg8[%swap3A_185] {strides = array<i32>} : memref<928xi32, #tpu.memory_space<vmem>>, vector<16xi32>,
    tpu.vector_store %arg8[%swap3A_185], %broadcast_in_dim3A_184 {strides = array<i32>} : memref<928xi32, #tpu.memory_space<vmem>>, vector<16xi32>,
    %broadcast_in_dim3A_187 = arith.constant 2147483647 : i32
    %broadcast_in_dim3A_188 = vector.broadcast %broadcast_in_dim3A_187 : i32 to vector<16xi32>
    %swap3A_189 = arith.constant 576 : index
    %swap3A_190 = tpu.vector_load %arg8[%swap3A_189] {strides = array<i32>} : memref<928xi32, #tpu.memory_space<vmem>>, vector<16xi32>,
    tpu.vector_store %arg8[%swap3A_189], %broadcast_in_dim3A_188 {strides = array<i32>} : memref<928xi32, #tpu.memory_space<vmem>>, vector<16xi32>,
    %broadcast_in_dim3A_191 = arith.constant 2147483647 : i32
    %broadcast_in_dim3A_192 = vector.broadcast %broadcast_in_dim3A_191 : i32 to vector<16xi32>
    %swap3A_193 = arith.constant 592 : index
    %swap3A_194 = tpu.vector_load %arg8[%swap3A_193] {strides = array<i32>} : memref<928xi32, #tpu.memory_space<vmem>>, vector<16xi32>,
    tpu.vector_store %arg8[%swap3A_193], %broadcast_in_dim3A_192 {strides = array<i32>} : memref<928xi32, #tpu.memory_space<vmem>>, vector<16xi32>,
    %broadcast_in_dim3A_195 = arith.constant 2147483647 : i32
    %broadcast_in_dim3A_196 = vector.broadcast %broadcast_in_dim3A_195 : i32 to vector<16xi32>
    %swap3A_197 = arith.constant 608 : index
    %swap3A_198 = tpu.vector_load %arg8[%swap3A_197] {strides = array<i32>} : memref<928xi32, #tpu.memory_space<vmem>>, vector<16xi32>,
    tpu.vector_store %arg8[%swap3A_197], %broadcast_in_dim3A_196 {strides = array<i32>} : memref<928xi32, #tpu.memory_space<vmem>>, vector<16xi32>,
    %broadcast_in_dim3A_199 = arith.constant 2147483647 : i32
    %broadcast_in_dim3A_200 = vector.broadcast %broadcast_in_dim3A_199 : i32 to vector<16xi32>
    %swap3A_201 = arith.constant 624 : index
    %swap3A_202 = tpu.vector_load %arg8[%swap3A_201] {strides = array<i32>} : memref<928xi32, #tpu.memory_space<vmem>>, vector<16xi32>,
    tpu.vector_store %arg8[%swap3A_201], %broadcast_in_dim3A_200 {strides = array<i32>} : memref<928xi32, #tpu.memory_space<vmem>>, vector<16xi32>,
    %broadcast_in_dim3A_203 = arith.constant 2147483647 : i32
    %broadcast_in_dim3A_204 = vector.broadcast %broadcast_in_dim3A_203 : i32 to vector<16xi32>
    %swap3A_205 = arith.constant 640 : index
    %swap3A_206 = tpu.vector_load %arg8[%swap3A_205] {strides = array<i32>} : memref<928xi32, #tpu.memory_space<vmem>>, vector<16xi32>,
    tpu.vector_store %arg8[%swap3A_205], %broadcast_in_dim3A_204 {strides = array<i32>} : memref<928xi32, #tpu.memory_space<vmem>>, vector<16xi32>,
    %broadcast_in_dim3A_207 = arith.constant 2147483647 : i32
    %broadcast_in_dim3A_208 = vector.broadcast %broadcast_in_dim3A_207 : i32 to vector<16xi32>
    %swap3A_209 = arith.constant 656 : index
    %swap3A_210 = tpu.vector_load %arg8[%swap3A_209] {strides = array<i32>} : memref<928xi32, #tpu.memory_space<vmem>>, vector<16xi32>,
    tpu.vector_store %arg8[%swap3A_209], %broadcast_in_dim3A_208 {strides = array<i32>} : memref<928xi32, #tpu.memory_space<vmem>>, vector<16xi32>,
    %broadcast_in_dim3A_211 = arith.constant 2147483647 : i32
    %broadcast_in_dim3A_212 = vector.broadcast %broadcast_in_dim3A_211 : i32 to vector<16xi32>
    %swap3A_213 = arith.constant 672 : index
    %swap3A_214 = tpu.vector_load %arg8[%swap3A_213] {strides = array<i32>} : memref<928xi32, #tpu.memory_space<vmem>>, vector<16xi32>,
    tpu.vector_store %arg8[%swap3A_213], %broadcast_in_dim3A_212 {strides = array<i32>} : memref<928xi32, #tpu.memory_space<vmem>>, vector<16xi32>,
    %broadcast_in_dim3A_215 = arith.constant 2147483647 : i32
    %broadcast_in_dim3A_216 = vector.broadcast %broadcast_in_dim3A_215 : i32 to vector<16xi32>
    %swap3A_217 = arith.constant 688 : index
    %swap3A_218 = tpu.vector_load %arg8[%swap3A_217] {strides = array<i32>} : memref<928xi32, #tpu.memory_space<vmem>>, vector<16xi32>,
    tpu.vector_store %arg8[%swap3A_217], %broadcast_in_dim3A_216 {strides = array<i32>} : memref<928xi32, #tpu.memory_space<vmem>>, vector<16xi32>,
    %broadcast_in_dim3A_219 = arith.constant 2147483647 : i32
    %broadcast_in_dim3A_220 = vector.broadcast %broadcast_in_dim3A_219 : i32 to vector<16xi32>
    %swap3A_221 = arith.constant 704 : index
    %swap3A_222 = tpu.vector_load %arg8[%swap3A_221] {strides = array<i32>} : memref<928xi32, #tpu.memory_space<vmem>>, vector<16xi32>,
    tpu.vector_store %arg8[%swap3A_221], %broadcast_in_dim3A_220 {strides = array<i32>} : memref<928xi32, #tpu.memory_space<vmem>>, vector<16xi32>,
    %broadcast_in_dim3A_223 = arith.constant 2147483647 : i32
    %broadcast_in_dim3A_224 = vector.broadcast %broadcast_in_dim3A_223 : i32 to vector<16xi32>
    %swap3A_225 = arith.constant 720 : index
    %swap3A_226 = tpu.vector_load %arg8[%swap3A_225] {strides = array<i32>} : memref<928xi32, #tpu.memory_space<vmem>>, vector<16xi32>,
    tpu.vector_store %arg8[%swap3A_225], %broadcast_in_dim3A_224 {strides = array<i32>} : memref<928xi32, #tpu.memory_space<vmem>>, vector<16xi32>,
    %broadcast_in_dim3A_227 = arith.constant 2147483647 : i32
    %broadcast_in_dim3A_228 = vector.broadcast %broadcast_in_dim3A_227 : i32 to vector<16xi32>
    %swap3A_229 = arith.constant 736 : index
    %swap3A_230 = tpu.vector_load %arg8[%swap3A_229] {strides = array<i32>} : memref<928xi32, #tpu.memory_space<vmem>>, vector<16xi32>,
    tpu.vector_store %arg8[%swap3A_229], %broadcast_in_dim3A_228 {strides = array<i32>} : memref<928xi32, #tpu.memory_space<vmem>>, vector<16xi32>,
    %broadcast_in_dim3A_231 = arith.constant 2147483647 : i32
    %broadcast_in_dim3A_232 = vector.broadcast %broadcast_in_dim3A_231 : i32 to vector<16xi32>
    %swap3A_233 = arith.constant 752 : index
    %swap3A_234 = tpu.vector_load %arg8[%swap3A_233] {strides = array<i32>} : memref<928xi32, #tpu.memory_space<vmem>>, vector<16xi32>,
    tpu.vector_store %arg8[%swap3A_233], %broadcast_in_dim3A_232 {strides = array<i32>} : memref<928xi32, #tpu.memory_space<vmem>>, vector<16xi32>,
    %broadcast_in_dim3A_235 = arith.constant 2147483647 : i32
    %broadcast_in_dim3A_236 = vector.broadcast %broadcast_in_dim3A_235 : i32 to vector<16xi32>
    %swap3A_237 = arith.constant 768 : index
    %swap3A_238 = tpu.vector_load %arg8[%swap3A_237] {strides = array<i32>} : memref<928xi32, #tpu.memory_space<vmem>>, vector<16xi32>,
    tpu.vector_store %arg8[%swap3A_237], %broadcast_in_dim3A_236 {strides = array<i32>} : memref<928xi32, #tpu.memory_space<vmem>>, vector<16xi32>,
    %broadcast_in_dim3A_239 = arith.constant 2147483647 : i32
    %broadcast_in_dim3A_240 = vector.broadcast %broadcast_in_dim3A_239 : i32 to vector<16xi32>
    %swap3A_241 = arith.constant 784 : index
    %swap3A_242 = tpu.vector_load %arg8[%swap3A_241] {strides = array<i32>} : memref<928xi32, #tpu.memory_space<vmem>>, vector<16xi32>,
    tpu.vector_store %arg8[%swap3A_241], %broadcast_in_dim3A_240 {strides = array<i32>} : memref<928xi32, #tpu.memory_space<vmem>>, vector<16xi32>,
    %broadcast_in_dim3A_243 = arith.constant 2147483647 : i32
    %broadcast_in_dim3A_244 = vector.broadcast %broadcast_in_dim3A_243 : i32 to vector<16xi32>
    %swap3A_245 = arith.constant 800 : index
    %swap3A_246 = tpu.vector_load %arg8[%swap3A_245] {strides = array<i32>} : memref<928xi32, #tpu.memory_space<vmem>>, vector<16xi32>,
    tpu.vector_store %arg8[%swap3A_245], %broadcast_in_dim3A_244 {strides = array<i32>} : memref<928xi32, #tpu.memory_space<vmem>>, vector<16xi32>,
    %broadcast_in_dim3A_247 = arith.constant 2147483647 : i32
    %broadcast_in_dim3A_248 = vector.broadcast %broadcast_in_dim3A_247 : i32 to vector<16xi32>
    %swap3A_249 = arith.constant 816 : index
    %swap3A_250 = tpu.vector_load %arg8[%swap3A_249] {strides = array<i32>} : memref<928xi32, #tpu.memory_space<vmem>>, vector<16xi32>,
    tpu.vector_store %arg8[%swap3A_249], %broadcast_in_dim3A_248 {strides = array<i32>} : memref<928xi32, #tpu.memory_space<vmem>>, vector<16xi32>,
    %broadcast_in_dim3A_251 = arith.constant 2147483647 : i32
    %broadcast_in_dim3A_252 = vector.broadcast %broadcast_in_dim3A_251 : i32 to vector<16xi32>
    %swap3A_253 = arith.constant 832 : index
    %swap3A_254 = tpu.vector_load %arg8[%swap3A_253] {strides = array<i32>} : memref<928xi32, #tpu.memory_space<vmem>>, vector<16xi32>,
    tpu.vector_store %arg8[%swap3A_253], %broadcast_in_dim3A_252 {strides = array<i32>} : memref<928xi32, #tpu.memory_space<vmem>>, vector<16xi32>,
    %broadcast_in_dim3A_255 = arith.constant 2147483647 : i32
    %broadcast_in_dim3A_256 = vector.broadcast %broadcast_in_dim3A_255 : i32 to vector<16xi32>
    %swap3A_257 = arith.constant 848 : index
    %swap3A_258 = tpu.vector_load %arg8[%swap3A_257] {strides = array<i32>} : memref<928xi32, #tpu.memory_space<vmem>>, vector<16xi32>,
    tpu.vector_store %arg8[%swap3A_257], %broadcast_in_dim3A_256 {strides = array<i32>} : memref<928xi32, #tpu.memory_space<vmem>>, vector<16xi32>,
    %broadcast_in_dim3A_259 = arith.constant 2147483647 : i32
    %broadcast_in_dim3A_260 = vector.broadcast %broadcast_in_dim3A_259 : i32 to vector<16xi32>
    %swap3A_261 = arith.constant 864 : index
    %swap3A_262 = tpu.vector_load %arg8[%swap3A_261] {strides = array<i32>} : memref<928xi32, #tpu.memory_space<vmem>>, vector<16xi32>,
    tpu.vector_store %arg8[%swap3A_261], %broadcast_in_dim3A_260 {strides = array<i32>} : memref<928xi32, #tpu.memory_space<vmem>>, vector<16xi32>,
    %broadcast_in_dim3A_263 = arith.constant 2147483647 : i32
    %broadcast_in_dim3A_264 = vector.broadcast %broadcast_in_dim3A_263 : i32 to vector<16xi32>
    %swap3A_265 = arith.constant 880 : index
    %swap3A_266 = tpu.vector_load %arg8[%swap3A_265] {strides = array<i32>} : memref<928xi32, #tpu.memory_space<vmem>>, vector<16xi32>,
    tpu.vector_store %arg8[%swap3A_265], %broadcast_in_dim3A_264 {strides = array<i32>} : memref<928xi32, #tpu.memory_space<vmem>>, vector<16xi32>,
    %broadcast_in_dim3A_267 = arith.constant 2147483647 : i32
    %broadcast_in_dim3A_268 = vector.broadcast %broadcast_in_dim3A_267 : i32 to vector<16xi32>
    %swap3A_269 = arith.constant 896 : index
    %swap3A_270 = tpu.vector_load %arg8[%swap3A_269] {strides = array<i32>} : memref<928xi32, #tpu.memory_space<vmem>>, vector<16xi32>,
    tpu.vector_store %arg8[%swap3A_269], %broadcast_in_dim3A_268 {strides = array<i32>} : memref<928xi32, #tpu.memory_space<vmem>>, vector<16xi32>,
    %broadcast_in_dim3A_271 = arith.constant 2147483647 : i32
    %broadcast_in_dim3A_272 = vector.broadcast %broadcast_in_dim3A_271 : i32 to vector<16xi32>
    %swap3A_273 = arith.constant 912 : index
    %swap3A_274 = tpu.vector_load %arg8[%swap3A_273] {strides = array<i32>} : memref<928xi32, #tpu.memory_space<vmem>>, vector<16xi32>,
    tpu.vector_store %arg8[%swap3A_273], %broadcast_in_dim3A_272 {strides = array<i32>} : memref<928xi32, #tpu.memory_space<vmem>>, vector<16xi32>,
    %scan3A = arith.constant 0 : i32
    %scan3A_275 = arith.constant 0 : i32
    %scan3A_276 = arith.constant 1024 : i32
    %scan3A_277 = arith.addi %scan3A_275, %scan3A_276 : i32
    %scan3A_278 = arith.constant 1 : i32
    %scan3A_279 = scf.for %scan3A_338 = %scan3A_275 to %scan3A_277 step %scan3A_278 iter_args(%scan3A_339 = %scan3A) -> (i32)  : i32 {
      %mul3A_340 = arith.constant 16 : i32
      %mul3A_341 = arith.muli %scan3A_338, %mul3A_340 : i32
      %get3A = arith.index_cast %mul3A_341 : i32 to index
      %get3A_342 = tpu.vector_load %arg5[%get3A] {strides = array<i32>} : memref<16384xi32, #tpu.memory_space<vmem>>, vector<16xi32>,
      %shift_right_arithmetic3A = arith.constant 9 : i32
      %shift_right_arithmetic3A_343 = vector.broadcast %shift_right_arithmetic3A : i32 to vector<16xi32>
      %shift_right_arithmetic3A_344 = arith.shrsi %get3A_342, %shift_right_arithmetic3A_343 : vector<16xi32>
      %and3A_345 = arith.constant 31 : i32
      %and3A_346 = vector.broadcast %and3A_345 : i32 to vector<16xi32>
      %and3A_347 = arith.andi %shift_right_arithmetic3A_344, %and3A_346 : vector<16xi32>
      %eq3A_348 = vector.broadcast %add3A : i32 to vector<16xi32>
      %eq3A_349 = arith.cmpi eq, %and3A_347, %eq3A_348 : vector<16xi32>
      %convert_element_type3A_350 = arith.extui %eq3A_349 : vector<16xi1> to vector<16xi32>
      %sub3A_351 = arith.constant 1 : i32
      %sub3A_352 = arith.subi %scan3A_339, %sub3A_351 : i32
      %cumsum3A = arith.constant true
      %cumsum3A_353 = vector.broadcast %cumsum3A : i1 to vector<16xi1>
      %cumsum3A_354 = tpu.scan <sum>, %convert_element_type3A_350 masked %cumsum3A_353 : vector<16xi32>, vector<16xi1> -> vector<16xi32>
      %add3A_355 = vector.broadcast %sub3A_352 : i32 to vector<16xi32>
      %add3A_356 = arith.addi %add3A_355, %cumsum3A_354 : vector<16xi32>
      %jit3A_357 = arith.constant 912 : i32
      %broadcast_in_dim3A_358 = vector.broadcast %jit3A_357 : i32 to vector<16xi32>
      %select_n3A_359 = arith.select %eq3A_349, %add3A_356, %broadcast_in_dim3A_358 : vector<16xi1>, vector<16xi32>
      tpu.vector_store_idx %arg8[%select_n3A_359], %get3A_342 : memref<928xi32, #tpu.memory_space<vmem>>[vector<16xi32>], vector<16xi32>,
      %iota3A = tpu.iota {dimensions = array<i32: 0>} : vector<16xi32>
      %mul3A_360 = arith.constant 16 : i32
      %mul3A_361 = arith.muli %scan3A_338, %mul3A_360 : i32
      %add3A_362 = vector.broadcast %mul3A_361 : i32 to vector<16xi32>
      %add3A_363 = arith.addi %iota3A, %add3A_362 : vector<16xi32>
      tpu.vector_store_idx %arg9[%select_n3A_359], %add3A_363 : memref<928xi32, #tpu.memory_space<vmem>>[vector<16xi32>], vector<16xi32>,
      %reduce_sum3A = arith.constant true
      %reduce_sum3A_364 = vector.broadcast %reduce_sum3A : i1 to vector<16xi1>
      %reduce_sum3A_365 = tpu.scan <sum>, %convert_element_type3A_350 masked %reduce_sum3A_364 : vector<16xi32>, vector<16xi1> -> vector<16xi32>
      %reduce_sum3A_366 = vector.extract %reduce_sum3A_365[15] : i32 from vector<16xi32>
      %add3A_367 = arith.addi %scan3A_339, %reduce_sum3A_366 : i32
      %min3A = arith.constant 896 : i32
      %min3A_368 = arith.minsi %add3A_367, %min3A : i32
      scf.yield %min3A_368 : i32
    }
    %scan3A_280 = arith.constant 1024 : i32
    %while3A = arith.constant 0 : i32
    %while3A_281 = arith.constant 0 : i32
    %while3A_282 = arith.subi %add3A_3, %while3A : i32
    %while3A_283 = arith.addi %while3A, %while3A_282 : i32
    %while3A_284 = arith.constant 1 : i32
    %while3A_285 = arith.divsi %while3A_282, %while3A_284 : i32
    %while3A_286 = arith.muli %while3A_285, %while3A_284 : i32
    %while3A_287 = arith.addi %while3A, %while3A_286 : i32
    %while3A_288 = arith.constant 1 : i32
    %while3A_289 = scf.for %while3A_338 = %while3A to %while3A_287 step %while3A_288 iter_args(%while3A_339 = %while3A_281) -> (i32)  : i32 {
      %mul3A_340 = arith.constant 32 : i32
      %mul3A_341 = arith.muli %mul3A_340, %while3A_338 : i32
      %add3A_342 = arith.addi %add3A, %mul3A_341 : i32
      %mul3A_343 = arith.constant 512 : i32
      %mul3A_344 = arith.muli %add3A_342, %mul3A_343 : i32
      %add3A_345 = arith.constant 16 : i32
      %add3A_346 = arith.addi %scan3A_279, %add3A_345 : i32
      %sub3A_347 = arith.constant 1 : i32
      %sub3A_348 = arith.subi %add3A_346, %sub3A_347 : i32
      %jit3A_349 = arith.constant 16 : i32
      %div3A_350 = arith.divsi %sub3A_348, %jit3A_349 : i32
      %sign3A_351 = arith.constant 0 : i32
      %sign3A_352 = arith.cmpi sgt, %sub3A_348, %sign3A_351 : i32
      %sign3A_353 = arith.extui %sign3A_352 : i1 to i32
      %sign3A_354 = arith.constant 0 : i32
      %sign3A_355 = arith.cmpi slt, %sub3A_348, %sign3A_354 : i32
      %sign3A_356 = arith.extui %sign3A_355 : i1 to i32
      %sign3A_357 = arith.subi %sign3A_353, %sign3A_356 : i32
      %sign3A_358 = arith.constant 0 : i32
      %sign3A_359 = arith.cmpi sgt, %jit3A_349, %sign3A_358 : i32
      %sign3A_360 = arith.extui %sign3A_359 : i1 to i32
      %sign3A_361 = arith.constant 0 : i32
      %sign3A_362 = arith.cmpi slt, %jit3A_349, %sign3A_361 : i32
      %sign3A_363 = arith.extui %sign3A_362 : i1 to i32
      %sign3A_364 = arith.subi %sign3A_360, %sign3A_363 : i32
      %ne3A_365 = arith.cmpi ne, %sign3A_357, %sign3A_364 : i32
      %rem3A_366 = arith.remsi %sub3A_348, %jit3A_349 : i32
      %ne3A_367 = arith.constant 0 : i32
      %ne3A_368 = arith.cmpi ne, %rem3A_366, %ne3A_367 : i32
      %and3A_369 = arith.andi %ne3A_365, %ne3A_368 : i1
      %sub3A_370 = arith.constant 1 : i32
      %sub3A_371 = arith.subi %div3A_350, %sub3A_370 : i32
      %select_n3A_372 = arith.select %and3A_369, %sub3A_371, %div3A_350 : i32
      %while3A_373 = arith.constant 0 : i32
      %while3A_374 = arith.constant 0 : i32
      %while3A_375 = arith.subi %select_n3A_372, %while3A_373 : i32
      %while3A_376 = arith.addi %while3A_373, %while3A_375 : i32
      %while3A_377 = arith.constant 1 : i32
      %while3A_378 = arith.divsi %while3A_375, %while3A_377 : i32
      %while3A_379 = arith.muli %while3A_378, %while3A_377 : i32
      %while3A_380 = arith.addi %while3A_373, %while3A_379 : i32
      %while3A_381 = arith.constant 1 : i32
      %while3A_382 = scf.for %while3A_448 = %while3A_373 to %while3A_380 step %while3A_381 iter_args(%while3A_449 = %while3A_374) -> (i32)  : i32 {
        %mul3A_450 = arith.constant 16 : i32
        %mul3A_451 = arith.muli %while3A_448, %mul3A_450 : i32
        %get3A = arith.index_cast %mul3A_451 : i32 to index
        %get3A_452 = tpu.vector_load %arg8[%get3A] {strides = array<i32>} : memref<928xi32, #tpu.memory_space<vmem>>, vector<16xi32>,
        %mul3A_453 = arith.constant 16 : i32
        %mul3A_454 = arith.muli %while3A_448, %mul3A_453 : i32
        %get3A_455 = arith.index_cast %mul3A_454 : i32 to index
        %get3A_456 = tpu.vector_load %arg9[%get3A_455] {strides = array<i32>} : memref<928xi32, #tpu.memory_space<vmem>>, vector<16xi32>,
        %ge3A = vector.broadcast %mul3A_344 : i32 to vector<16xi32>
        %ge3A_457 = arith.cmpi sge, %get3A_452, %ge3A : vector<16xi32>
        %add3A_458 = arith.constant 512 : i32
        %add3A_459 = arith.addi %mul3A_344, %add3A_458 : i32
        %lt3A_460 = vector.broadcast %add3A_459 : i32 to vector<16xi32>
        %lt3A_461 = arith.cmpi slt, %get3A_452, %lt3A_460 : vector<16xi32>
        %and3A_462 = arith.andi %ge3A_457, %lt3A_461 : vector<16xi1>
        %convert_element_type3A_463 = arith.extui %and3A_462 : vector<16xi1> to vector<16xi32>
        %sub3A_464 = arith.constant 1 : i32
        %sub3A_465 = arith.subi %while3A_449, %sub3A_464 : i32
        %cumsum3A = arith.constant true
        %cumsum3A_466 = vector.broadcast %cumsum3A : i1 to vector<16xi1>
        %cumsum3A_467 = tpu.scan <sum>, %convert_element_type3A_463 masked %cumsum3A_466 : vector<16xi32>, vector<16xi1> -> vector<16xi32>
        %add3A_468 = vector.broadcast %sub3A_465 : i32 to vector<16xi32>
        %add3A_469 = arith.addi %add3A_468, %cumsum3A_467 : vector<16xi32>
        %jit3A_470 = arith.constant 144 : i32
        %broadcast_in_dim3A_471 = vector.broadcast %jit3A_470 : i32 to vector<16xi32>
        %select_n3A_472 = arith.select %and3A_462, %add3A_469, %broadcast_in_dim3A_471 : vector<16xi1>, vector<16xi32>
        %sub3A_473 = vector.broadcast %mul3A_344 : i32 to vector<16xi32>
        %sub3A_474 = arith.subi %get3A_452, %sub3A_473 : vector<16xi32>
        tpu.vector_store_idx %arg10[%select_n3A_472], %sub3A_474 : memref<160xi32, #tpu.memory_space<vmem>>[vector<16xi32>], vector<16xi32>,
        tpu.vector_store_idx %arg11[%select_n3A_472], %get3A_456 : memref<160xi32, #tpu.memory_space<vmem>>[vector<16xi32>], vector<16xi32>,
        %reduce_sum3A = arith.constant true
        %reduce_sum3A_475 = vector.broadcast %reduce_sum3A : i1 to vector<16xi1>
        %reduce_sum3A_476 = tpu.scan <sum>, %convert_element_type3A_463 masked %reduce_sum3A_475 : vector<16xi32>, vector<16xi1> -> vector<16xi32>
        %reduce_sum3A_477 = vector.extract %reduce_sum3A_476[15] : i32 from vector<16xi32>
        %add3A_478 = arith.addi %while3A_449, %reduce_sum3A_477 : i32
        %min3A = arith.constant 128 : i32
        %min3A_479 = arith.minsi %add3A_478, %min3A : i32
        scf.yield %min3A_479 : i32
      }
      %while3A_383 = arith.constant 1 : i32
      %while3A_384 = scf.for %while3A_448 = %while3A_380 to %while3A_376 step %while3A_383 iter_args(%while3A_449 = %while3A_382) -> (i32)  : i32 {
        %mul3A_450 = arith.constant 16 : i32
        %mul3A_451 = arith.muli %while3A_448, %mul3A_450 : i32
        %get3A = arith.index_cast %mul3A_451 : i32 to index
        %get3A_452 = tpu.vector_load %arg8[%get3A] {strides = array<i32>} : memref<928xi32, #tpu.memory_space<vmem>>, vector<16xi32>,
        %mul3A_453 = arith.constant 16 : i32
        %mul3A_454 = arith.muli %while3A_448, %mul3A_453 : i32
        %get3A_455 = arith.index_cast %mul3A_454 : i32 to index
        %get3A_456 = tpu.vector_load %arg9[%get3A_455] {strides = array<i32>} : memref<928xi32, #tpu.memory_space<vmem>>, vector<16xi32>,
        %ge3A = vector.broadcast %mul3A_344 : i32 to vector<16xi32>
        %ge3A_457 = arith.cmpi sge, %get3A_452, %ge3A : vector<16xi32>
        %add3A_458 = arith.constant 512 : i32
        %add3A_459 = arith.addi %mul3A_344, %add3A_458 : i32
        %lt3A_460 = vector.broadcast %add3A_459 : i32 to vector<16xi32>
        %lt3A_461 = arith.cmpi slt, %get3A_452, %lt3A_460 : vector<16xi32>
        %and3A_462 = arith.andi %ge3A_457, %lt3A_461 : vector<16xi1>
        %convert_element_type3A_463 = arith.extui %and3A_462 : vector<16xi1> to vector<16xi32>
        %sub3A_464 = arith.constant 1 : i32
        %sub3A_465 = arith.subi %while3A_449, %sub3A_464 : i32
        %cumsum3A = arith.constant true
        %cumsum3A_466 = vector.broadcast %cumsum3A : i1 to vector<16xi1>
        %cumsum3A_467 = tpu.scan <sum>, %convert_element_type3A_463 masked %cumsum3A_466 : vector<16xi32>, vector<16xi1> -> vector<16xi32>
        %add3A_468 = vector.broadcast %sub3A_465 : i32 to vector<16xi32>
        %add3A_469 = arith.addi %add3A_468, %cumsum3A_467 : vector<16xi32>
        %jit3A_470 = arith.constant 144 : i32
        %broadcast_in_dim3A_471 = vector.broadcast %jit3A_470 : i32 to vector<16xi32>
        %select_n3A_472 = arith.select %and3A_462, %add3A_469, %broadcast_in_dim3A_471 : vector<16xi1>, vector<16xi32>
        %sub3A_473 = vector.broadcast %mul3A_344 : i32 to vector<16xi32>
        %sub3A_474 = arith.subi %get3A_452, %sub3A_473 : vector<16xi32>
        tpu.vector_store_idx %arg10[%select_n3A_472], %sub3A_474 : memref<160xi32, #tpu.memory_space<vmem>>[vector<16xi32>], vector<16xi32>,
        tpu.vector_store_idx %arg11[%select_n3A_472], %get3A_456 : memref<160xi32, #tpu.memory_space<vmem>>[vector<16xi32>], vector<16xi32>,
        %reduce_sum3A = arith.constant true
        %reduce_sum3A_475 = vector.broadcast %reduce_sum3A : i1 to vector<16xi1>
        %reduce_sum3A_476 = tpu.scan <sum>, %convert_element_type3A_463 masked %reduce_sum3A_475 : vector<16xi32>, vector<16xi1> -> vector<16xi32>
        %reduce_sum3A_477 = vector.extract %reduce_sum3A_476[15] : i32 from vector<16xi32>
        %add3A_478 = arith.addi %while3A_449, %reduce_sum3A_477 : i32
        %min3A = arith.constant 128 : i32
        %min3A_479 = arith.minsi %add3A_478, %min3A : i32
        scf.yield %min3A_479 : i32
      }
      %jit3A_385 = arith.constant 3 : i32
      %eq3A_386 = arith.constant 0 : i32
      %eq3A_387 = arith.cmpi eq, %jit3A_385, %eq3A_386 : i32
      %jit3A_388 = arith.constant 1 : i32
      %select_n3A_389 = arith.select %eq3A_387, %jit3A_388, %jit3A_385 : i32
      %rem3A_390 = arith.remsi %while3A_338, %select_n3A_389 : i32
      %ne3A_391 = arith.constant 0 : i32
      %ne3A_392 = arith.cmpi ne, %rem3A_390, %ne3A_391 : i32
      %lt3A = arith.constant 0 : i32
      %lt3A_393 = arith.cmpi slt, %rem3A_390, %lt3A : i32
      %lt3A_394 = arith.constant 0 : i32
      %lt3A_395 = arith.cmpi slt, %select_n3A_389, %lt3A_394 : i32
      %ne3A_396 = arith.xori %lt3A_393, %lt3A_395 : i1
      %and3A_397 = arith.andi %ne3A_396, %ne3A_392 : i1
      %add3A_398 = arith.addi %rem3A_390, %select_n3A_389 : i32
      %select_n3A_399 = arith.select %and3A_397, %add3A_398, %rem3A_390 : i32
      %dma_wait3A = arith.constant 0 : i32
      %dma_wait3A_400 = arith.constant 0 : i32
      %dma_wait3A_401 = tpu.memref_slice %arg6[%select_n3A_399, %dma_wait3A, %dma_wait3A_400] : memref<3x64x512xf32, #tpu.memory_space<vmem>> -> memref<1x64x512xf32, #tpu.memory_space<vmem>>
      %dma_wait3A_402 = tpu.memref_squeeze %dma_wait3A_401 : memref<1x64x512xf32, #tpu.memory_space<vmem>> -> memref<64x512xf32, #tpu.memory_space<vmem>>
      %dma_wait3A_403 = arith.constant 0 : i32
      %dma_wait3A_404 = arith.constant 0 : i32
      %dma_wait3A_405 = tpu.memref_slice %arg2[%dma_wait3A_403, %dma_wait3A_404] : memref<64x1000001xf32, #tpu.memory_space<hbm>> -> memref<64x512xf32, #tpu.memory_space<hbm>>
      %dma_wait3A_406 = arith.constant 0 : i32
      %dma_wait3A_407 = arith.constant 0 : i32
      %dma_wait3A_408 = tpu.memref_slice %arg6[%select_n3A_399, %dma_wait3A_406, %dma_wait3A_407] : memref<3x64x512xf32, #tpu.memory_space<vmem>> -> memref<1x64x512xf32, #tpu.memory_space<vmem>>
      %dma_wait3A_409 = tpu.memref_squeeze %dma_wait3A_408 : memref<1x64x512xf32, #tpu.memory_space<vmem>> -> memref<64x512xf32, #tpu.memory_space<vmem>>
      %dma_wait3A_410 = arith.constant 0 : i32
      %dma_wait3A_411 = arith.constant 0 : i32
      %dma_wait3A_412 = tpu.memref_slice %arg2[%dma_wait3A_410, %dma_wait3A_411] : memref<64x1000001xf32, #tpu.memory_space<hbm>> -> memref<64x512xf32, #tpu.memory_space<hbm>>
      tpu.wait_dma2 semaphore(%arg14 : memref<!tpu.dma_semaphore, #tpu.memory_space<semaphore_mem>>) src(%dma_wait3A_412 : memref<64x512xf32, #tpu.memory_space<hbm>>) dst(%dma_wait3A_409 : memref<64x512xf32, #tpu.memory_space<vmem>>)
      %add3A_413 = arith.constant 3 : i32
      %add3A_414 = arith.addi %while3A_338, %add3A_413 : i32
      %sub3A_415 = arith.constant 1 : i32
      %sub3A_416 = arith.subi %add3A_414, %sub3A_415 : i32
      %lt3A_417 = arith.cmpi slt, %sub3A_416, %add3A_3 : i32
      %convert_element_type3A_418 = arith.extui %lt3A_417 : i1 to i32
      %cond3A_419 = arith.constant 0 : i32
      %cond3A_420 = arith.cmpi ne, %convert_element_type3A_418, %cond3A_419 : i32
      scf.if %cond3A_420 {
        %add3A_448 = arith.constant 3 : i32
        %add3A_449 = arith.addi %while3A_338, %add3A_448 : i32
        %sub3A_450 = arith.constant 1 : i32
        %sub3A_451 = arith.subi %add3A_449, %sub3A_450 : i32
        %mul3A_452 = arith.constant 32 : i32
        %mul3A_453 = arith.muli %mul3A_452, %sub3A_451 : i32
        %add3A_454 = arith.addi %add3A, %mul3A_453 : i32
        %mul3A_455 = arith.constant 512 : i32
        %mul3A_456 = arith.muli %add3A_454, %mul3A_455 : i32
        %add3A_457 = arith.constant 3 : i32
        %add3A_458 = arith.addi %while3A_338, %add3A_457 : i32
        %sub3A_459 = arith.constant 1 : i32
        %sub3A_460 = arith.subi %add3A_458, %sub3A_459 : i32
        %jit3A_461 = arith.constant 3 : i32
        %eq3A_462 = arith.constant 0 : i32
        %eq3A_463 = arith.cmpi eq, %jit3A_461, %eq3A_462 : i32
        %jit3A_464 = arith.constant 1 : i32
        %select_n3A_465 = arith.select %eq3A_463, %jit3A_464, %jit3A_461 : i32
        %rem3A_466 = arith.remsi %sub3A_460, %select_n3A_465 : i32
        %ne3A_467 = arith.constant 0 : i32
        %ne3A_468 = arith.cmpi ne, %rem3A_466, %ne3A_467 : i32
        %lt3A_469 = arith.constant 0 : i32
        %lt3A_470 = arith.cmpi slt, %rem3A_466, %lt3A_469 : i32
        %lt3A_471 = arith.constant 0 : i32
        %lt3A_472 = arith.cmpi slt, %select_n3A_465, %lt3A_471 : i32
        %ne3A_473 = arith.xori %lt3A_470, %lt3A_472 : i1
        %and3A_474 = arith.andi %ne3A_473, %ne3A_468 : i1
        %add3A_475 = arith.addi %rem3A_466, %select_n3A_465 : i32
        %select_n3A_476 = arith.select %and3A_474, %add3A_475, %rem3A_466 : i32
        %dma_start3A_477 = arith.constant 0 : i32
        %dma_start3A_478 = arith.constant 0 : i32
        %dma_start3A_479 = tpu.memref_slice %arg6[%select_n3A_476, %dma_start3A_477, %dma_start3A_478] : memref<3x64x512xf32, #tpu.memory_space<vmem>> -> memref<1x64x512xf32, #tpu.memory_space<vmem>>
        %dma_start3A_480 = tpu.memref_squeeze %dma_start3A_479 : memref<1x64x512xf32, #tpu.memory_space<vmem>> -> memref<64x512xf32, #tpu.memory_space<vmem>>
        %dma_start3A_481 = arith.constant 0 : i32
        %dma_start3A_482 = tpu.memref_slice %arg2[%dma_start3A_481, %mul3A_456] : memref<64x1000001xf32, #tpu.memory_space<hbm>> -> memref<64x512xf32, #tpu.memory_space<hbm>>
        %dma_start3A_483 = arith.constant 0 : i32
        %dma_start3A_484 = arith.constant 0 : i32
        %dma_start3A_485 = tpu.memref_slice %arg6[%select_n3A_476, %dma_start3A_483, %dma_start3A_484] : memref<3x64x512xf32, #tpu.memory_space<vmem>> -> memref<1x64x512xf32, #tpu.memory_space<vmem>>
        %dma_start3A_486 = tpu.memref_squeeze %dma_start3A_485 : memref<1x64x512xf32, #tpu.memory_space<vmem>> -> memref<64x512xf32, #tpu.memory_space<vmem>>
        %dma_start3A_487 = arith.constant 0 : i32
        %dma_start3A_488 = tpu.memref_slice %arg2[%dma_start3A_487, %mul3A_456] : memref<64x1000001xf32, #tpu.memory_space<hbm>> -> memref<64x512xf32, #tpu.memory_space<hbm>>
        tpu.enqueue_dma source(%dma_start3A_488 : memref<64x512xf32, #tpu.memory_space<hbm>>) target(%dma_start3A_486 : memref<64x512xf32, #tpu.memory_space<vmem>>) target_semaphore(%arg14 : memref<!tpu.dma_semaphore, #tpu.memory_space<semaphore_mem>>)
      } else {
      }
      %jit3A_421 = arith.constant 3 : i32
      %eq3A_422 = arith.constant 0 : i32
      %eq3A_423 = arith.cmpi eq, %jit3A_421, %eq3A_422 : i32
      %jit3A_424 = arith.constant 1 : i32
      %select_n3A_425 = arith.select %eq3A_423, %jit3A_424, %jit3A_421 : i32
      %rem3A_426 = arith.remsi %while3A_338, %select_n3A_425 : i32
      %ne3A_427 = arith.constant 0 : i32
      %ne3A_428 = arith.cmpi ne, %rem3A_426, %ne3A_427 : i32
      %lt3A_429 = arith.constant 0 : i32
      %lt3A_430 = arith.cmpi slt, %rem3A_426, %lt3A_429 : i32
      %lt3A_431 = arith.constant 0 : i32
      %lt3A_432 = arith.cmpi slt, %select_n3A_425, %lt3A_431 : i32
      %ne3A_433 = arith.xori %lt3A_430, %lt3A_432 : i1
      %and3A_434 = arith.andi %ne3A_433, %ne3A_428 : i1
      %add3A_435 = arith.addi %rem3A_426, %select_n3A_425 : i32
      %select_n3A_436 = arith.select %and3A_434, %add3A_435, %rem3A_426 : i32
      %while3A_437 = arith.constant 0 : i32
      %while3A_438 = arith.subi %while3A_384, %while3A_437 : i32
      %while3A_439 = arith.addi %while3A_437, %while3A_438 : i32
      %while3A_440 = arith.constant 1 : i32
      %while3A_441 = arith.divsi %while3A_438, %while3A_440 : i32
      %while3A_442 = arith.muli %while3A_441, %while3A_440 : i32
      %while3A_443 = arith.addi %while3A_437, %while3A_442 : i32
      %while3A_444 = arith.constant 1 : i32
      %while3A_445 = scf.for %while3A_448 = %while3A_437 to %while3A_443 step %while3A_444 iter_args(%while3A_449 = %while3A_339) -> (i32)  : i32 {
        %jit3A_450 = arith.constant 16 : i32
        %div3A_451 = arith.divsi %while3A_448, %jit3A_450 : i32
        %sign3A_452 = arith.constant 0 : i32
        %sign3A_453 = arith.cmpi sgt, %while3A_448, %sign3A_452 : i32
        %sign3A_454 = arith.extui %sign3A_453 : i1 to i32
        %sign3A_455 = arith.constant 0 : i32
        %sign3A_456 = arith.cmpi slt, %while3A_448, %sign3A_455 : i32
        %sign3A_457 = arith.extui %sign3A_456 : i1 to i32
        %sign3A_458 = arith.subi %sign3A_454, %sign3A_457 : i32
        %sign3A_459 = arith.constant 0 : i32
        %sign3A_460 = arith.cmpi sgt, %jit3A_450, %sign3A_459 : i32
        %sign3A_461 = arith.extui %sign3A_460 : i1 to i32
        %sign3A_462 = arith.constant 0 : i32
        %sign3A_463 = arith.cmpi slt, %jit3A_450, %sign3A_462 : i32
        %sign3A_464 = arith.extui %sign3A_463 : i1 to i32
        %sign3A_465 = arith.subi %sign3A_461, %sign3A_464 : i32
        %ne3A_466 = arith.cmpi ne, %sign3A_458, %sign3A_465 : i32
        %rem3A_467 = arith.remsi %while3A_448, %jit3A_450 : i32
        %ne3A_468 = arith.constant 0 : i32
        %ne3A_469 = arith.cmpi ne, %rem3A_467, %ne3A_468 : i32
        %and3A_470 = arith.andi %ne3A_466, %ne3A_469 : i1
        %sub3A_471 = arith.constant 1 : i32
        %sub3A_472 = arith.subi %div3A_451, %sub3A_471 : i32
        %select_n3A_473 = arith.select %and3A_470, %sub3A_472, %div3A_451 : i32
        %mul3A_474 = arith.constant 16 : i32
        %mul3A_475 = arith.muli %select_n3A_473, %mul3A_474 : i32
        %get3A = arith.index_cast %mul3A_475 : i32 to index
        %get3A_476 = tpu.vector_load %arg10[%get3A] {strides = array<i32>} : memref<160xi32, #tpu.memory_space<vmem>>, vector<16xi32>,
        %sub3A_477 = arith.subi %while3A_448, %mul3A_475 : i32
        %iota3A = tpu.iota {dimensions = array<i32: 0>} : vector<16xi32>
        %eq3A_478 = vector.broadcast %sub3A_477 : i32 to vector<16xi32>
        %eq3A_479 = arith.cmpi eq, %iota3A, %eq3A_478 : vector<16xi32>
        %jit3A_480 = arith.constant -1 : i32
        %broadcast_in_dim3A_481 = vector.broadcast %jit3A_480 : i32 to vector<16xi32>
        %select_n3A_482 = arith.select %eq3A_479, %get3A_476, %broadcast_in_dim3A_481 : vector<16xi1>, vector<16xi32>
        %reduce_max3A = arith.constant true
        %reduce_max3A_483 = vector.broadcast %reduce_max3A : i1 to vector<16xi1>
        %reduce_max3A_484 = arith.constant -2147483648 : i32
        %reduce_max3A_485 = vector.broadcast %reduce_max3A_484 : i32 to vector<16xi32>
        %reduce_max3A_486 = arith.xori %select_n3A_482, %reduce_max3A_485 : vector<16xi32>
        %reduce_max3A_487 = tpu.scan <max>, %reduce_max3A_486 masked %reduce_max3A_483 : vector<16xi32>, vector<16xi1> -> vector<16xi32>
        %reduce_max3A_488 = arith.xori %reduce_max3A_487, %reduce_max3A_485 : vector<16xi32>
        %reduce_max3A_489 = vector.extract %reduce_max3A_488[15] : i32 from vector<16xi32>
        %jit3A_490 = arith.constant 16 : i32
        %div3A_491 = arith.divsi %while3A_448, %jit3A_490 : i32
        %sign3A_492 = arith.constant 0 : i32
        %sign3A_493 = arith.cmpi sgt, %while3A_448, %sign3A_492 : i32
        %sign3A_494 = arith.extui %sign3A_493 : i1 to i32
        %sign3A_495 = arith.constant 0 : i32
        %sign3A_496 = arith.cmpi slt, %while3A_448, %sign3A_495 : i32
        %sign3A_497 = arith.extui %sign3A_496 : i1 to i32
        %sign3A_498 = arith.subi %sign3A_494, %sign3A_497 : i32
        %sign3A_499 = arith.constant 0 : i32
        %sign3A_500 = arith.cmpi sgt, %jit3A_490, %sign3A_499 : i32
        %sign3A_501 = arith.extui %sign3A_500 : i1 to i32
        %sign3A_502 = arith.constant 0 : i32
        %sign3A_503 = arith.cmpi slt, %jit3A_490, %sign3A_502 : i32
        %sign3A_504 = arith.extui %sign3A_503 : i1 to i32
        %sign3A_505 = arith.subi %sign3A_501, %sign3A_504 : i32
        %ne3A_506 = arith.cmpi ne, %sign3A_498, %sign3A_505 : i32
        %rem3A_507 = arith.remsi %while3A_448, %jit3A_490 : i32
        %ne3A_508 = arith.constant 0 : i32
        %ne3A_509 = arith.cmpi ne, %rem3A_507, %ne3A_508 : i32
        %and3A_510 = arith.andi %ne3A_506, %ne3A_509 : i1
        %sub3A_511 = arith.constant 1 : i32
        %sub3A_512 = arith.subi %div3A_491, %sub3A_511 : i32
        %select_n3A_513 = arith.select %and3A_510, %sub3A_512, %div3A_491 : i32
        %mul3A_514 = arith.constant 16 : i32
        %mul3A_515 = arith.muli %select_n3A_513, %mul3A_514 : i32
        %get3A_516 = arith.index_cast %mul3A_515 : i32 to index
        %get3A_517 = tpu.vector_load %arg11[%get3A_516] {strides = array<i32>} : memref<160xi32, #tpu.memory_space<vmem>>, vector<16xi32>,
        %sub3A_518 = arith.subi %while3A_448, %mul3A_515 : i32
        %iota3A_519 = tpu.iota {dimensions = array<i32: 0>} : vector<16xi32>
        %eq3A_520 = vector.broadcast %sub3A_518 : i32 to vector<16xi32>
        %eq3A_521 = arith.cmpi eq, %iota3A_519, %eq3A_520 : vector<16xi32>
        %jit3A_522 = arith.constant -1 : i32
        %broadcast_in_dim3A_523 = vector.broadcast %jit3A_522 : i32 to vector<16xi32>
        %select_n3A_524 = arith.select %eq3A_521, %get3A_517, %broadcast_in_dim3A_523 : vector<16xi1>, vector<16xi32>
        %reduce_max3A_525 = arith.constant true
        %reduce_max3A_526 = vector.broadcast %reduce_max3A_525 : i1 to vector<16xi1>
        %reduce_max3A_527 = arith.constant -2147483648 : i32
        %reduce_max3A_528 = vector.broadcast %reduce_max3A_527 : i32 to vector<16xi32>
        %reduce_max3A_529 = arith.xori %select_n3A_524, %reduce_max3A_528 : vector<16xi32>
        %reduce_max3A_530 = tpu.scan <max>, %reduce_max3A_529 masked %reduce_max3A_526 : vector<16xi32>, vector<16xi1> -> vector<16xi32>
        %reduce_max3A_531 = arith.xori %reduce_max3A_530, %reduce_max3A_528 : vector<16xi32>
        %reduce_max3A_532 = vector.extract %reduce_max3A_531[15] : i32 from vector<16xi32>
        %iota3A_533 = tpu.iota {dimensions = array<i32: 0>} : vector<16xi32>
        %add3A_534 = arith.constant 0 : i32
        %add3A_535 = vector.broadcast %add3A_534 : i32 to vector<16xi32>
        %add3A_536 = arith.addi %iota3A_533, %add3A_535 : vector<16xi32>
        %broadcast_in_dim3A_537 = vector.broadcast %reduce_max3A_489 : i32 to vector<16xi32>
        %gather3A = arith.constant 0 : i32
        %gather3A_538 = arith.constant 0 : i32
        %gather3A_539 = tpu.memref_slice %arg6[%select_n3A_436, %gather3A, %gather3A_538] : memref<3x64x512xf32, #tpu.memory_space<vmem>> -> memref<1x64x512xf32, #tpu.memory_space<vmem>>
        %gather3A_540 = tpu.memref_squeeze %gather3A_539 : memref<1x64x512xf32, #tpu.memory_space<vmem>> -> memref<64x512xf32, #tpu.memory_space<vmem>>
        %gather3A_541 = tpu.vector_load_idx %gather3A_540[%add3A_536, %broadcast_in_dim3A_537] : memref<64x512xf32, #tpu.memory_space<vmem>>[vector<16xi32>, vector<16xi32>], vector<16xf32>,
        %swap3A_542 = arith.index_cast %while3A_449 : i32 to index
        %swap3A_543 = arith.constant 0 : index
        %swap3A_544 = tpu.vector_load %arg12[%swap3A_542, %swap3A_543] {strides = array<i32>} : memref<32x128xf32, #tpu.memory_space<vmem>>, vector<16xf32>,
        tpu.vector_store %arg12[%swap3A_542, %swap3A_543], %gather3A_541 {strides = array<i32>} : memref<32x128xf32, #tpu.memory_space<vmem>>, vector<16xf32>,
        %iota3A_545 = tpu.iota {dimensions = array<i32: 0>} : vector<16xi32>
        %add3A_546 = arith.constant 16 : i32
        %add3A_547 = vector.broadcast %add3A_546 : i32 to vector<16xi32>
        %add3A_548 = arith.addi %iota3A_545, %add3A_547 : vector<16xi32>
        %broadcast_in_dim3A_549 = vector.broadcast %reduce_max3A_489 : i32 to vector<16xi32>
        %gather3A_550 = arith.constant 0 : i32
        %gather3A_551 = arith.constant 0 : i32
        %gather3A_552 = tpu.memref_slice %arg6[%select_n3A_436, %gather3A_550, %gather3A_551] : memref<3x64x512xf32, #tpu.memory_space<vmem>> -> memref<1x64x512xf32, #tpu.memory_space<vmem>>
        %gather3A_553 = tpu.memref_squeeze %gather3A_552 : memref<1x64x512xf32, #tpu.memory_space<vmem>> -> memref<64x512xf32, #tpu.memory_space<vmem>>
        %gather3A_554 = tpu.vector_load_idx %gather3A_553[%add3A_548, %broadcast_in_dim3A_549] : memref<64x512xf32, #tpu.memory_space<vmem>>[vector<16xi32>, vector<16xi32>], vector<16xf32>,
        %swap3A_555 = arith.index_cast %while3A_449 : i32 to index
        %swap3A_556 = arith.constant 16 : index
        %swap3A_557 = tpu.vector_load %arg12[%swap3A_555, %swap3A_556] {strides = array<i32>} : memref<32x128xf32, #tpu.memory_space<vmem>>, vector<16xf32>,
        tpu.vector_store %arg12[%swap3A_555, %swap3A_556], %gather3A_554 {strides = array<i32>} : memref<32x128xf32, #tpu.memory_space<vmem>>, vector<16xf32>,
        %iota3A_558 = tpu.iota {dimensions = array<i32: 0>} : vector<16xi32>
        %add3A_559 = arith.constant 32 : i32
        %add3A_560 = vector.broadcast %add3A_559 : i32 to vector<16xi32>
        %add3A_561 = arith.addi %iota3A_558, %add3A_560 : vector<16xi32>
        %broadcast_in_dim3A_562 = vector.broadcast %reduce_max3A_489 : i32 to vector<16xi32>
        %gather3A_563 = arith.constant 0 : i32
        %gather3A_564 = arith.constant 0 : i32
        %gather3A_565 = tpu.memref_slice %arg6[%select_n3A_436, %gather3A_563, %gather3A_564] : memref<3x64x512xf32, #tpu.memory_space<vmem>> -> memref<1x64x512xf32, #tpu.memory_space<vmem>>
        %gather3A_566 = tpu.memref_squeeze %gather3A_565 : memref<1x64x512xf32, #tpu.memory_space<vmem>> -> memref<64x512xf32, #tpu.memory_space<vmem>>
        %gather3A_567 = tpu.vector_load_idx %gather3A_566[%add3A_561, %broadcast_in_dim3A_562] : memref<64x512xf32, #tpu.memory_space<vmem>>[vector<16xi32>, vector<16xi32>], vector<16xf32>,
        %swap3A_568 = arith.index_cast %while3A_449 : i32 to index
        %swap3A_569 = arith.constant 32 : index
        %swap3A_570 = tpu.vector_load %arg12[%swap3A_568, %swap3A_569] {strides = array<i32>} : memref<32x128xf32, #tpu.memory_space<vmem>>, vector<16xf32>,
        tpu.vector_store %arg12[%swap3A_568, %swap3A_569], %gather3A_567 {strides = array<i32>} : memref<32x128xf32, #tpu.memory_space<vmem>>, vector<16xf32>,
        %iota3A_571 = tpu.iota {dimensions = array<i32: 0>} : vector<16xi32>
        %add3A_572 = arith.constant 48 : i32
        %add3A_573 = vector.broadcast %add3A_572 : i32 to vector<16xi32>
        %add3A_574 = arith.addi %iota3A_571, %add3A_573 : vector<16xi32>
        %broadcast_in_dim3A_575 = vector.broadcast %reduce_max3A_489 : i32 to vector<16xi32>
        %gather3A_576 = arith.constant 0 : i32
        %gather3A_577 = arith.constant 0 : i32
        %gather3A_578 = tpu.memref_slice %arg6[%select_n3A_436, %gather3A_576, %gather3A_577] : memref<3x64x512xf32, #tpu.memory_space<vmem>> -> memref<1x64x512xf32, #tpu.memory_space<vmem>>
        %gather3A_579 = tpu.memref_squeeze %gather3A_578 : memref<1x64x512xf32, #tpu.memory_space<vmem>> -> memref<64x512xf32, #tpu.memory_space<vmem>>
        %gather3A_580 = tpu.vector_load_idx %gather3A_579[%add3A_574, %broadcast_in_dim3A_575] : memref<64x512xf32, #tpu.memory_space<vmem>>[vector<16xi32>, vector<16xi32>], vector<16xf32>,
        %swap3A_581 = arith.index_cast %while3A_449 : i32 to index
        %swap3A_582 = arith.constant 48 : index
        %swap3A_583 = tpu.vector_load %arg12[%swap3A_581, %swap3A_582] {strides = array<i32>} : memref<32x128xf32, #tpu.memory_space<vmem>>, vector<16xf32>,
        tpu.vector_store %arg12[%swap3A_581, %swap3A_582], %gather3A_580 {strides = array<i32>} : memref<32x128xf32, #tpu.memory_space<vmem>>, vector<16xf32>,
        %jit3A_584 = arith.constant 16 : i32
        %div3A_585 = arith.divsi %while3A_449, %jit3A_584 : i32
        %sign3A_586 = arith.constant 0 : i32
        %sign3A_587 = arith.cmpi sgt, %while3A_449, %sign3A_586 : i32
        %sign3A_588 = arith.extui %sign3A_587 : i1 to i32
        %sign3A_589 = arith.constant 0 : i32
        %sign3A_590 = arith.cmpi slt, %while3A_449, %sign3A_589 : i32
        %sign3A_591 = arith.extui %sign3A_590 : i1 to i32
        %sign3A_592 = arith.subi %sign3A_588, %sign3A_591 : i32
        %sign3A_593 = arith.constant 0 : i32
        %sign3A_594 = arith.cmpi sgt, %jit3A_584, %sign3A_593 : i32
        %sign3A_595 = arith.extui %sign3A_594 : i1 to i32
        %sign3A_596 = arith.constant 0 : i32
        %sign3A_597 = arith.cmpi slt, %jit3A_584, %sign3A_596 : i32
        %sign3A_598 = arith.extui %sign3A_597 : i1 to i32
        %sign3A_599 = arith.subi %sign3A_595, %sign3A_598 : i32
        %ne3A_600 = arith.cmpi ne, %sign3A_592, %sign3A_599 : i32
        %rem3A_601 = arith.remsi %while3A_449, %jit3A_584 : i32
        %ne3A_602 = arith.constant 0 : i32
        %ne3A_603 = arith.cmpi ne, %rem3A_601, %ne3A_602 : i32
        %and3A_604 = arith.andi %ne3A_600, %ne3A_603 : i1
        %sub3A_605 = arith.constant 1 : i32
        %sub3A_606 = arith.subi %div3A_585, %sub3A_605 : i32
        %select_n3A_607 = arith.select %and3A_604, %sub3A_606, %div3A_585 : i32
        %mul3A_608 = arith.constant 16 : i32
        %mul3A_609 = arith.muli %select_n3A_607, %mul3A_608 : i32
        %get3A_610 = arith.index_cast %mul3A_609 : i32 to index
        %get3A_611 = tpu.vector_load %arg13[%get3A_610] {strides = array<i32>} : memref<32xi32, #tpu.memory_space<vmem>>, vector<16xi32>,
        %iota3A_612 = tpu.iota {dimensions = array<i32: 0>} : vector<16xi32>
        %sub3A_613 = arith.subi %while3A_449, %mul3A_609 : i32
        %eq3A_614 = vector.broadcast %sub3A_613 : i32 to vector<16xi32>
        %eq3A_615 = arith.cmpi eq, %iota3A_612, %eq3A_614 : vector<16xi32>
        %broadcast_in_dim3A_616 = vector.broadcast %reduce_max3A_532 : i32 to vector<16xi32>
        %select_n3A_617 = arith.select %eq3A_615, %broadcast_in_dim3A_616, %get3A_611 : vector<16xi1>, vector<16xi32>
        %swap3A_618 = arith.index_cast %mul3A_609 : i32 to index
        %swap3A_619 = tpu.vector_load %arg13[%swap3A_618] {strides = array<i32>} : memref<32xi32, #tpu.memory_space<vmem>>, vector<16xi32>,
        tpu.vector_store %arg13[%swap3A_618], %select_n3A_617 {strides = array<i32>} : memref<32xi32, #tpu.memory_space<vmem>>, vector<16xi32>,
        %add3A_620 = arith.constant 1 : i32
        %add3A_621 = arith.addi %while3A_449, %add3A_620 : i32
        %eq3A_622 = arith.constant 32 : i32
        %eq3A_623 = arith.cmpi eq, %add3A_621, %eq3A_622 : i32
        %convert_element_type3A_624 = arith.extui %eq3A_623 : i1 to i32
        %cond3A_625 = arith.constant 0 : i32
        %cond3A_626 = arith.cmpi ne, %convert_element_type3A_624, %cond3A_625 : i32
        scf.if %cond3A_626 {
          %dma_start3A_631 = arith.constant 0 : i32
          %dma_start3A_632 = arith.constant 0 : i32
          %dma_start3A_633 = tpu.memref_slice %arg4[%dma_start3A_631, %dma_start3A_632] : memref<16392x128xf32, #tpu.memory_space<hbm>> -> memref<16392x128xf32, #tpu.memory_space<hbm>>
          tpu.enqueue_indirect_dma source(%arg12 : memref<32x128xf32, #tpu.memory_space<vmem>>) target(%dma_start3A_633 : memref<16392x128xf32, #tpu.memory_space<hbm>>) offsets(%arg13 : memref<32xi32, #tpu.memory_space<vmem>>) semaphore(%arg15 : memref<!tpu.dma_semaphore, #tpu.memory_space<semaphore_mem>>)
          %dma_wait3A_634 = arith.constant 0 : i32
          %dma_wait3A_635 = arith.constant 0 : i32
          %dma_wait3A_636 = tpu.memref_slice %arg4[%dma_wait3A_634, %dma_wait3A_635] : memref<16392x128xf32, #tpu.memory_space<hbm>> -> memref<16392x128xf32, #tpu.memory_space<hbm>>
          tpu.wait_indirect_dma semaphore(%arg15 : memref<!tpu.dma_semaphore, #tpu.memory_space<semaphore_mem>>) src(%arg12 : memref<32x128xf32, #tpu.memory_space<vmem>>) dst(%dma_wait3A_636 : memref<16392x128xf32, #tpu.memory_space<hbm>>)
          %broadcast_in_dim3A_637 = arith.constant 16384 : i32
          %broadcast_in_dim3A_638 = vector.broadcast %broadcast_in_dim3A_637 : i32 to vector<16xi32>
          %swap3A_639 = arith.constant 0 : index
          %swap3A_640 = tpu.vector_load %arg13[%swap3A_639] {strides = array<i32>} : memref<32xi32, #tpu.memory_space<vmem>>, vector<16xi32>,
          tpu.vector_store %arg13[%swap3A_639], %broadcast_in_dim3A_638 {strides = array<i32>} : memref<32xi32, #tpu.memory_space<vmem>>, vector<16xi32>,
          %broadcast_in_dim3A_641 = arith.constant 16384 : i32
          %broadcast_in_dim3A_642 = vector.broadcast %broadcast_in_dim3A_641 : i32 to vector<16xi32>
          %swap3A_643 = arith.constant 16 : index
          %swap3A_644 = tpu.vector_load %arg13[%swap3A_643] {strides = array<i32>} : memref<32xi32, #tpu.memory_space<vmem>>, vector<16xi32>,
          tpu.vector_store %arg13[%swap3A_643], %broadcast_in_dim3A_642 {strides = array<i32>} : memref<32xi32, #tpu.memory_space<vmem>>, vector<16xi32>,
        } else {
        }
        %add3A_627 = arith.constant 1 : i32
        %add3A_628 = arith.addi %while3A_449, %add3A_627 : i32
        %jit3A_629 = arith.constant 0 : i32
        %select_n3A_630 = arith.select %eq3A_623, %jit3A_629, %add3A_628 : i32
        scf.yield %select_n3A_630 : i32
      }
      %while3A_446 = arith.constant 1 : i32
      %while3A_447 = scf.for %while3A_448 = %while3A_443 to %while3A_439 step %while3A_446 iter_args(%while3A_449 = %while3A_445) -> (i32)  : i32 {
        %jit3A_450 = arith.constant 16 : i32
        %div3A_451 = arith.divsi %while3A_448, %jit3A_450 : i32
        %sign3A_452 = arith.constant 0 : i32
        %sign3A_453 = arith.cmpi sgt, %while3A_448, %sign3A_452 : i32
        %sign3A_454 = arith.extui %sign3A_453 : i1 to i32
        %sign3A_455 = arith.constant 0 : i32
        %sign3A_456 = arith.cmpi slt, %while3A_448, %sign3A_455 : i32
        %sign3A_457 = arith.extui %sign3A_456 : i1 to i32
        %sign3A_458 = arith.subi %sign3A_454, %sign3A_457 : i32
        %sign3A_459 = arith.constant 0 : i32
        %sign3A_460 = arith.cmpi sgt, %jit3A_450, %sign3A_459 : i32
        %sign3A_461 = arith.extui %sign3A_460 : i1 to i32
        %sign3A_462 = arith.constant 0 : i32
        %sign3A_463 = arith.cmpi slt, %jit3A_450, %sign3A_462 : i32
        %sign3A_464 = arith.extui %sign3A_463 : i1 to i32
        %sign3A_465 = arith.subi %sign3A_461, %sign3A_464 : i32
        %ne3A_466 = arith.cmpi ne, %sign3A_458, %sign3A_465 : i32
        %rem3A_467 = arith.remsi %while3A_448, %jit3A_450 : i32
        %ne3A_468 = arith.constant 0 : i32
        %ne3A_469 = arith.cmpi ne, %rem3A_467, %ne3A_468 : i32
        %and3A_470 = arith.andi %ne3A_466, %ne3A_469 : i1
        %sub3A_471 = arith.constant 1 : i32
        %sub3A_472 = arith.subi %div3A_451, %sub3A_471 : i32
        %select_n3A_473 = arith.select %and3A_470, %sub3A_472, %div3A_451 : i32
        %mul3A_474 = arith.constant 16 : i32
        %mul3A_475 = arith.muli %select_n3A_473, %mul3A_474 : i32
        %get3A = arith.index_cast %mul3A_475 : i32 to index
        %get3A_476 = tpu.vector_load %arg10[%get3A] {strides = array<i32>} : memref<160xi32, #tpu.memory_space<vmem>>, vector<16xi32>,
        %sub3A_477 = arith.subi %while3A_448, %mul3A_475 : i32
        %iota3A = tpu.iota {dimensions = array<i32: 0>} : vector<16xi32>
        %eq3A_478 = vector.broadcast %sub3A_477 : i32 to vector<16xi32>
        %eq3A_479 = arith.cmpi eq, %iota3A, %eq3A_478 : vector<16xi32>
        %jit3A_480 = arith.constant -1 : i32
        %broadcast_in_dim3A_481 = vector.broadcast %jit3A_480 : i32 to vector<16xi32>
        %select_n3A_482 = arith.select %eq3A_479, %get3A_476, %broadcast_in_dim3A_481 : vector<16xi1>, vector<16xi32>
        %reduce_max3A = arith.constant true
        %reduce_max3A_483 = vector.broadcast %reduce_max3A : i1 to vector<16xi1>
        %reduce_max3A_484 = arith.constant -2147483648 : i32
        %reduce_max3A_485 = vector.broadcast %reduce_max3A_484 : i32 to vector<16xi32>
        %reduce_max3A_486 = arith.xori %select_n3A_482, %reduce_max3A_485 : vector<16xi32>
        %reduce_max3A_487 = tpu.scan <max>, %reduce_max3A_486 masked %reduce_max3A_483 : vector<16xi32>, vector<16xi1> -> vector<16xi32>
        %reduce_max3A_488 = arith.xori %reduce_max3A_487, %reduce_max3A_485 : vector<16xi32>
        %reduce_max3A_489 = vector.extract %reduce_max3A_488[15] : i32 from vector<16xi32>
        %jit3A_490 = arith.constant 16 : i32
        %div3A_491 = arith.divsi %while3A_448, %jit3A_490 : i32
        %sign3A_492 = arith.constant 0 : i32
        %sign3A_493 = arith.cmpi sgt, %while3A_448, %sign3A_492 : i32
        %sign3A_494 = arith.extui %sign3A_493 : i1 to i32
        %sign3A_495 = arith.constant 0 : i32
        %sign3A_496 = arith.cmpi slt, %while3A_448, %sign3A_495 : i32
        %sign3A_497 = arith.extui %sign3A_496 : i1 to i32
        %sign3A_498 = arith.subi %sign3A_494, %sign3A_497 : i32
        %sign3A_499 = arith.constant 0 : i32
        %sign3A_500 = arith.cmpi sgt, %jit3A_490, %sign3A_499 : i32
        %sign3A_501 = arith.extui %sign3A_500 : i1 to i32
        %sign3A_502 = arith.constant 0 : i32
        %sign3A_503 = arith.cmpi slt, %jit3A_490, %sign3A_502 : i32
        %sign3A_504 = arith.extui %sign3A_503 : i1 to i32
        %sign3A_505 = arith.subi %sign3A_501, %sign3A_504 : i32
        %ne3A_506 = arith.cmpi ne, %sign3A_498, %sign3A_505 : i32
        %rem3A_507 = arith.remsi %while3A_448, %jit3A_490 : i32
        %ne3A_508 = arith.constant 0 : i32
        %ne3A_509 = arith.cmpi ne, %rem3A_507, %ne3A_508 : i32
        %and3A_510 = arith.andi %ne3A_506, %ne3A_509 : i1
        %sub3A_511 = arith.constant 1 : i32
        %sub3A_512 = arith.subi %div3A_491, %sub3A_511 : i32
        %select_n3A_513 = arith.select %and3A_510, %sub3A_512, %div3A_491 : i32
        %mul3A_514 = arith.constant 16 : i32
        %mul3A_515 = arith.muli %select_n3A_513, %mul3A_514 : i32
        %get3A_516 = arith.index_cast %mul3A_515 : i32 to index
        %get3A_517 = tpu.vector_load %arg11[%get3A_516] {strides = array<i32>} : memref<160xi32, #tpu.memory_space<vmem>>, vector<16xi32>,
        %sub3A_518 = arith.subi %while3A_448, %mul3A_515 : i32
        %iota3A_519 = tpu.iota {dimensions = array<i32: 0>} : vector<16xi32>
        %eq3A_520 = vector.broadcast %sub3A_518 : i32 to vector<16xi32>
        %eq3A_521 = arith.cmpi eq, %iota3A_519, %eq3A_520 : vector<16xi32>
        %jit3A_522 = arith.constant -1 : i32
        %broadcast_in_dim3A_523 = vector.broadcast %jit3A_522 : i32 to vector<16xi32>
        %select_n3A_524 = arith.select %eq3A_521, %get3A_517, %broadcast_in_dim3A_523 : vector<16xi1>, vector<16xi32>
        %reduce_max3A_525 = arith.constant true
        %reduce_max3A_526 = vector.broadcast %reduce_max3A_525 : i1 to vector<16xi1>
        %reduce_max3A_527 = arith.constant -2147483648 : i32
        %reduce_max3A_528 = vector.broadcast %reduce_max3A_527 : i32 to vector<16xi32>
        %reduce_max3A_529 = arith.xori %select_n3A_524, %reduce_max3A_528 : vector<16xi32>
        %reduce_max3A_530 = tpu.scan <max>, %reduce_max3A_529 masked %reduce_max3A_526 : vector<16xi32>, vector<16xi1> -> vector<16xi32>
        %reduce_max3A_531 = arith.xori %reduce_max3A_530, %reduce_max3A_528 : vector<16xi32>
        %reduce_max3A_532 = vector.extract %reduce_max3A_531[15] : i32 from vector<16xi32>
        %iota3A_533 = tpu.iota {dimensions = array<i32: 0>} : vector<16xi32>
        %add3A_534 = arith.constant 0 : i32
        %add3A_535 = vector.broadcast %add3A_534 : i32 to vector<16xi32>
        %add3A_536 = arith.addi %iota3A_533, %add3A_535 : vector<16xi32>
        %broadcast_in_dim3A_537 = vector.broadcast %reduce_max3A_489 : i32 to vector<16xi32>
        %gather3A = arith.constant 0 : i32
        %gather3A_538 = arith.constant 0 : i32
        %gather3A_539 = tpu.memref_slice %arg6[%select_n3A_436, %gather3A, %gather3A_538] : memref<3x64x512xf32, #tpu.memory_space<vmem>> -> memref<1x64x512xf32, #tpu.memory_space<vmem>>
        %gather3A_540 = tpu.memref_squeeze %gather3A_539 : memref<1x64x512xf32, #tpu.memory_space<vmem>> -> memref<64x512xf32, #tpu.memory_space<vmem>>
        %gather3A_541 = tpu.vector_load_idx %gather3A_540[%add3A_536, %broadcast_in_dim3A_537] : memref<64x512xf32, #tpu.memory_space<vmem>>[vector<16xi32>, vector<16xi32>], vector<16xf32>,
        %swap3A_542 = arith.index_cast %while3A_449 : i32 to index
        %swap3A_543 = arith.constant 0 : index
        %swap3A_544 = tpu.vector_load %arg12[%swap3A_542, %swap3A_543] {strides = array<i32>} : memref<32x128xf32, #tpu.memory_space<vmem>>, vector<16xf32>,
        tpu.vector_store %arg12[%swap3A_542, %swap3A_543], %gather3A_541 {strides = array<i32>} : memref<32x128xf32, #tpu.memory_space<vmem>>, vector<16xf32>,
        %iota3A_545 = tpu.iota {dimensions = array<i32: 0>} : vector<16xi32>
        %add3A_546 = arith.constant 16 : i32
        %add3A_547 = vector.broadcast %add3A_546 : i32 to vector<16xi32>
        %add3A_548 = arith.addi %iota3A_545, %add3A_547 : vector<16xi32>
        %broadcast_in_dim3A_549 = vector.broadcast %reduce_max3A_489 : i32 to vector<16xi32>
        %gather3A_550 = arith.constant 0 : i32
        %gather3A_551 = arith.constant 0 : i32
        %gather3A_552 = tpu.memref_slice %arg6[%select_n3A_436, %gather3A_550, %gather3A_551] : memref<3x64x512xf32, #tpu.memory_space<vmem>> -> memref<1x64x512xf32, #tpu.memory_space<vmem>>
        %gather3A_553 = tpu.memref_squeeze %gather3A_552 : memref<1x64x512xf32, #tpu.memory_space<vmem>> -> memref<64x512xf32, #tpu.memory_space<vmem>>
        %gather3A_554 = tpu.vector_load_idx %gather3A_553[%add3A_548, %broadcast_in_dim3A_549] : memref<64x512xf32, #tpu.memory_space<vmem>>[vector<16xi32>, vector<16xi32>], vector<16xf32>,
        %swap3A_555 = arith.index_cast %while3A_449 : i32 to index
        %swap3A_556 = arith.constant 16 : index
        %swap3A_557 = tpu.vector_load %arg12[%swap3A_555, %swap3A_556] {strides = array<i32>} : memref<32x128xf32, #tpu.memory_space<vmem>>, vector<16xf32>,
        tpu.vector_store %arg12[%swap3A_555, %swap3A_556], %gather3A_554 {strides = array<i32>} : memref<32x128xf32, #tpu.memory_space<vmem>>, vector<16xf32>,
        %iota3A_558 = tpu.iota {dimensions = array<i32: 0>} : vector<16xi32>
        %add3A_559 = arith.constant 32 : i32
        %add3A_560 = vector.broadcast %add3A_559 : i32 to vector<16xi32>
        %add3A_561 = arith.addi %iota3A_558, %add3A_560 : vector<16xi32>
        %broadcast_in_dim3A_562 = vector.broadcast %reduce_max3A_489 : i32 to vector<16xi32>
        %gather3A_563 = arith.constant 0 : i32
        %gather3A_564 = arith.constant 0 : i32
        %gather3A_565 = tpu.memref_slice %arg6[%select_n3A_436, %gather3A_563, %gather3A_564] : memref<3x64x512xf32, #tpu.memory_space<vmem>> -> memref<1x64x512xf32, #tpu.memory_space<vmem>>
        %gather3A_566 = tpu.memref_squeeze %gather3A_565 : memref<1x64x512xf32, #tpu.memory_space<vmem>> -> memref<64x512xf32, #tpu.memory_space<vmem>>
        %gather3A_567 = tpu.vector_load_idx %gather3A_566[%add3A_561, %broadcast_in_dim3A_562] : memref<64x512xf32, #tpu.memory_space<vmem>>[vector<16xi32>, vector<16xi32>], vector<16xf32>,
        %swap3A_568 = arith.index_cast %while3A_449 : i32 to index
        %swap3A_569 = arith.constant 32 : index
        %swap3A_570 = tpu.vector_load %arg12[%swap3A_568, %swap3A_569] {strides = array<i32>} : memref<32x128xf32, #tpu.memory_space<vmem>>, vector<16xf32>,
        tpu.vector_store %arg12[%swap3A_568, %swap3A_569], %gather3A_567 {strides = array<i32>} : memref<32x128xf32, #tpu.memory_space<vmem>>, vector<16xf32>,
        %iota3A_571 = tpu.iota {dimensions = array<i32: 0>} : vector<16xi32>
        %add3A_572 = arith.constant 48 : i32
        %add3A_573 = vector.broadcast %add3A_572 : i32 to vector<16xi32>
        %add3A_574 = arith.addi %iota3A_571, %add3A_573 : vector<16xi32>
        %broadcast_in_dim3A_575 = vector.broadcast %reduce_max3A_489 : i32 to vector<16xi32>
        %gather3A_576 = arith.constant 0 : i32
        %gather3A_577 = arith.constant 0 : i32
        %gather3A_578 = tpu.memref_slice %arg6[%select_n3A_436, %gather3A_576, %gather3A_577] : memref<3x64x512xf32, #tpu.memory_space<vmem>> -> memref<1x64x512xf32, #tpu.memory_space<vmem>>
        %gather3A_579 = tpu.memref_squeeze %gather3A_578 : memref<1x64x512xf32, #tpu.memory_space<vmem>> -> memref<64x512xf32, #tpu.memory_space<vmem>>
        %gather3A_580 = tpu.vector_load_idx %gather3A_579[%add3A_574, %broadcast_in_dim3A_575] : memref<64x512xf32, #tpu.memory_space<vmem>>[vector<16xi32>, vector<16xi32>], vector<16xf32>,
        %swap3A_581 = arith.index_cast %while3A_449 : i32 to index
        %swap3A_582 = arith.constant 48 : index
        %swap3A_583 = tpu.vector_load %arg12[%swap3A_581, %swap3A_582] {strides = array<i32>} : memref<32x128xf32, #tpu.memory_space<vmem>>, vector<16xf32>,
        tpu.vector_store %arg12[%swap3A_581, %swap3A_582], %gather3A_580 {strides = array<i32>} : memref<32x128xf32, #tpu.memory_space<vmem>>, vector<16xf32>,
        %jit3A_584 = arith.constant 16 : i32
        %div3A_585 = arith.divsi %while3A_449, %jit3A_584 : i32
        %sign3A_586 = arith.constant 0 : i32
        %sign3A_587 = arith.cmpi sgt, %while3A_449, %sign3A_586 : i32
        %sign3A_588 = arith.extui %sign3A_587 : i1 to i32
        %sign3A_589 = arith.constant 0 : i32
        %sign3A_590 = arith.cmpi slt, %while3A_449, %sign3A_589 : i32
        %sign3A_591 = arith.extui %sign3A_590 : i1 to i32
        %sign3A_592 = arith.subi %sign3A_588, %sign3A_591 : i32
        %sign3A_593 = arith.constant 0 : i32
        %sign3A_594 = arith.cmpi sgt, %jit3A_584, %sign3A_593 : i32
        %sign3A_595 = arith.extui %sign3A_594 : i1 to i32
        %sign3A_596 = arith.constant 0 : i32
        %sign3A_597 = arith.cmpi slt, %jit3A_584, %sign3A_596 : i32
        %sign3A_598 = arith.extui %sign3A_597 : i1 to i32
        %sign3A_599 = arith.subi %sign3A_595, %sign3A_598 : i32
        %ne3A_600 = arith.cmpi ne, %sign3A_592, %sign3A_599 : i32
        %rem3A_601 = arith.remsi %while3A_449, %jit3A_584 : i32
        %ne3A_602 = arith.constant 0 : i32
        %ne3A_603 = arith.cmpi ne, %rem3A_601, %ne3A_602 : i32
        %and3A_604 = arith.andi %ne3A_600, %ne3A_603 : i1
        %sub3A_605 = arith.constant 1 : i32
        %sub3A_606 = arith.subi %div3A_585, %sub3A_605 : i32
        %select_n3A_607 = arith.select %and3A_604, %sub3A_606, %div3A_585 : i32
        %mul3A_608 = arith.constant 16 : i32
        %mul3A_609 = arith.muli %select_n3A_607, %mul3A_608 : i32
        %get3A_610 = arith.index_cast %mul3A_609 : i32 to index
        %get3A_611 = tpu.vector_load %arg13[%get3A_610] {strides = array<i32>} : memref<32xi32, #tpu.memory_space<vmem>>, vector<16xi32>,
        %iota3A_612 = tpu.iota {dimensions = array<i32: 0>} : vector<16xi32>
        %sub3A_613 = arith.subi %while3A_449, %mul3A_609 : i32
        %eq3A_614 = vector.broadcast %sub3A_613 : i32 to vector<16xi32>
        %eq3A_615 = arith.cmpi eq, %iota3A_612, %eq3A_614 : vector<16xi32>
        %broadcast_in_dim3A_616 = vector.broadcast %reduce_max3A_532 : i32 to vector<16xi32>
        %select_n3A_617 = arith.select %eq3A_615, %broadcast_in_dim3A_616, %get3A_611 : vector<16xi1>, vector<16xi32>
        %swap3A_618 = arith.index_cast %mul3A_609 : i32 to index
        %swap3A_619 = tpu.vector_load %arg13[%swap3A_618] {strides = array<i32>} : memref<32xi32, #tpu.memory_space<vmem>>, vector<16xi32>,
        tpu.vector_store %arg13[%swap3A_618], %select_n3A_617 {strides = array<i32>} : memref<32xi32, #tpu.memory_space<vmem>>, vector<16xi32>,
        %add3A_620 = arith.constant 1 : i32
        %add3A_621 = arith.addi %while3A_449, %add3A_620 : i32
        %eq3A_622 = arith.constant 32 : i32
        %eq3A_623 = arith.cmpi eq, %add3A_621, %eq3A_622 : i32
        %convert_element_type3A_624 = arith.extui %eq3A_623 : i1 to i32
        %cond3A_625 = arith.constant 0 : i32
        %cond3A_626 = arith.cmpi ne, %convert_element_type3A_624, %cond3A_625 : i32
        scf.if %cond3A_626 {
          %dma_start3A_631 = arith.constant 0 : i32
          %dma_start3A_632 = arith.constant 0 : i32
          %dma_start3A_633 = tpu.memref_slice %arg4[%dma_start3A_631, %dma_start3A_632] : memref<16392x128xf32, #tpu.memory_space<hbm>> -> memref<16392x128xf32, #tpu.memory_space<hbm>>
          tpu.enqueue_indirect_dma source(%arg12 : memref<32x128xf32, #tpu.memory_space<vmem>>) target(%dma_start3A_633 : memref<16392x128xf32, #tpu.memory_space<hbm>>) offsets(%arg13 : memref<32xi32, #tpu.memory_space<vmem>>) semaphore(%arg15 : memref<!tpu.dma_semaphore, #tpu.memory_space<semaphore_mem>>)
          %dma_wait3A_634 = arith.constant 0 : i32
          %dma_wait3A_635 = arith.constant 0 : i32
          %dma_wait3A_636 = tpu.memref_slice %arg4[%dma_wait3A_634, %dma_wait3A_635] : memref<16392x128xf32, #tpu.memory_space<hbm>> -> memref<16392x128xf32, #tpu.memory_space<hbm>>
          tpu.wait_indirect_dma semaphore(%arg15 : memref<!tpu.dma_semaphore, #tpu.memory_space<semaphore_mem>>) src(%arg12 : memref<32x128xf32, #tpu.memory_space<vmem>>) dst(%dma_wait3A_636 : memref<16392x128xf32, #tpu.memory_space<hbm>>)
          %broadcast_in_dim3A_637 = arith.constant 16384 : i32
          %broadcast_in_dim3A_638 = vector.broadcast %broadcast_in_dim3A_637 : i32 to vector<16xi32>
          %swap3A_639 = arith.constant 0 : index
          %swap3A_640 = tpu.vector_load %arg13[%swap3A_639] {strides = array<i32>} : memref<32xi32, #tpu.memory_space<vmem>>, vector<16xi32>,
          tpu.vector_store %arg13[%swap3A_639], %broadcast_in_dim3A_638 {strides = array<i32>} : memref<32xi32, #tpu.memory_space<vmem>>, vector<16xi32>,
          %broadcast_in_dim3A_641 = arith.constant 16384 : i32
          %broadcast_in_dim3A_642 = vector.broadcast %broadcast_in_dim3A_641 : i32 to vector<16xi32>
          %swap3A_643 = arith.constant 16 : index
          %swap3A_644 = tpu.vector_load %arg13[%swap3A_643] {strides = array<i32>} : memref<32xi32, #tpu.memory_space<vmem>>, vector<16xi32>,
          tpu.vector_store %arg13[%swap3A_643], %broadcast_in_dim3A_642 {strides = array<i32>} : memref<32xi32, #tpu.memory_space<vmem>>, vector<16xi32>,
        } else {
        }
        %add3A_627 = arith.constant 1 : i32
        %add3A_628 = arith.addi %while3A_449, %add3A_627 : i32
        %jit3A_629 = arith.constant 0 : i32
        %select_n3A_630 = arith.select %eq3A_623, %jit3A_629, %add3A_628 : i32
        scf.yield %select_n3A_630 : i32
      }
      scf.yield %while3A_447 : i32
    }
    %while3A_290 = arith.constant 1 : i32
    %while3A_291 = scf.for %while3A_338 = %while3A_287 to %while3A_283 step %while3A_290 iter_args(%while3A_339 = %while3A_289) -> (i32)  : i32 {
      %mul3A_340 = arith.constant 32 : i32
      %mul3A_341 = arith.muli %mul3A_340, %while3A_338 : i32
      %add3A_342 = arith.addi %add3A, %mul3A_341 : i32
      %mul3A_343 = arith.constant 512 : i32
      %mul3A_344 = arith.muli %add3A_342, %mul3A_343 : i32
      %add3A_345 = arith.constant 16 : i32
      %add3A_346 = arith.addi %scan3A_279, %add3A_345 : i32
      %sub3A_347 = arith.constant 1 : i32
      %sub3A_348 = arith.subi %add3A_346, %sub3A_347 : i32
      %jit3A_349 = arith.constant 16 : i32
      %div3A_350 = arith.divsi %sub3A_348, %jit3A_349 : i32
      %sign3A_351 = arith.constant 0 : i32
      %sign3A_352 = arith.cmpi sgt, %sub3A_348, %sign3A_351 : i32
      %sign3A_353 = arith.extui %sign3A_352 : i1 to i32
      %sign3A_354 = arith.constant 0 : i32
      %sign3A_355 = arith.cmpi slt, %sub3A_348, %sign3A_354 : i32
      %sign3A_356 = arith.extui %sign3A_355 : i1 to i32
      %sign3A_357 = arith.subi %sign3A_353, %sign3A_356 : i32
      %sign3A_358 = arith.constant 0 : i32
      %sign3A_359 = arith.cmpi sgt, %jit3A_349, %sign3A_358 : i32
      %sign3A_360 = arith.extui %sign3A_359 : i1 to i32
      %sign3A_361 = arith.constant 0 : i32
      %sign3A_362 = arith.cmpi slt, %jit3A_349, %sign3A_361 : i32
      %sign3A_363 = arith.extui %sign3A_362 : i1 to i32
      %sign3A_364 = arith.subi %sign3A_360, %sign3A_363 : i32
      %ne3A_365 = arith.cmpi ne, %sign3A_357, %sign3A_364 : i32
      %rem3A_366 = arith.remsi %sub3A_348, %jit3A_349 : i32
      %ne3A_367 = arith.constant 0 : i32
      %ne3A_368 = arith.cmpi ne, %rem3A_366, %ne3A_367 : i32
      %and3A_369 = arith.andi %ne3A_365, %ne3A_368 : i1
      %sub3A_370 = arith.constant 1 : i32
      %sub3A_371 = arith.subi %div3A_350, %sub3A_370 : i32
      %select_n3A_372 = arith.select %and3A_369, %sub3A_371, %div3A_350 : i32
      %while3A_373 = arith.constant 0 : i32
      %while3A_374 = arith.constant 0 : i32
      %while3A_375 = arith.subi %select_n3A_372, %while3A_373 : i32
      %while3A_376 = arith.addi %while3A_373, %while3A_375 : i32
      %while3A_377 = arith.constant 1 : i32
      %while3A_378 = arith.divsi %while3A_375, %while3A_377 : i32
      %while3A_379 = arith.muli %while3A_378, %while3A_377 : i32
      %while3A_380 = arith.addi %while3A_373, %while3A_379 : i32
      %while3A_381 = arith.constant 1 : i32
      %while3A_382 = scf.for %while3A_448 = %while3A_373 to %while3A_380 step %while3A_381 iter_args(%while3A_449 = %while3A_374) -> (i32)  : i32 {
        %mul3A_450 = arith.constant 16 : i32
        %mul3A_451 = arith.muli %while3A_448, %mul3A_450 : i32
        %get3A = arith.index_cast %mul3A_451 : i32 to index
        %get3A_452 = tpu.vector_load %arg8[%get3A] {strides = array<i32>} : memref<928xi32, #tpu.memory_space<vmem>>, vector<16xi32>,
        %mul3A_453 = arith.constant 16 : i32
        %mul3A_454 = arith.muli %while3A_448, %mul3A_453 : i32
        %get3A_455 = arith.index_cast %mul3A_454 : i32 to index
        %get3A_456 = tpu.vector_load %arg9[%get3A_455] {strides = array<i32>} : memref<928xi32, #tpu.memory_space<vmem>>, vector<16xi32>,
        %ge3A = vector.broadcast %mul3A_344 : i32 to vector<16xi32>
        %ge3A_457 = arith.cmpi sge, %get3A_452, %ge3A : vector<16xi32>
        %add3A_458 = arith.constant 512 : i32
        %add3A_459 = arith.addi %mul3A_344, %add3A_458 : i32
        %lt3A_460 = vector.broadcast %add3A_459 : i32 to vector<16xi32>
        %lt3A_461 = arith.cmpi slt, %get3A_452, %lt3A_460 : vector<16xi32>
        %and3A_462 = arith.andi %ge3A_457, %lt3A_461 : vector<16xi1>
        %convert_element_type3A_463 = arith.extui %and3A_462 : vector<16xi1> to vector<16xi32>
        %sub3A_464 = arith.constant 1 : i32
        %sub3A_465 = arith.subi %while3A_449, %sub3A_464 : i32
        %cumsum3A = arith.constant true
        %cumsum3A_466 = vector.broadcast %cumsum3A : i1 to vector<16xi1>
        %cumsum3A_467 = tpu.scan <sum>, %convert_element_type3A_463 masked %cumsum3A_466 : vector<16xi32>, vector<16xi1> -> vector<16xi32>
        %add3A_468 = vector.broadcast %sub3A_465 : i32 to vector<16xi32>
        %add3A_469 = arith.addi %add3A_468, %cumsum3A_467 : vector<16xi32>
        %jit3A_470 = arith.constant 144 : i32
        %broadcast_in_dim3A_471 = vector.broadcast %jit3A_470 : i32 to vector<16xi32>
        %select_n3A_472 = arith.select %and3A_462, %add3A_469, %broadcast_in_dim3A_471 : vector<16xi1>, vector<16xi32>
        %sub3A_473 = vector.broadcast %mul3A_344 : i32 to vector<16xi32>
        %sub3A_474 = arith.subi %get3A_452, %sub3A_473 : vector<16xi32>
        tpu.vector_store_idx %arg10[%select_n3A_472], %sub3A_474 : memref<160xi32, #tpu.memory_space<vmem>>[vector<16xi32>], vector<16xi32>,
        tpu.vector_store_idx %arg11[%select_n3A_472], %get3A_456 : memref<160xi32, #tpu.memory_space<vmem>>[vector<16xi32>], vector<16xi32>,
        %reduce_sum3A = arith.constant true
        %reduce_sum3A_475 = vector.broadcast %reduce_sum3A : i1 to vector<16xi1>
        %reduce_sum3A_476 = tpu.scan <sum>, %convert_element_type3A_463 masked %reduce_sum3A_475 : vector<16xi32>, vector<16xi1> -> vector<16xi32>
        %reduce_sum3A_477 = vector.extract %reduce_sum3A_476[15] : i32 from vector<16xi32>
        %add3A_478 = arith.addi %while3A_449, %reduce_sum3A_477 : i32
        %min3A = arith.constant 128 : i32
        %min3A_479 = arith.minsi %add3A_478, %min3A : i32
        scf.yield %min3A_479 : i32
      }
      %while3A_383 = arith.constant 1 : i32
      %while3A_384 = scf.for %while3A_448 = %while3A_380 to %while3A_376 step %while3A_383 iter_args(%while3A_449 = %while3A_382) -> (i32)  : i32 {
        %mul3A_450 = arith.constant 16 : i32
        %mul3A_451 = arith.muli %while3A_448, %mul3A_450 : i32
        %get3A = arith.index_cast %mul3A_451 : i32 to index
        %get3A_452 = tpu.vector_load %arg8[%get3A] {strides = array<i32>} : memref<928xi32, #tpu.memory_space<vmem>>, vector<16xi32>,
        %mul3A_453 = arith.constant 16 : i32
        %mul3A_454 = arith.muli %while3A_448, %mul3A_453 : i32
        %get3A_455 = arith.index_cast %mul3A_454 : i32 to index
        %get3A_456 = tpu.vector_load %arg9[%get3A_455] {strides = array<i32>} : memref<928xi32, #tpu.memory_space<vmem>>, vector<16xi32>,
        %ge3A = vector.broadcast %mul3A_344 : i32 to vector<16xi32>
        %ge3A_457 = arith.cmpi sge, %get3A_452, %ge3A : vector<16xi32>
        %add3A_458 = arith.constant 512 : i32
        %add3A_459 = arith.addi %mul3A_344, %add3A_458 : i32
        %lt3A_460 = vector.broadcast %add3A_459 : i32 to vector<16xi32>
        %lt3A_461 = arith.cmpi slt, %get3A_452, %lt3A_460 : vector<16xi32>
        %and3A_462 = arith.andi %ge3A_457, %lt3A_461 : vector<16xi1>
        %convert_element_type3A_463 = arith.extui %and3A_462 : vector<16xi1> to vector<16xi32>
        %sub3A_464 = arith.constant 1 : i32
        %sub3A_465 = arith.subi %while3A_449, %sub3A_464 : i32
        %cumsum3A = arith.constant true
        %cumsum3A_466 = vector.broadcast %cumsum3A : i1 to vector<16xi1>
        %cumsum3A_467 = tpu.scan <sum>, %convert_element_type3A_463 masked %cumsum3A_466 : vector<16xi32>, vector<16xi1> -> vector<16xi32>
        %add3A_468 = vector.broadcast %sub3A_465 : i32 to vector<16xi32>
        %add3A_469 = arith.addi %add3A_468, %cumsum3A_467 : vector<16xi32>
        %jit3A_470 = arith.constant 144 : i32
        %broadcast_in_dim3A_471 = vector.broadcast %jit3A_470 : i32 to vector<16xi32>
        %select_n3A_472 = arith.select %and3A_462, %add3A_469, %broadcast_in_dim3A_471 : vector<16xi1>, vector<16xi32>
        %sub3A_473 = vector.broadcast %mul3A_344 : i32 to vector<16xi32>
        %sub3A_474 = arith.subi %get3A_452, %sub3A_473 : vector<16xi32>
        tpu.vector_store_idx %arg10[%select_n3A_472], %sub3A_474 : memref<160xi32, #tpu.memory_space<vmem>>[vector<16xi32>], vector<16xi32>,
        tpu.vector_store_idx %arg11[%select_n3A_472], %get3A_456 : memref<160xi32, #tpu.memory_space<vmem>>[vector<16xi32>], vector<16xi32>,
        %reduce_sum3A = arith.constant true
        %reduce_sum3A_475 = vector.broadcast %reduce_sum3A : i1 to vector<16xi1>
        %reduce_sum3A_476 = tpu.scan <sum>, %convert_element_type3A_463 masked %reduce_sum3A_475 : vector<16xi32>, vector<16xi1> -> vector<16xi32>
        %reduce_sum3A_477 = vector.extract %reduce_sum3A_476[15] : i32 from vector<16xi32>
        %add3A_478 = arith.addi %while3A_449, %reduce_sum3A_477 : i32
        %min3A = arith.constant 128 : i32
        %min3A_479 = arith.minsi %add3A_478, %min3A : i32
        scf.yield %min3A_479 : i32
      }
      %jit3A_385 = arith.constant 3 : i32
      %eq3A_386 = arith.constant 0 : i32
      %eq3A_387 = arith.cmpi eq, %jit3A_385, %eq3A_386 : i32
      %jit3A_388 = arith.constant 1 : i32
      %select_n3A_389 = arith.select %eq3A_387, %jit3A_388, %jit3A_385 : i32
      %rem3A_390 = arith.remsi %while3A_338, %select_n3A_389 : i32
      %ne3A_391 = arith.constant 0 : i32
      %ne3A_392 = arith.cmpi ne, %rem3A_390, %ne3A_391 : i32
      %lt3A = arith.constant 0 : i32
      %lt3A_393 = arith.cmpi slt, %rem3A_390, %lt3A : i32
      %lt3A_394 = arith.constant 0 : i32
      %lt3A_395 = arith.cmpi slt, %select_n3A_389, %lt3A_394 : i32
      %ne3A_396 = arith.xori %lt3A_393, %lt3A_395 : i1
      %and3A_397 = arith.andi %ne3A_396, %ne3A_392 : i1
      %add3A_398 = arith.addi %rem3A_390, %select_n3A_389 : i32
      %select_n3A_399 = arith.select %and3A_397, %add3A_398, %rem3A_390 : i32
      %dma_wait3A = arith.constant 0 : i32
      %dma_wait3A_400 = arith.constant 0 : i32
      %dma_wait3A_401 = tpu.memref_slice %arg6[%select_n3A_399, %dma_wait3A, %dma_wait3A_400] : memref<3x64x512xf32, #tpu.memory_space<vmem>> -> memref<1x64x512xf32, #tpu.memory_space<vmem>>
      %dma_wait3A_402 = tpu.memref_squeeze %dma_wait3A_401 : memref<1x64x512xf32, #tpu.memory_space<vmem>> -> memref<64x512xf32, #tpu.memory_space<vmem>>
      %dma_wait3A_403 = arith.constant 0 : i32
      %dma_wait3A_404 = arith.constant 0 : i32
      %dma_wait3A_405 = tpu.memref_slice %arg2[%dma_wait3A_403, %dma_wait3A_404] : memref<64x1000001xf32, #tpu.memory_space<hbm>> -> memref<64x512xf32, #tpu.memory_space<hbm>>
      %dma_wait3A_406 = arith.constant 0 : i32
      %dma_wait3A_407 = arith.constant 0 : i32
      %dma_wait3A_408 = tpu.memref_slice %arg6[%select_n3A_399, %dma_wait3A_406, %dma_wait3A_407] : memref<3x64x512xf32, #tpu.memory_space<vmem>> -> memref<1x64x512xf32, #tpu.memory_space<vmem>>
      %dma_wait3A_409 = tpu.memref_squeeze %dma_wait3A_408 : memref<1x64x512xf32, #tpu.memory_space<vmem>> -> memref<64x512xf32, #tpu.memory_space<vmem>>
      %dma_wait3A_410 = arith.constant 0 : i32
      %dma_wait3A_411 = arith.constant 0 : i32
      %dma_wait3A_412 = tpu.memref_slice %arg2[%dma_wait3A_410, %dma_wait3A_411] : memref<64x1000001xf32, #tpu.memory_space<hbm>> -> memref<64x512xf32, #tpu.memory_space<hbm>>
      tpu.wait_dma2 semaphore(%arg14 : memref<!tpu.dma_semaphore, #tpu.memory_space<semaphore_mem>>) src(%dma_wait3A_412 : memref<64x512xf32, #tpu.memory_space<hbm>>) dst(%dma_wait3A_409 : memref<64x512xf32, #tpu.memory_space<vmem>>)
      %add3A_413 = arith.constant 3 : i32
      %add3A_414 = arith.addi %while3A_338, %add3A_413 : i32
      %sub3A_415 = arith.constant 1 : i32
      %sub3A_416 = arith.subi %add3A_414, %sub3A_415 : i32
      %lt3A_417 = arith.cmpi slt, %sub3A_416, %add3A_3 : i32
      %convert_element_type3A_418 = arith.extui %lt3A_417 : i1 to i32
      %cond3A_419 = arith.constant 0 : i32
      %cond3A_420 = arith.cmpi ne, %convert_element_type3A_418, %cond3A_419 : i32
      scf.if %cond3A_420 {
        %add3A_448 = arith.constant 3 : i32
        %add3A_449 = arith.addi %while3A_338, %add3A_448 : i32
        %sub3A_450 = arith.constant 1 : i32
        %sub3A_451 = arith.subi %add3A_449, %sub3A_450 : i32
        %mul3A_452 = arith.constant 32 : i32
        %mul3A_453 = arith.muli %mul3A_452, %sub3A_451 : i32
        %add3A_454 = arith.addi %add3A, %mul3A_453 : i32
        %mul3A_455 = arith.constant 512 : i32
        %mul3A_456 = arith.muli %add3A_454, %mul3A_455 : i32
        %add3A_457 = arith.constant 3 : i32
        %add3A_458 = arith.addi %while3A_338, %add3A_457 : i32
        %sub3A_459 = arith.constant 1 : i32
        %sub3A_460 = arith.subi %add3A_458, %sub3A_459 : i32
        %jit3A_461 = arith.constant 3 : i32
        %eq3A_462 = arith.constant 0 : i32
        %eq3A_463 = arith.cmpi eq, %jit3A_461, %eq3A_462 : i32
        %jit3A_464 = arith.constant 1 : i32
        %select_n3A_465 = arith.select %eq3A_463, %jit3A_464, %jit3A_461 : i32
        %rem3A_466 = arith.remsi %sub3A_460, %select_n3A_465 : i32
        %ne3A_467 = arith.constant 0 : i32
        %ne3A_468 = arith.cmpi ne, %rem3A_466, %ne3A_467 : i32
        %lt3A_469 = arith.constant 0 : i32
        %lt3A_470 = arith.cmpi slt, %rem3A_466, %lt3A_469 : i32
        %lt3A_471 = arith.constant 0 : i32
        %lt3A_472 = arith.cmpi slt, %select_n3A_465, %lt3A_471 : i32
        %ne3A_473 = arith.xori %lt3A_470, %lt3A_472 : i1
        %and3A_474 = arith.andi %ne3A_473, %ne3A_468 : i1
        %add3A_475 = arith.addi %rem3A_466, %select_n3A_465 : i32
        %select_n3A_476 = arith.select %and3A_474, %add3A_475, %rem3A_466 : i32
        %dma_start3A_477 = arith.constant 0 : i32
        %dma_start3A_478 = arith.constant 0 : i32
        %dma_start3A_479 = tpu.memref_slice %arg6[%select_n3A_476, %dma_start3A_477, %dma_start3A_478] : memref<3x64x512xf32, #tpu.memory_space<vmem>> -> memref<1x64x512xf32, #tpu.memory_space<vmem>>
        %dma_start3A_480 = tpu.memref_squeeze %dma_start3A_479 : memref<1x64x512xf32, #tpu.memory_space<vmem>> -> memref<64x512xf32, #tpu.memory_space<vmem>>
        %dma_start3A_481 = arith.constant 0 : i32
        %dma_start3A_482 = tpu.memref_slice %arg2[%dma_start3A_481, %mul3A_456] : memref<64x1000001xf32, #tpu.memory_space<hbm>> -> memref<64x512xf32, #tpu.memory_space<hbm>>
        %dma_start3A_483 = arith.constant 0 : i32
        %dma_start3A_484 = arith.constant 0 : i32
        %dma_start3A_485 = tpu.memref_slice %arg6[%select_n3A_476, %dma_start3A_483, %dma_start3A_484] : memref<3x64x512xf32, #tpu.memory_space<vmem>> -> memref<1x64x512xf32, #tpu.memory_space<vmem>>
        %dma_start3A_486 = tpu.memref_squeeze %dma_start3A_485 : memref<1x64x512xf32, #tpu.memory_space<vmem>> -> memref<64x512xf32, #tpu.memory_space<vmem>>
        %dma_start3A_487 = arith.constant 0 : i32
        %dma_start3A_488 = tpu.memref_slice %arg2[%dma_start3A_487, %mul3A_456] : memref<64x1000001xf32, #tpu.memory_space<hbm>> -> memref<64x512xf32, #tpu.memory_space<hbm>>
        tpu.enqueue_dma source(%dma_start3A_488 : memref<64x512xf32, #tpu.memory_space<hbm>>) target(%dma_start3A_486 : memref<64x512xf32, #tpu.memory_space<vmem>>) target_semaphore(%arg14 : memref<!tpu.dma_semaphore, #tpu.memory_space<semaphore_mem>>)
      } else {
      }
      %jit3A_421 = arith.constant 3 : i32
      %eq3A_422 = arith.constant 0 : i32
      %eq3A_423 = arith.cmpi eq, %jit3A_421, %eq3A_422 : i32
      %jit3A_424 = arith.constant 1 : i32
      %select_n3A_425 = arith.select %eq3A_423, %jit3A_424, %jit3A_421 : i32
      %rem3A_426 = arith.remsi %while3A_338, %select_n3A_425 : i32
      %ne3A_427 = arith.constant 0 : i32
      %ne3A_428 = arith.cmpi ne, %rem3A_426, %ne3A_427 : i32
      %lt3A_429 = arith.constant 0 : i32
      %lt3A_430 = arith.cmpi slt, %rem3A_426, %lt3A_429 : i32
      %lt3A_431 = arith.constant 0 : i32
      %lt3A_432 = arith.cmpi slt, %select_n3A_425, %lt3A_431 : i32
      %ne3A_433 = arith.xori %lt3A_430, %lt3A_432 : i1
      %and3A_434 = arith.andi %ne3A_433, %ne3A_428 : i1
      %add3A_435 = arith.addi %rem3A_426, %select_n3A_425 : i32
      %select_n3A_436 = arith.select %and3A_434, %add3A_435, %rem3A_426 : i32
      %while3A_437 = arith.constant 0 : i32
      %while3A_438 = arith.subi %while3A_384, %while3A_437 : i32
      %while3A_439 = arith.addi %while3A_437, %while3A_438 : i32
      %while3A_440 = arith.constant 1 : i32
      %while3A_441 = arith.divsi %while3A_438, %while3A_440 : i32
      %while3A_442 = arith.muli %while3A_441, %while3A_440 : i32
      %while3A_443 = arith.addi %while3A_437, %while3A_442 : i32
      %while3A_444 = arith.constant 1 : i32
      %while3A_445 = scf.for %while3A_448 = %while3A_437 to %while3A_443 step %while3A_444 iter_args(%while3A_449 = %while3A_339) -> (i32)  : i32 {
        %jit3A_450 = arith.constant 16 : i32
        %div3A_451 = arith.divsi %while3A_448, %jit3A_450 : i32
        %sign3A_452 = arith.constant 0 : i32
        %sign3A_453 = arith.cmpi sgt, %while3A_448, %sign3A_452 : i32
        %sign3A_454 = arith.extui %sign3A_453 : i1 to i32
        %sign3A_455 = arith.constant 0 : i32
        %sign3A_456 = arith.cmpi slt, %while3A_448, %sign3A_455 : i32
        %sign3A_457 = arith.extui %sign3A_456 : i1 to i32
        %sign3A_458 = arith.subi %sign3A_454, %sign3A_457 : i32
        %sign3A_459 = arith.constant 0 : i32
        %sign3A_460 = arith.cmpi sgt, %jit3A_450, %sign3A_459 : i32
        %sign3A_461 = arith.extui %sign3A_460 : i1 to i32
        %sign3A_462 = arith.constant 0 : i32
        %sign3A_463 = arith.cmpi slt, %jit3A_450, %sign3A_462 : i32
        %sign3A_464 = arith.extui %sign3A_463 : i1 to i32
        %sign3A_465 = arith.subi %sign3A_461, %sign3A_464 : i32
        %ne3A_466 = arith.cmpi ne, %sign3A_458, %sign3A_465 : i32
        %rem3A_467 = arith.remsi %while3A_448, %jit3A_450 : i32
        %ne3A_468 = arith.constant 0 : i32
        %ne3A_469 = arith.cmpi ne, %rem3A_467, %ne3A_468 : i32
        %and3A_470 = arith.andi %ne3A_466, %ne3A_469 : i1
        %sub3A_471 = arith.constant 1 : i32
        %sub3A_472 = arith.subi %div3A_451, %sub3A_471 : i32
        %select_n3A_473 = arith.select %and3A_470, %sub3A_472, %div3A_451 : i32
        %mul3A_474 = arith.constant 16 : i32
        %mul3A_475 = arith.muli %select_n3A_473, %mul3A_474 : i32
        %get3A = arith.index_cast %mul3A_475 : i32 to index
        %get3A_476 = tpu.vector_load %arg10[%get3A] {strides = array<i32>} : memref<160xi32, #tpu.memory_space<vmem>>, vector<16xi32>,
        %sub3A_477 = arith.subi %while3A_448, %mul3A_475 : i32
        %iota3A = tpu.iota {dimensions = array<i32: 0>} : vector<16xi32>
        %eq3A_478 = vector.broadcast %sub3A_477 : i32 to vector<16xi32>
        %eq3A_479 = arith.cmpi eq, %iota3A, %eq3A_478 : vector<16xi32>
        %jit3A_480 = arith.constant -1 : i32
        %broadcast_in_dim3A_481 = vector.broadcast %jit3A_480 : i32 to vector<16xi32>
        %select_n3A_482 = arith.select %eq3A_479, %get3A_476, %broadcast_in_dim3A_481 : vector<16xi1>, vector<16xi32>
        %reduce_max3A = arith.constant true
        %reduce_max3A_483 = vector.broadcast %reduce_max3A : i1 to vector<16xi1>
        %reduce_max3A_484 = arith.constant -2147483648 : i32
        %reduce_max3A_485 = vector.broadcast %reduce_max3A_484 : i32 to vector<16xi32>
        %reduce_max3A_486 = arith.xori %select_n3A_482, %reduce_max3A_485 : vector<16xi32>
        %reduce_max3A_487 = tpu.scan <max>, %reduce_max3A_486 masked %reduce_max3A_483 : vector<16xi32>, vector<16xi1> -> vector<16xi32>
        %reduce_max3A_488 = arith.xori %reduce_max3A_487, %reduce_max3A_485 : vector<16xi32>
        %reduce_max3A_489 = vector.extract %reduce_max3A_488[15] : i32 from vector<16xi32>
        %jit3A_490 = arith.constant 16 : i32
        %div3A_491 = arith.divsi %while3A_448, %jit3A_490 : i32
        %sign3A_492 = arith.constant 0 : i32
        %sign3A_493 = arith.cmpi sgt, %while3A_448, %sign3A_492 : i32
        %sign3A_494 = arith.extui %sign3A_493 : i1 to i32
        %sign3A_495 = arith.constant 0 : i32
        %sign3A_496 = arith.cmpi slt, %while3A_448, %sign3A_495 : i32
        %sign3A_497 = arith.extui %sign3A_496 : i1 to i32
        %sign3A_498 = arith.subi %sign3A_494, %sign3A_497 : i32
        %sign3A_499 = arith.constant 0 : i32
        %sign3A_500 = arith.cmpi sgt, %jit3A_490, %sign3A_499 : i32
        %sign3A_501 = arith.extui %sign3A_500 : i1 to i32
        %sign3A_502 = arith.constant 0 : i32
        %sign3A_503 = arith.cmpi slt, %jit3A_490, %sign3A_502 : i32
        %sign3A_504 = arith.extui %sign3A_503 : i1 to i32
        %sign3A_505 = arith.subi %sign3A_501, %sign3A_504 : i32
        %ne3A_506 = arith.cmpi ne, %sign3A_498, %sign3A_505 : i32
        %rem3A_507 = arith.remsi %while3A_448, %jit3A_490 : i32
        %ne3A_508 = arith.constant 0 : i32
        %ne3A_509 = arith.cmpi ne, %rem3A_507, %ne3A_508 : i32
        %and3A_510 = arith.andi %ne3A_506, %ne3A_509 : i1
        %sub3A_511 = arith.constant 1 : i32
        %sub3A_512 = arith.subi %div3A_491, %sub3A_511 : i32
        %select_n3A_513 = arith.select %and3A_510, %sub3A_512, %div3A_491 : i32
        %mul3A_514 = arith.constant 16 : i32
        %mul3A_515 = arith.muli %select_n3A_513, %mul3A_514 : i32
        %get3A_516 = arith.index_cast %mul3A_515 : i32 to index
        %get3A_517 = tpu.vector_load %arg11[%get3A_516] {strides = array<i32>} : memref<160xi32, #tpu.memory_space<vmem>>, vector<16xi32>,
        %sub3A_518 = arith.subi %while3A_448, %mul3A_515 : i32
        %iota3A_519 = tpu.iota {dimensions = array<i32: 0>} : vector<16xi32>
        %eq3A_520 = vector.broadcast %sub3A_518 : i32 to vector<16xi32>
        %eq3A_521 = arith.cmpi eq, %iota3A_519, %eq3A_520 : vector<16xi32>
        %jit3A_522 = arith.constant -1 : i32
        %broadcast_in_dim3A_523 = vector.broadcast %jit3A_522 : i32 to vector<16xi32>
        %select_n3A_524 = arith.select %eq3A_521, %get3A_517, %broadcast_in_dim3A_523 : vector<16xi1>, vector<16xi32>
        %reduce_max3A_525 = arith.constant true
        %reduce_max3A_526 = vector.broadcast %reduce_max3A_525 : i1 to vector<16xi1>
        %reduce_max3A_527 = arith.constant -2147483648 : i32
        %reduce_max3A_528 = vector.broadcast %reduce_max3A_527 : i32 to vector<16xi32>
        %reduce_max3A_529 = arith.xori %select_n3A_524, %reduce_max3A_528 : vector<16xi32>
        %reduce_max3A_530 = tpu.scan <max>, %reduce_max3A_529 masked %reduce_max3A_526 : vector<16xi32>, vector<16xi1> -> vector<16xi32>
        %reduce_max3A_531 = arith.xori %reduce_max3A_530, %reduce_max3A_528 : vector<16xi32>
        %reduce_max3A_532 = vector.extract %reduce_max3A_531[15] : i32 from vector<16xi32>
        %iota3A_533 = tpu.iota {dimensions = array<i32: 0>} : vector<16xi32>
        %add3A_534 = arith.constant 0 : i32
        %add3A_535 = vector.broadcast %add3A_534 : i32 to vector<16xi32>
        %add3A_536 = arith.addi %iota3A_533, %add3A_535 : vector<16xi32>
        %broadcast_in_dim3A_537 = vector.broadcast %reduce_max3A_489 : i32 to vector<16xi32>
        %gather3A = arith.constant 0 : i32
        %gather3A_538 = arith.constant 0 : i32
        %gather3A_539 = tpu.memref_slice %arg6[%select_n3A_436, %gather3A, %gather3A_538] : memref<3x64x512xf32, #tpu.memory_space<vmem>> -> memref<1x64x512xf32, #tpu.memory_space<vmem>>
        %gather3A_540 = tpu.memref_squeeze %gather3A_539 : memref<1x64x512xf32, #tpu.memory_space<vmem>> -> memref<64x512xf32, #tpu.memory_space<vmem>>
        %gather3A_541 = tpu.vector_load_idx %gather3A_540[%add3A_536, %broadcast_in_dim3A_537] : memref<64x512xf32, #tpu.memory_space<vmem>>[vector<16xi32>, vector<16xi32>], vector<16xf32>,
        %swap3A_542 = arith.index_cast %while3A_449 : i32 to index
        %swap3A_543 = arith.constant 0 : index
        %swap3A_544 = tpu.vector_load %arg12[%swap3A_542, %swap3A_543] {strides = array<i32>} : memref<32x128xf32, #tpu.memory_space<vmem>>, vector<16xf32>,
        tpu.vector_store %arg12[%swap3A_542, %swap3A_543], %gather3A_541 {strides = array<i32>} : memref<32x128xf32, #tpu.memory_space<vmem>>, vector<16xf32>,
        %iota3A_545 = tpu.iota {dimensions = array<i32: 0>} : vector<16xi32>
        %add3A_546 = arith.constant 16 : i32
        %add3A_547 = vector.broadcast %add3A_546 : i32 to vector<16xi32>
        %add3A_548 = arith.addi %iota3A_545, %add3A_547 : vector<16xi32>
        %broadcast_in_dim3A_549 = vector.broadcast %reduce_max3A_489 : i32 to vector<16xi32>
        %gather3A_550 = arith.constant 0 : i32
        %gather3A_551 = arith.constant 0 : i32
        %gather3A_552 = tpu.memref_slice %arg6[%select_n3A_436, %gather3A_550, %gather3A_551] : memref<3x64x512xf32, #tpu.memory_space<vmem>> -> memref<1x64x512xf32, #tpu.memory_space<vmem>>
        %gather3A_553 = tpu.memref_squeeze %gather3A_552 : memref<1x64x512xf32, #tpu.memory_space<vmem>> -> memref<64x512xf32, #tpu.memory_space<vmem>>
        %gather3A_554 = tpu.vector_load_idx %gather3A_553[%add3A_548, %broadcast_in_dim3A_549] : memref<64x512xf32, #tpu.memory_space<vmem>>[vector<16xi32>, vector<16xi32>], vector<16xf32>,
        %swap3A_555 = arith.index_cast %while3A_449 : i32 to index
        %swap3A_556 = arith.constant 16 : index
        %swap3A_557 = tpu.vector_load %arg12[%swap3A_555, %swap3A_556] {strides = array<i32>} : memref<32x128xf32, #tpu.memory_space<vmem>>, vector<16xf32>,
        tpu.vector_store %arg12[%swap3A_555, %swap3A_556], %gather3A_554 {strides = array<i32>} : memref<32x128xf32, #tpu.memory_space<vmem>>, vector<16xf32>,
        %iota3A_558 = tpu.iota {dimensions = array<i32: 0>} : vector<16xi32>
        %add3A_559 = arith.constant 32 : i32
        %add3A_560 = vector.broadcast %add3A_559 : i32 to vector<16xi32>
        %add3A_561 = arith.addi %iota3A_558, %add3A_560 : vector<16xi32>
        %broadcast_in_dim3A_562 = vector.broadcast %reduce_max3A_489 : i32 to vector<16xi32>
        %gather3A_563 = arith.constant 0 : i32
        %gather3A_564 = arith.constant 0 : i32
        %gather3A_565 = tpu.memref_slice %arg6[%select_n3A_436, %gather3A_563, %gather3A_564] : memref<3x64x512xf32, #tpu.memory_space<vmem>> -> memref<1x64x512xf32, #tpu.memory_space<vmem>>
        %gather3A_566 = tpu.memref_squeeze %gather3A_565 : memref<1x64x512xf32, #tpu.memory_space<vmem>> -> memref<64x512xf32, #tpu.memory_space<vmem>>
        %gather3A_567 = tpu.vector_load_idx %gather3A_566[%add3A_561, %broadcast_in_dim3A_562] : memref<64x512xf32, #tpu.memory_space<vmem>>[vector<16xi32>, vector<16xi32>], vector<16xf32>,
        %swap3A_568 = arith.index_cast %while3A_449 : i32 to index
        %swap3A_569 = arith.constant 32 : index
        %swap3A_570 = tpu.vector_load %arg12[%swap3A_568, %swap3A_569] {strides = array<i32>} : memref<32x128xf32, #tpu.memory_space<vmem>>, vector<16xf32>,
        tpu.vector_store %arg12[%swap3A_568, %swap3A_569], %gather3A_567 {strides = array<i32>} : memref<32x128xf32, #tpu.memory_space<vmem>>, vector<16xf32>,
        %iota3A_571 = tpu.iota {dimensions = array<i32: 0>} : vector<16xi32>
        %add3A_572 = arith.constant 48 : i32
        %add3A_573 = vector.broadcast %add3A_572 : i32 to vector<16xi32>
        %add3A_574 = arith.addi %iota3A_571, %add3A_573 : vector<16xi32>
        %broadcast_in_dim3A_575 = vector.broadcast %reduce_max3A_489 : i32 to vector<16xi32>
        %gather3A_576 = arith.constant 0 : i32
        %gather3A_577 = arith.constant 0 : i32
        %gather3A_578 = tpu.memref_slice %arg6[%select_n3A_436, %gather3A_576, %gather3A_577] : memref<3x64x512xf32, #tpu.memory_space<vmem>> -> memref<1x64x512xf32, #tpu.memory_space<vmem>>
        %gather3A_579 = tpu.memref_squeeze %gather3A_578 : memref<1x64x512xf32, #tpu.memory_space<vmem>> -> memref<64x512xf32, #tpu.memory_space<vmem>>
        %gather3A_580 = tpu.vector_load_idx %gather3A_579[%add3A_574, %broadcast_in_dim3A_575] : memref<64x512xf32, #tpu.memory_space<vmem>>[vector<16xi32>, vector<16xi32>], vector<16xf32>,
        %swap3A_581 = arith.index_cast %while3A_449 : i32 to index
        %swap3A_582 = arith.constant 48 : index
        %swap3A_583 = tpu.vector_load %arg12[%swap3A_581, %swap3A_582] {strides = array<i32>} : memref<32x128xf32, #tpu.memory_space<vmem>>, vector<16xf32>,
        tpu.vector_store %arg12[%swap3A_581, %swap3A_582], %gather3A_580 {strides = array<i32>} : memref<32x128xf32, #tpu.memory_space<vmem>>, vector<16xf32>,
        %jit3A_584 = arith.constant 16 : i32
        %div3A_585 = arith.divsi %while3A_449, %jit3A_584 : i32
        %sign3A_586 = arith.constant 0 : i32
        %sign3A_587 = arith.cmpi sgt, %while3A_449, %sign3A_586 : i32
        %sign3A_588 = arith.extui %sign3A_587 : i1 to i32
        %sign3A_589 = arith.constant 0 : i32
        %sign3A_590 = arith.cmpi slt, %while3A_449, %sign3A_589 : i32
        %sign3A_591 = arith.extui %sign3A_590 : i1 to i32
        %sign3A_592 = arith.subi %sign3A_588, %sign3A_591 : i32
        %sign3A_593 = arith.constant 0 : i32
        %sign3A_594 = arith.cmpi sgt, %jit3A_584, %sign3A_593 : i32
        %sign3A_595 = arith.extui %sign3A_594 : i1 to i32
        %sign3A_596 = arith.constant 0 : i32
        %sign3A_597 = arith.cmpi slt, %jit3A_584, %sign3A_596 : i32
        %sign3A_598 = arith.extui %sign3A_597 : i1 to i32
        %sign3A_599 = arith.subi %sign3A_595, %sign3A_598 : i32
        %ne3A_600 = arith.cmpi ne, %sign3A_592, %sign3A_599 : i32
        %rem3A_601 = arith.remsi %while3A_449, %jit3A_584 : i32
        %ne3A_602 = arith.constant 0 : i32
        %ne3A_603 = arith.cmpi ne, %rem3A_601, %ne3A_602 : i32
        %and3A_604 = arith.andi %ne3A_600, %ne3A_603 : i1
        %sub3A_605 = arith.constant 1 : i32
        %sub3A_606 = arith.subi %div3A_585, %sub3A_605 : i32
        %select_n3A_607 = arith.select %and3A_604, %sub3A_606, %div3A_585 : i32
        %mul3A_608 = arith.constant 16 : i32
        %mul3A_609 = arith.muli %select_n3A_607, %mul3A_608 : i32
        %get3A_610 = arith.index_cast %mul3A_609 : i32 to index
        %get3A_611 = tpu.vector_load %arg13[%get3A_610] {strides = array<i32>} : memref<32xi32, #tpu.memory_space<vmem>>, vector<16xi32>,
        %iota3A_612 = tpu.iota {dimensions = array<i32: 0>} : vector<16xi32>
        %sub3A_613 = arith.subi %while3A_449, %mul3A_609 : i32
        %eq3A_614 = vector.broadcast %sub3A_613 : i32 to vector<16xi32>
        %eq3A_615 = arith.cmpi eq, %iota3A_612, %eq3A_614 : vector<16xi32>
        %broadcast_in_dim3A_616 = vector.broadcast %reduce_max3A_532 : i32 to vector<16xi32>
        %select_n3A_617 = arith.select %eq3A_615, %broadcast_in_dim3A_616, %get3A_611 : vector<16xi1>, vector<16xi32>
        %swap3A_618 = arith.index_cast %mul3A_609 : i32 to index
        %swap3A_619 = tpu.vector_load %arg13[%swap3A_618] {strides = array<i32>} : memref<32xi32, #tpu.memory_space<vmem>>, vector<16xi32>,
        tpu.vector_store %arg13[%swap3A_618], %select_n3A_617 {strides = array<i32>} : memref<32xi32, #tpu.memory_space<vmem>>, vector<16xi32>,
        %add3A_620 = arith.constant 1 : i32
        %add3A_621 = arith.addi %while3A_449, %add3A_620 : i32
        %eq3A_622 = arith.constant 32 : i32
        %eq3A_623 = arith.cmpi eq, %add3A_621, %eq3A_622 : i32
        %convert_element_type3A_624 = arith.extui %eq3A_623 : i1 to i32
        %cond3A_625 = arith.constant 0 : i32
        %cond3A_626 = arith.cmpi ne, %convert_element_type3A_624, %cond3A_625 : i32
        scf.if %cond3A_626 {
          %dma_start3A_631 = arith.constant 0 : i32
          %dma_start3A_632 = arith.constant 0 : i32
          %dma_start3A_633 = tpu.memref_slice %arg4[%dma_start3A_631, %dma_start3A_632] : memref<16392x128xf32, #tpu.memory_space<hbm>> -> memref<16392x128xf32, #tpu.memory_space<hbm>>
          tpu.enqueue_indirect_dma source(%arg12 : memref<32x128xf32, #tpu.memory_space<vmem>>) target(%dma_start3A_633 : memref<16392x128xf32, #tpu.memory_space<hbm>>) offsets(%arg13 : memref<32xi32, #tpu.memory_space<vmem>>) semaphore(%arg15 : memref<!tpu.dma_semaphore, #tpu.memory_space<semaphore_mem>>)
          %dma_wait3A_634 = arith.constant 0 : i32
          %dma_wait3A_635 = arith.constant 0 : i32
          %dma_wait3A_636 = tpu.memref_slice %arg4[%dma_wait3A_634, %dma_wait3A_635] : memref<16392x128xf32, #tpu.memory_space<hbm>> -> memref<16392x128xf32, #tpu.memory_space<hbm>>
          tpu.wait_indirect_dma semaphore(%arg15 : memref<!tpu.dma_semaphore, #tpu.memory_space<semaphore_mem>>) src(%arg12 : memref<32x128xf32, #tpu.memory_space<vmem>>) dst(%dma_wait3A_636 : memref<16392x128xf32, #tpu.memory_space<hbm>>)
          %broadcast_in_dim3A_637 = arith.constant 16384 : i32
          %broadcast_in_dim3A_638 = vector.broadcast %broadcast_in_dim3A_637 : i32 to vector<16xi32>
          %swap3A_639 = arith.constant 0 : index
          %swap3A_640 = tpu.vector_load %arg13[%swap3A_639] {strides = array<i32>} : memref<32xi32, #tpu.memory_space<vmem>>, vector<16xi32>,
          tpu.vector_store %arg13[%swap3A_639], %broadcast_in_dim3A_638 {strides = array<i32>} : memref<32xi32, #tpu.memory_space<vmem>>, vector<16xi32>,
          %broadcast_in_dim3A_641 = arith.constant 16384 : i32
          %broadcast_in_dim3A_642 = vector.broadcast %broadcast_in_dim3A_641 : i32 to vector<16xi32>
          %swap3A_643 = arith.constant 16 : index
          %swap3A_644 = tpu.vector_load %arg13[%swap3A_643] {strides = array<i32>} : memref<32xi32, #tpu.memory_space<vmem>>, vector<16xi32>,
          tpu.vector_store %arg13[%swap3A_643], %broadcast_in_dim3A_642 {strides = array<i32>} : memref<32xi32, #tpu.memory_space<vmem>>, vector<16xi32>,
        } else {
        }
        %add3A_627 = arith.constant 1 : i32
        %add3A_628 = arith.addi %while3A_449, %add3A_627 : i32
        %jit3A_629 = arith.constant 0 : i32
        %select_n3A_630 = arith.select %eq3A_623, %jit3A_629, %add3A_628 : i32
        scf.yield %select_n3A_630 : i32
      }
      %while3A_446 = arith.constant 1 : i32
      %while3A_447 = scf.for %while3A_448 = %while3A_443 to %while3A_439 step %while3A_446 iter_args(%while3A_449 = %while3A_445) -> (i32)  : i32 {
        %jit3A_450 = arith.constant 16 : i32
        %div3A_451 = arith.divsi %while3A_448, %jit3A_450 : i32
        %sign3A_452 = arith.constant 0 : i32
        %sign3A_453 = arith.cmpi sgt, %while3A_448, %sign3A_452 : i32
        %sign3A_454 = arith.extui %sign3A_453 : i1 to i32
        %sign3A_455 = arith.constant 0 : i32
        %sign3A_456 = arith.cmpi slt, %while3A_448, %sign3A_455 : i32
        %sign3A_457 = arith.extui %sign3A_456 : i1 to i32
        %sign3A_458 = arith.subi %sign3A_454, %sign3A_457 : i32
        %sign3A_459 = arith.constant 0 : i32
        %sign3A_460 = arith.cmpi sgt, %jit3A_450, %sign3A_459 : i32
        %sign3A_461 = arith.extui %sign3A_460 : i1 to i32
        %sign3A_462 = arith.constant 0 : i32
        %sign3A_463 = arith.cmpi slt, %jit3A_450, %sign3A_462 : i32
        %sign3A_464 = arith.extui %sign3A_463 : i1 to i32
        %sign3A_465 = arith.subi %sign3A_461, %sign3A_464 : i32
        %ne3A_466 = arith.cmpi ne, %sign3A_458, %sign3A_465 : i32
        %rem3A_467 = arith.remsi %while3A_448, %jit3A_450 : i32
        %ne3A_468 = arith.constant 0 : i32
        %ne3A_469 = arith.cmpi ne, %rem3A_467, %ne3A_468 : i32
        %and3A_470 = arith.andi %ne3A_466, %ne3A_469 : i1
        %sub3A_471 = arith.constant 1 : i32
        %sub3A_472 = arith.subi %div3A_451, %sub3A_471 : i32
        %select_n3A_473 = arith.select %and3A_470, %sub3A_472, %div3A_451 : i32
        %mul3A_474 = arith.constant 16 : i32
        %mul3A_475 = arith.muli %select_n3A_473, %mul3A_474 : i32
        %get3A = arith.index_cast %mul3A_475 : i32 to index
        %get3A_476 = tpu.vector_load %arg10[%get3A] {strides = array<i32>} : memref<160xi32, #tpu.memory_space<vmem>>, vector<16xi32>,
        %sub3A_477 = arith.subi %while3A_448, %mul3A_475 : i32
        %iota3A = tpu.iota {dimensions = array<i32: 0>} : vector<16xi32>
        %eq3A_478 = vector.broadcast %sub3A_477 : i32 to vector<16xi32>
        %eq3A_479 = arith.cmpi eq, %iota3A, %eq3A_478 : vector<16xi32>
        %jit3A_480 = arith.constant -1 : i32
        %broadcast_in_dim3A_481 = vector.broadcast %jit3A_480 : i32 to vector<16xi32>
        %select_n3A_482 = arith.select %eq3A_479, %get3A_476, %broadcast_in_dim3A_481 : vector<16xi1>, vector<16xi32>
        %reduce_max3A = arith.constant true
        %reduce_max3A_483 = vector.broadcast %reduce_max3A : i1 to vector<16xi1>
        %reduce_max3A_484 = arith.constant -2147483648 : i32
        %reduce_max3A_485 = vector.broadcast %reduce_max3A_484 : i32 to vector<16xi32>
        %reduce_max3A_486 = arith.xori %select_n3A_482, %reduce_max3A_485 : vector<16xi32>
        %reduce_max3A_487 = tpu.scan <max>, %reduce_max3A_486 masked %reduce_max3A_483 : vector<16xi32>, vector<16xi1> -> vector<16xi32>
        %reduce_max3A_488 = arith.xori %reduce_max3A_487, %reduce_max3A_485 : vector<16xi32>
        %reduce_max3A_489 = vector.extract %reduce_max3A_488[15] : i32 from vector<16xi32>
        %jit3A_490 = arith.constant 16 : i32
        %div3A_491 = arith.divsi %while3A_448, %jit3A_490 : i32
        %sign3A_492 = arith.constant 0 : i32
        %sign3A_493 = arith.cmpi sgt, %while3A_448, %sign3A_492 : i32
        %sign3A_494 = arith.extui %sign3A_493 : i1 to i32
        %sign3A_495 = arith.constant 0 : i32
        %sign3A_496 = arith.cmpi slt, %while3A_448, %sign3A_495 : i32
        %sign3A_497 = arith.extui %sign3A_496 : i1 to i32
        %sign3A_498 = arith.subi %sign3A_494, %sign3A_497 : i32
        %sign3A_499 = arith.constant 0 : i32
        %sign3A_500 = arith.cmpi sgt, %jit3A_490, %sign3A_499 : i32
        %sign3A_501 = arith.extui %sign3A_500 : i1 to i32
        %sign3A_502 = arith.constant 0 : i32
        %sign3A_503 = arith.cmpi slt, %jit3A_490, %sign3A_502 : i32
        %sign3A_504 = arith.extui %sign3A_503 : i1 to i32
        %sign3A_505 = arith.subi %sign3A_501, %sign3A_504 : i32
        %ne3A_506 = arith.cmpi ne, %sign3A_498, %sign3A_505 : i32
        %rem3A_507 = arith.remsi %while3A_448, %jit3A_490 : i32
        %ne3A_508 = arith.constant 0 : i32
        %ne3A_509 = arith.cmpi ne, %rem3A_507, %ne3A_508 : i32
        %and3A_510 = arith.andi %ne3A_506, %ne3A_509 : i1
        %sub3A_511 = arith.constant 1 : i32
        %sub3A_512 = arith.subi %div3A_491, %sub3A_511 : i32
        %select_n3A_513 = arith.select %and3A_510, %sub3A_512, %div3A_491 : i32
        %mul3A_514 = arith.constant 16 : i32
        %mul3A_515 = arith.muli %select_n3A_513, %mul3A_514 : i32
        %get3A_516 = arith.index_cast %mul3A_515 : i32 to index
        %get3A_517 = tpu.vector_load %arg11[%get3A_516] {strides = array<i32>} : memref<160xi32, #tpu.memory_space<vmem>>, vector<16xi32>,
        %sub3A_518 = arith.subi %while3A_448, %mul3A_515 : i32
        %iota3A_519 = tpu.iota {dimensions = array<i32: 0>} : vector<16xi32>
        %eq3A_520 = vector.broadcast %sub3A_518 : i32 to vector<16xi32>
        %eq3A_521 = arith.cmpi eq, %iota3A_519, %eq3A_520 : vector<16xi32>
        %jit3A_522 = arith.constant -1 : i32
        %broadcast_in_dim3A_523 = vector.broadcast %jit3A_522 : i32 to vector<16xi32>
        %select_n3A_524 = arith.select %eq3A_521, %get3A_517, %broadcast_in_dim3A_523 : vector<16xi1>, vector<16xi32>
        %reduce_max3A_525 = arith.constant true
        %reduce_max3A_526 = vector.broadcast %reduce_max3A_525 : i1 to vector<16xi1>
        %reduce_max3A_527 = arith.constant -2147483648 : i32
        %reduce_max3A_528 = vector.broadcast %reduce_max3A_527 : i32 to vector<16xi32>
        %reduce_max3A_529 = arith.xori %select_n3A_524, %reduce_max3A_528 : vector<16xi32>
        %reduce_max3A_530 = tpu.scan <max>, %reduce_max3A_529 masked %reduce_max3A_526 : vector<16xi32>, vector<16xi1> -> vector<16xi32>
        %reduce_max3A_531 = arith.xori %reduce_max3A_530, %reduce_max3A_528 : vector<16xi32>
        %reduce_max3A_532 = vector.extract %reduce_max3A_531[15] : i32 from vector<16xi32>
        %iota3A_533 = tpu.iota {dimensions = array<i32: 0>} : vector<16xi32>
        %add3A_534 = arith.constant 0 : i32
        %add3A_535 = vector.broadcast %add3A_534 : i32 to vector<16xi32>
        %add3A_536 = arith.addi %iota3A_533, %add3A_535 : vector<16xi32>
        %broadcast_in_dim3A_537 = vector.broadcast %reduce_max3A_489 : i32 to vector<16xi32>
        %gather3A = arith.constant 0 : i32
        %gather3A_538 = arith.constant 0 : i32
        %gather3A_539 = tpu.memref_slice %arg6[%select_n3A_436, %gather3A, %gather3A_538] : memref<3x64x512xf32, #tpu.memory_space<vmem>> -> memref<1x64x512xf32, #tpu.memory_space<vmem>>
        %gather3A_540 = tpu.memref_squeeze %gather3A_539 : memref<1x64x512xf32, #tpu.memory_space<vmem>> -> memref<64x512xf32, #tpu.memory_space<vmem>>
        %gather3A_541 = tpu.vector_load_idx %gather3A_540[%add3A_536, %broadcast_in_dim3A_537] : memref<64x512xf32, #tpu.memory_space<vmem>>[vector<16xi32>, vector<16xi32>], vector<16xf32>,
        %swap3A_542 = arith.index_cast %while3A_449 : i32 to index
        %swap3A_543 = arith.constant 0 : index
        %swap3A_544 = tpu.vector_load %arg12[%swap3A_542, %swap3A_543] {strides = array<i32>} : memref<32x128xf32, #tpu.memory_space<vmem>>, vector<16xf32>,
        tpu.vector_store %arg12[%swap3A_542, %swap3A_543], %gather3A_541 {strides = array<i32>} : memref<32x128xf32, #tpu.memory_space<vmem>>, vector<16xf32>,
        %iota3A_545 = tpu.iota {dimensions = array<i32: 0>} : vector<16xi32>
        %add3A_546 = arith.constant 16 : i32
        %add3A_547 = vector.broadcast %add3A_546 : i32 to vector<16xi32>
        %add3A_548 = arith.addi %iota3A_545, %add3A_547 : vector<16xi32>
        %broadcast_in_dim3A_549 = vector.broadcast %reduce_max3A_489 : i32 to vector<16xi32>
        %gather3A_550 = arith.constant 0 : i32
        %gather3A_551 = arith.constant 0 : i32
        %gather3A_552 = tpu.memref_slice %arg6[%select_n3A_436, %gather3A_550, %gather3A_551] : memref<3x64x512xf32, #tpu.memory_space<vmem>> -> memref<1x64x512xf32, #tpu.memory_space<vmem>>
        %gather3A_553 = tpu.memref_squeeze %gather3A_552 : memref<1x64x512xf32, #tpu.memory_space<vmem>> -> memref<64x512xf32, #tpu.memory_space<vmem>>
        %gather3A_554 = tpu.vector_load_idx %gather3A_553[%add3A_548, %broadcast_in_dim3A_549] : memref<64x512xf32, #tpu.memory_space<vmem>>[vector<16xi32>, vector<16xi32>], vector<16xf32>,
        %swap3A_555 = arith.index_cast %while3A_449 : i32 to index
        %swap3A_556 = arith.constant 16 : index
        %swap3A_557 = tpu.vector_load %arg12[%swap3A_555, %swap3A_556] {strides = array<i32>} : memref<32x128xf32, #tpu.memory_space<vmem>>, vector<16xf32>,
        tpu.vector_store %arg12[%swap3A_555, %swap3A_556], %gather3A_554 {strides = array<i32>} : memref<32x128xf32, #tpu.memory_space<vmem>>, vector<16xf32>,
        %iota3A_558 = tpu.iota {dimensions = array<i32: 0>} : vector<16xi32>
        %add3A_559 = arith.constant 32 : i32
        %add3A_560 = vector.broadcast %add3A_559 : i32 to vector<16xi32>
        %add3A_561 = arith.addi %iota3A_558, %add3A_560 : vector<16xi32>
        %broadcast_in_dim3A_562 = vector.broadcast %reduce_max3A_489 : i32 to vector<16xi32>
        %gather3A_563 = arith.constant 0 : i32
        %gather3A_564 = arith.constant 0 : i32
        %gather3A_565 = tpu.memref_slice %arg6[%select_n3A_436, %gather3A_563, %gather3A_564] : memref<3x64x512xf32, #tpu.memory_space<vmem>> -> memref<1x64x512xf32, #tpu.memory_space<vmem>>
        %gather3A_566 = tpu.memref_squeeze %gather3A_565 : memref<1x64x512xf32, #tpu.memory_space<vmem>> -> memref<64x512xf32, #tpu.memory_space<vmem>>
        %gather3A_567 = tpu.vector_load_idx %gather3A_566[%add3A_561, %broadcast_in_dim3A_562] : memref<64x512xf32, #tpu.memory_space<vmem>>[vector<16xi32>, vector<16xi32>], vector<16xf32>,
        %swap3A_568 = arith.index_cast %while3A_449 : i32 to index
        %swap3A_569 = arith.constant 32 : index
        %swap3A_570 = tpu.vector_load %arg12[%swap3A_568, %swap3A_569] {strides = array<i32>} : memref<32x128xf32, #tpu.memory_space<vmem>>, vector<16xf32>,
        tpu.vector_store %arg12[%swap3A_568, %swap3A_569], %gather3A_567 {strides = array<i32>} : memref<32x128xf32, #tpu.memory_space<vmem>>, vector<16xf32>,
        %iota3A_571 = tpu.iota {dimensions = array<i32: 0>} : vector<16xi32>
        %add3A_572 = arith.constant 48 : i32
        %add3A_573 = vector.broadcast %add3A_572 : i32 to vector<16xi32>
        %add3A_574 = arith.addi %iota3A_571, %add3A_573 : vector<16xi32>
        %broadcast_in_dim3A_575 = vector.broadcast %reduce_max3A_489 : i32 to vector<16xi32>
        %gather3A_576 = arith.constant 0 : i32
        %gather3A_577 = arith.constant 0 : i32
        %gather3A_578 = tpu.memref_slice %arg6[%select_n3A_436, %gather3A_576, %gather3A_577] : memref<3x64x512xf32, #tpu.memory_space<vmem>> -> memref<1x64x512xf32, #tpu.memory_space<vmem>>
        %gather3A_579 = tpu.memref_squeeze %gather3A_578 : memref<1x64x512xf32, #tpu.memory_space<vmem>> -> memref<64x512xf32, #tpu.memory_space<vmem>>
        %gather3A_580 = tpu.vector_load_idx %gather3A_579[%add3A_574, %broadcast_in_dim3A_575] : memref<64x512xf32, #tpu.memory_space<vmem>>[vector<16xi32>, vector<16xi32>], vector<16xf32>,
        %swap3A_581 = arith.index_cast %while3A_449 : i32 to index
        %swap3A_582 = arith.constant 48 : index
        %swap3A_583 = tpu.vector_load %arg12[%swap3A_581, %swap3A_582] {strides = array<i32>} : memref<32x128xf32, #tpu.memory_space<vmem>>, vector<16xf32>,
        tpu.vector_store %arg12[%swap3A_581, %swap3A_582], %gather3A_580 {strides = array<i32>} : memref<32x128xf32, #tpu.memory_space<vmem>>, vector<16xf32>,
        %jit3A_584 = arith.constant 16 : i32
        %div3A_585 = arith.divsi %while3A_449, %jit3A_584 : i32
        %sign3A_586 = arith.constant 0 : i32
        %sign3A_587 = arith.cmpi sgt, %while3A_449, %sign3A_586 : i32
        %sign3A_588 = arith.extui %sign3A_587 : i1 to i32
        %sign3A_589 = arith.constant 0 : i32
        %sign3A_590 = arith.cmpi slt, %while3A_449, %sign3A_589 : i32
        %sign3A_591 = arith.extui %sign3A_590 : i1 to i32
        %sign3A_592 = arith.subi %sign3A_588, %sign3A_591 : i32
        %sign3A_593 = arith.constant 0 : i32
        %sign3A_594 = arith.cmpi sgt, %jit3A_584, %sign3A_593 : i32
        %sign3A_595 = arith.extui %sign3A_594 : i1 to i32
        %sign3A_596 = arith.constant 0 : i32
        %sign3A_597 = arith.cmpi slt, %jit3A_584, %sign3A_596 : i32
        %sign3A_598 = arith.extui %sign3A_597 : i1 to i32
        %sign3A_599 = arith.subi %sign3A_595, %sign3A_598 : i32
        %ne3A_600 = arith.cmpi ne, %sign3A_592, %sign3A_599 : i32
        %rem3A_601 = arith.remsi %while3A_449, %jit3A_584 : i32
        %ne3A_602 = arith.constant 0 : i32
        %ne3A_603 = arith.cmpi ne, %rem3A_601, %ne3A_602 : i32
        %and3A_604 = arith.andi %ne3A_600, %ne3A_603 : i1
        %sub3A_605 = arith.constant 1 : i32
        %sub3A_606 = arith.subi %div3A_585, %sub3A_605 : i32
        %select_n3A_607 = arith.select %and3A_604, %sub3A_606, %div3A_585 : i32
        %mul3A_608 = arith.constant 16 : i32
        %mul3A_609 = arith.muli %select_n3A_607, %mul3A_608 : i32
        %get3A_610 = arith.index_cast %mul3A_609 : i32 to index
        %get3A_611 = tpu.vector_load %arg13[%get3A_610] {strides = array<i32>} : memref<32xi32, #tpu.memory_space<vmem>>, vector<16xi32>,
        %iota3A_612 = tpu.iota {dimensions = array<i32: 0>} : vector<16xi32>
        %sub3A_613 = arith.subi %while3A_449, %mul3A_609 : i32
        %eq3A_614 = vector.broadcast %sub3A_613 : i32 to vector<16xi32>
        %eq3A_615 = arith.cmpi eq, %iota3A_612, %eq3A_614 : vector<16xi32>
        %broadcast_in_dim3A_616 = vector.broadcast %reduce_max3A_532 : i32 to vector<16xi32>
        %select_n3A_617 = arith.select %eq3A_615, %broadcast_in_dim3A_616, %get3A_611 : vector<16xi1>, vector<16xi32>
        %swap3A_618 = arith.index_cast %mul3A_609 : i32 to index
        %swap3A_619 = tpu.vector_load %arg13[%swap3A_618] {strides = array<i32>} : memref<32xi32, #tpu.memory_space<vmem>>, vector<16xi32>,
        tpu.vector_store %arg13[%swap3A_618], %select_n3A_617 {strides = array<i32>} : memref<32xi32, #tpu.memory_space<vmem>>, vector<16xi32>,
        %add3A_620 = arith.constant 1 : i32
        %add3A_621 = arith.addi %while3A_449, %add3A_620 : i32
        %eq3A_622 = arith.constant 32 : i32
        %eq3A_623 = arith.cmpi eq, %add3A_621, %eq3A_622 : i32
        %convert_element_type3A_624 = arith.extui %eq3A_623 : i1 to i32
        %cond3A_625 = arith.constant 0 : i32
        %cond3A_626 = arith.cmpi ne, %convert_element_type3A_624, %cond3A_625 : i32
        scf.if %cond3A_626 {
          %dma_start3A_631 = arith.constant 0 : i32
          %dma_start3A_632 = arith.constant 0 : i32
          %dma_start3A_633 = tpu.memref_slice %arg4[%dma_start3A_631, %dma_start3A_632] : memref<16392x128xf32, #tpu.memory_space<hbm>> -> memref<16392x128xf32, #tpu.memory_space<hbm>>
          tpu.enqueue_indirect_dma source(%arg12 : memref<32x128xf32, #tpu.memory_space<vmem>>) target(%dma_start3A_633 : memref<16392x128xf32, #tpu.memory_space<hbm>>) offsets(%arg13 : memref<32xi32, #tpu.memory_space<vmem>>) semaphore(%arg15 : memref<!tpu.dma_semaphore, #tpu.memory_space<semaphore_mem>>)
          %dma_wait3A_634 = arith.constant 0 : i32
          %dma_wait3A_635 = arith.constant 0 : i32
          %dma_wait3A_636 = tpu.memref_slice %arg4[%dma_wait3A_634, %dma_wait3A_635] : memref<16392x128xf32, #tpu.memory_space<hbm>> -> memref<16392x128xf32, #tpu.memory_space<hbm>>
          tpu.wait_indirect_dma semaphore(%arg15 : memref<!tpu.dma_semaphore, #tpu.memory_space<semaphore_mem>>) src(%arg12 : memref<32x128xf32, #tpu.memory_space<vmem>>) dst(%dma_wait3A_636 : memref<16392x128xf32, #tpu.memory_space<hbm>>)
          %broadcast_in_dim3A_637 = arith.constant 16384 : i32
          %broadcast_in_dim3A_638 = vector.broadcast %broadcast_in_dim3A_637 : i32 to vector<16xi32>
          %swap3A_639 = arith.constant 0 : index
          %swap3A_640 = tpu.vector_load %arg13[%swap3A_639] {strides = array<i32>} : memref<32xi32, #tpu.memory_space<vmem>>, vector<16xi32>,
          tpu.vector_store %arg13[%swap3A_639], %broadcast_in_dim3A_638 {strides = array<i32>} : memref<32xi32, #tpu.memory_space<vmem>>, vector<16xi32>,
          %broadcast_in_dim3A_641 = arith.constant 16384 : i32
          %broadcast_in_dim3A_642 = vector.broadcast %broadcast_in_dim3A_641 : i32 to vector<16xi32>
          %swap3A_643 = arith.constant 16 : index
          %swap3A_644 = tpu.vector_load %arg13[%swap3A_643] {strides = array<i32>} : memref<32xi32, #tpu.memory_space<vmem>>, vector<16xi32>,
          tpu.vector_store %arg13[%swap3A_643], %broadcast_in_dim3A_642 {strides = array<i32>} : memref<32xi32, #tpu.memory_space<vmem>>, vector<16xi32>,
        } else {
        }
        %add3A_627 = arith.constant 1 : i32
        %add3A_628 = arith.addi %while3A_449, %add3A_627 : i32
        %jit3A_629 = arith.constant 0 : i32
        %select_n3A_630 = arith.select %eq3A_623, %jit3A_629, %add3A_628 : i32
        scf.yield %select_n3A_630 : i32
      }
      scf.yield %while3A_447 : i32
    }
    %add3A_292 = arith.constant 16 : i32
    %add3A_293 = arith.addi %scan3A_279, %add3A_292 : i32
    %sub3A = arith.constant 1 : i32
    %sub3A_294 = arith.subi %add3A_293, %sub3A : i32
    %jit3A = arith.constant 16 : i32
    %div3A = arith.divsi %sub3A_294, %jit3A : i32
    %sign3A = arith.constant 0 : i32
    %sign3A_295 = arith.cmpi sgt, %sub3A_294, %sign3A : i32
    %sign3A_296 = arith.extui %sign3A_295 : i1 to i32
    %sign3A_297 = arith.constant 0 : i32
    %sign3A_298 = arith.cmpi slt, %sub3A_294, %sign3A_297 : i32
    %sign3A_299 = arith.extui %sign3A_298 : i1 to i32
    %sign3A_300 = arith.subi %sign3A_296, %sign3A_299 : i32
    %sign3A_301 = arith.constant 0 : i32
    %sign3A_302 = arith.cmpi sgt, %jit3A, %sign3A_301 : i32
    %sign3A_303 = arith.extui %sign3A_302 : i1 to i32
    %sign3A_304 = arith.constant 0 : i32
    %sign3A_305 = arith.cmpi slt, %jit3A, %sign3A_304 : i32
    %sign3A_306 = arith.extui %sign3A_305 : i1 to i32
    %sign3A_307 = arith.subi %sign3A_303, %sign3A_306 : i32
    %ne3A = arith.cmpi ne, %sign3A_300, %sign3A_307 : i32
    %rem3A = arith.remsi %sub3A_294, %jit3A : i32
    %ne3A_308 = arith.constant 0 : i32
    %ne3A_309 = arith.cmpi ne, %rem3A, %ne3A_308 : i32
    %and3A = arith.andi %ne3A, %ne3A_309 : i1
    %sub3A_310 = arith.constant 1 : i32
    %sub3A_311 = arith.subi %div3A, %sub3A_310 : i32
    %select_n3A = arith.select %and3A, %sub3A_311, %div3A : i32
    %while3A_312 = arith.constant 0 : i32
    %while3A_313 = arith.constant 0 : i32
    %while3A_314 = arith.subi %select_n3A, %while3A_312 : i32
    %while3A_315 = arith.addi %while3A_312, %while3A_314 : i32
    %while3A_316 = arith.constant 1 : i32
    %while3A_317 = arith.divsi %while3A_314, %while3A_316 : i32
    %while3A_318 = arith.muli %while3A_317, %while3A_316 : i32
    %while3A_319 = arith.addi %while3A_312, %while3A_318 : i32
    %while3A_320 = arith.constant 1 : i32
    %while3A_321 = scf.for %while3A_338 = %while3A_312 to %while3A_319 step %while3A_320 iter_args(%while3A_339 = %while3A_313) -> (i32)  : i32 {
      %mul3A_340 = arith.constant 16 : i32
      %mul3A_341 = arith.muli %while3A_338, %mul3A_340 : i32
      %get3A = arith.index_cast %mul3A_341 : i32 to index
      %get3A_342 = tpu.vector_load %arg8[%get3A] {strides = array<i32>} : memref<928xi32, #tpu.memory_space<vmem>>, vector<16xi32>,
      %mul3A_343 = arith.constant 16 : i32
      %mul3A_344 = arith.muli %while3A_338, %mul3A_343 : i32
      %get3A_345 = arith.index_cast %mul3A_344 : i32 to index
      %get3A_346 = tpu.vector_load %arg9[%get3A_345] {strides = array<i32>} : memref<928xi32, #tpu.memory_space<vmem>>, vector<16xi32>,
      %ge3A = arith.constant 999936 : i32
      %ge3A_347 = vector.broadcast %ge3A : i32 to vector<16xi32>
      %ge3A_348 = arith.cmpi sge, %get3A_342, %ge3A_347 : vector<16xi32>
      %lt3A = arith.constant 1000448 : i32
      %lt3A_349 = vector.broadcast %lt3A : i32 to vector<16xi32>
      %lt3A_350 = arith.cmpi slt, %get3A_342, %lt3A_349 : vector<16xi32>
      %and3A_351 = arith.andi %ge3A_348, %lt3A_350 : vector<16xi1>
      %convert_element_type3A_352 = arith.extui %and3A_351 : vector<16xi1> to vector<16xi32>
      %sub3A_353 = arith.constant 1 : i32
      %sub3A_354 = arith.subi %while3A_339, %sub3A_353 : i32
      %cumsum3A = arith.constant true
      %cumsum3A_355 = vector.broadcast %cumsum3A : i1 to vector<16xi1>
      %cumsum3A_356 = tpu.scan <sum>, %convert_element_type3A_352 masked %cumsum3A_355 : vector<16xi32>, vector<16xi1> -> vector<16xi32>
      %add3A_357 = vector.broadcast %sub3A_354 : i32 to vector<16xi32>
      %add3A_358 = arith.addi %add3A_357, %cumsum3A_356 : vector<16xi32>
      %jit3A_359 = arith.constant 144 : i32
      %broadcast_in_dim3A_360 = vector.broadcast %jit3A_359 : i32 to vector<16xi32>
      %select_n3A_361 = arith.select %and3A_351, %add3A_358, %broadcast_in_dim3A_360 : vector<16xi1>, vector<16xi32>
      %sub3A_362 = arith.constant 999936 : i32
      %sub3A_363 = vector.broadcast %sub3A_362 : i32 to vector<16xi32>
      %sub3A_364 = arith.subi %get3A_342, %sub3A_363 : vector<16xi32>
      tpu.vector_store_idx %arg10[%select_n3A_361], %sub3A_364 : memref<160xi32, #tpu.memory_space<vmem>>[vector<16xi32>], vector<16xi32>,
      tpu.vector_store_idx %arg11[%select_n3A_361], %get3A_346 : memref<160xi32, #tpu.memory_space<vmem>>[vector<16xi32>], vector<16xi32>,
      %reduce_sum3A = arith.constant true
      %reduce_sum3A_365 = vector.broadcast %reduce_sum3A : i1 to vector<16xi1>
      %reduce_sum3A_366 = tpu.scan <sum>, %convert_element_type3A_352 masked %reduce_sum3A_365 : vector<16xi32>, vector<16xi1> -> vector<16xi32>
      %reduce_sum3A_367 = vector.extract %reduce_sum3A_366[15] : i32 from vector<16xi32>
      %add3A_368 = arith.addi %while3A_339, %reduce_sum3A_367 : i32
      %min3A = arith.constant 128 : i32
      %min3A_369 = arith.minsi %add3A_368, %min3A : i32
      scf.yield %min3A_369 : i32
    }
    %while3A_322 = arith.constant 1 : i32
    %while3A_323 = scf.for %while3A_338 = %while3A_319 to %while3A_315 step %while3A_322 iter_args(%while3A_339 = %while3A_321) -> (i32)  : i32 {
      %mul3A_340 = arith.constant 16 : i32
      %mul3A_341 = arith.muli %while3A_338, %mul3A_340 : i32
      %get3A = arith.index_cast %mul3A_341 : i32 to index
      %get3A_342 = tpu.vector_load %arg8[%get3A] {strides = array<i32>} : memref<928xi32, #tpu.memory_space<vmem>>, vector<16xi32>,
      %mul3A_343 = arith.constant 16 : i32
      %mul3A_344 = arith.muli %while3A_338, %mul3A_343 : i32
      %get3A_345 = arith.index_cast %mul3A_344 : i32 to index
      %get3A_346 = tpu.vector_load %arg9[%get3A_345] {strides = array<i32>} : memref<928xi32, #tpu.memory_space<vmem>>, vector<16xi32>,
      %ge3A = arith.constant 999936 : i32
      %ge3A_347 = vector.broadcast %ge3A : i32 to vector<16xi32>
      %ge3A_348 = arith.cmpi sge, %get3A_342, %ge3A_347 : vector<16xi32>
      %lt3A = arith.constant 1000448 : i32
      %lt3A_349 = vector.broadcast %lt3A : i32 to vector<16xi32>
      %lt3A_350 = arith.cmpi slt, %get3A_342, %lt3A_349 : vector<16xi32>
      %and3A_351 = arith.andi %ge3A_348, %lt3A_350 : vector<16xi1>
      %convert_element_type3A_352 = arith.extui %and3A_351 : vector<16xi1> to vector<16xi32>
      %sub3A_353 = arith.constant 1 : i32
      %sub3A_354 = arith.subi %while3A_339, %sub3A_353 : i32
      %cumsum3A = arith.constant true
      %cumsum3A_355 = vector.broadcast %cumsum3A : i1 to vector<16xi1>
      %cumsum3A_356 = tpu.scan <sum>, %convert_element_type3A_352 masked %cumsum3A_355 : vector<16xi32>, vector<16xi1> -> vector<16xi32>
      %add3A_357 = vector.broadcast %sub3A_354 : i32 to vector<16xi32>
      %add3A_358 = arith.addi %add3A_357, %cumsum3A_356 : vector<16xi32>
      %jit3A_359 = arith.constant 144 : i32
      %broadcast_in_dim3A_360 = vector.broadcast %jit3A_359 : i32 to vector<16xi32>
      %select_n3A_361 = arith.select %and3A_351, %add3A_358, %broadcast_in_dim3A_360 : vector<16xi1>, vector<16xi32>
      %sub3A_362 = arith.constant 999936 : i32
      %sub3A_363 = vector.broadcast %sub3A_362 : i32 to vector<16xi32>
      %sub3A_364 = arith.subi %get3A_342, %sub3A_363 : vector<16xi32>
      tpu.vector_store_idx %arg10[%select_n3A_361], %sub3A_364 : memref<160xi32, #tpu.memory_space<vmem>>[vector<16xi32>], vector<16xi32>,
      tpu.vector_store_idx %arg11[%select_n3A_361], %get3A_346 : memref<160xi32, #tpu.memory_space<vmem>>[vector<16xi32>], vector<16xi32>,
      %reduce_sum3A = arith.constant true
      %reduce_sum3A_365 = vector.broadcast %reduce_sum3A : i1 to vector<16xi1>
      %reduce_sum3A_366 = tpu.scan <sum>, %convert_element_type3A_352 masked %reduce_sum3A_365 : vector<16xi32>, vector<16xi1> -> vector<16xi32>
      %reduce_sum3A_367 = vector.extract %reduce_sum3A_366[15] : i32 from vector<16xi32>
      %add3A_368 = arith.addi %while3A_339, %reduce_sum3A_367 : i32
      %min3A = arith.constant 128 : i32
      %min3A_369 = arith.minsi %add3A_368, %min3A : i32
      scf.yield %min3A_369 : i32
    }
    "tpu.region"() ({
      %run_scoped3A = tpu.sem_alloc : memref<!tpu.dma_semaphore, #tpu.memory_space<semaphore_mem>>
      %dma_start3A_338 = arith.constant 0 : i32
      %dma_start3A_339 = arith.constant 999936 : i32
      %dma_start3A_340 = tpu.memref_slice %arg2[%dma_start3A_338, %dma_start3A_339] : memref<64x1000001xf32, #tpu.memory_space<hbm>> -> memref<64x65xf32, #tpu.memory_space<hbm>>
      %dma_start3A_341 = arith.constant 0 : i32
      %dma_start3A_342 = arith.constant 999936 : i32
      %dma_start3A_343 = tpu.memref_slice %arg2[%dma_start3A_341, %dma_start3A_342] : memref<64x1000001xf32, #tpu.memory_space<hbm>> -> memref<64x65xf32, #tpu.memory_space<hbm>>
      tpu.enqueue_dma source(%dma_start3A_343 : memref<64x65xf32, #tpu.memory_space<hbm>>) target(%arg7 : memref<64x65xf32, #tpu.memory_space<vmem>>) target_semaphore(%run_scoped3A : memref<!tpu.dma_semaphore, #tpu.memory_space<semaphore_mem>>)
      %dma_wait3A = arith.constant 0 : i32
      %dma_wait3A_344 = arith.constant 999936 : i32
      %dma_wait3A_345 = tpu.memref_slice %arg2[%dma_wait3A, %dma_wait3A_344] : memref<64x1000001xf32, #tpu.memory_space<hbm>> -> memref<64x65xf32, #tpu.memory_space<hbm>>
      %dma_wait3A_346 = arith.constant 0 : i32
      %dma_wait3A_347 = arith.constant 999936 : i32
      %dma_wait3A_348 = tpu.memref_slice %arg2[%dma_wait3A_346, %dma_wait3A_347] : memref<64x1000001xf32, #tpu.memory_space<hbm>> -> memref<64x65xf32, #tpu.memory_space<hbm>>
      tpu.wait_dma2 semaphore(%run_scoped3A : memref<!tpu.dma_semaphore, #tpu.memory_space<semaphore_mem>>) src(%dma_wait3A_348 : memref<64x65xf32, #tpu.memory_space<hbm>>) dst(%arg7 : memref<64x65xf32, #tpu.memory_space<vmem>>)
      tpu.yield
    }) : () -> ()
    %while3A_324 = arith.constant 0 : i32
    %while3A_325 = arith.subi %while3A_323, %while3A_324 : i32
    %while3A_326 = arith.addi %while3A_324, %while3A_325 : i32
    %while3A_327 = arith.constant 1 : i32
    %while3A_328 = arith.divsi %while3A_325, %while3A_327 : i32
    %while3A_329 = arith.muli %while3A_328, %while3A_327 : i32
    %while3A_330 = arith.addi %while3A_324, %while3A_329 : i32
    %while3A_331 = arith.constant 1 : i32
    %while3A_332 = scf.for %while3A_338 = %while3A_324 to %while3A_330 step %while3A_331 iter_args(%while3A_339 = %while3A_291) -> (i32)  : i32 {
      %jit3A_340 = arith.constant 16 : i32
      %div3A_341 = arith.divsi %while3A_338, %jit3A_340 : i32
      %sign3A_342 = arith.constant 0 : i32
      %sign3A_343 = arith.cmpi sgt, %while3A_338, %sign3A_342 : i32
      %sign3A_344 = arith.extui %sign3A_343 : i1 to i32
      %sign3A_345 = arith.constant 0 : i32
      %sign3A_346 = arith.cmpi slt, %while3A_338, %sign3A_345 : i32
      %sign3A_347 = arith.extui %sign3A_346 : i1 to i32
      %sign3A_348 = arith.subi %sign3A_344, %sign3A_347 : i32
      %sign3A_349 = arith.constant 0 : i32
      %sign3A_350 = arith.cmpi sgt, %jit3A_340, %sign3A_349 : i32
      %sign3A_351 = arith.extui %sign3A_350 : i1 to i32
      %sign3A_352 = arith.constant 0 : i32
      %sign3A_353 = arith.cmpi slt, %jit3A_340, %sign3A_352 : i32
      %sign3A_354 = arith.extui %sign3A_353 : i1 to i32
      %sign3A_355 = arith.subi %sign3A_351, %sign3A_354 : i32
      %ne3A_356 = arith.cmpi ne, %sign3A_348, %sign3A_355 : i32
      %rem3A_357 = arith.remsi %while3A_338, %jit3A_340 : i32
      %ne3A_358 = arith.constant 0 : i32
      %ne3A_359 = arith.cmpi ne, %rem3A_357, %ne3A_358 : i32
      %and3A_360 = arith.andi %ne3A_356, %ne3A_359 : i1
      %sub3A_361 = arith.constant 1 : i32
      %sub3A_362 = arith.subi %div3A_341, %sub3A_361 : i32
      %select_n3A_363 = arith.select %and3A_360, %sub3A_362, %div3A_341 : i32
      %mul3A_364 = arith.constant 16 : i32
      %mul3A_365 = arith.muli %select_n3A_363, %mul3A_364 : i32
      %get3A = arith.index_cast %mul3A_365 : i32 to index
      %get3A_366 = tpu.vector_load %arg10[%get3A] {strides = array<i32>} : memref<160xi32, #tpu.memory_space<vmem>>, vector<16xi32>,
      %sub3A_367 = arith.subi %while3A_338, %mul3A_365 : i32
      %iota3A = tpu.iota {dimensions = array<i32: 0>} : vector<16xi32>
      %eq3A_368 = vector.broadcast %sub3A_367 : i32 to vector<16xi32>
      %eq3A_369 = arith.cmpi eq, %iota3A, %eq3A_368 : vector<16xi32>
      %jit3A_370 = arith.constant -1 : i32
      %broadcast_in_dim3A_371 = vector.broadcast %jit3A_370 : i32 to vector<16xi32>
      %select_n3A_372 = arith.select %eq3A_369, %get3A_366, %broadcast_in_dim3A_371 : vector<16xi1>, vector<16xi32>
      %reduce_max3A = arith.constant true
      %reduce_max3A_373 = vector.broadcast %reduce_max3A : i1 to vector<16xi1>
      %reduce_max3A_374 = arith.constant -2147483648 : i32
      %reduce_max3A_375 = vector.broadcast %reduce_max3A_374 : i32 to vector<16xi32>
      %reduce_max3A_376 = arith.xori %select_n3A_372, %reduce_max3A_375 : vector<16xi32>
      %reduce_max3A_377 = tpu.scan <max>, %reduce_max3A_376 masked %reduce_max3A_373 : vector<16xi32>, vector<16xi1> -> vector<16xi32>
      %reduce_max3A_378 = arith.xori %reduce_max3A_377, %reduce_max3A_375 : vector<16xi32>
      %reduce_max3A_379 = vector.extract %reduce_max3A_378[15] : i32 from vector<16xi32>
      %jit3A_380 = arith.constant 16 : i32
      %div3A_381 = arith.divsi %while3A_338, %jit3A_380 : i32
      %sign3A_382 = arith.constant 0 : i32
      %sign3A_383 = arith.cmpi sgt, %while3A_338, %sign3A_382 : i32
      %sign3A_384 = arith.extui %sign3A_383 : i1 to i32
      %sign3A_385 = arith.constant 0 : i32
      %sign3A_386 = arith.cmpi slt, %while3A_338, %sign3A_385 : i32
      %sign3A_387 = arith.extui %sign3A_386 : i1 to i32
      %sign3A_388 = arith.subi %sign3A_384, %sign3A_387 : i32
      %sign3A_389 = arith.constant 0 : i32
      %sign3A_390 = arith.cmpi sgt, %jit3A_380, %sign3A_389 : i32
      %sign3A_391 = arith.extui %sign3A_390 : i1 to i32
      %sign3A_392 = arith.constant 0 : i32
      %sign3A_393 = arith.cmpi slt, %jit3A_380, %sign3A_392 : i32
      %sign3A_394 = arith.extui %sign3A_393 : i1 to i32
      %sign3A_395 = arith.subi %sign3A_391, %sign3A_394 : i32
      %ne3A_396 = arith.cmpi ne, %sign3A_388, %sign3A_395 : i32
      %rem3A_397 = arith.remsi %while3A_338, %jit3A_380 : i32
      %ne3A_398 = arith.constant 0 : i32
      %ne3A_399 = arith.cmpi ne, %rem3A_397, %ne3A_398 : i32
      %and3A_400 = arith.andi %ne3A_396, %ne3A_399 : i1
      %sub3A_401 = arith.constant 1 : i32
      %sub3A_402 = arith.subi %div3A_381, %sub3A_401 : i32
      %select_n3A_403 = arith.select %and3A_400, %sub3A_402, %div3A_381 : i32
      %mul3A_404 = arith.constant 16 : i32
      %mul3A_405 = arith.muli %select_n3A_403, %mul3A_404 : i32
      %get3A_406 = arith.index_cast %mul3A_405 : i32 to index
      %get3A_407 = tpu.vector_load %arg11[%get3A_406] {strides = array<i32>} : memref<160xi32, #tpu.memory_space<vmem>>, vector<16xi32>,
      %sub3A_408 = arith.subi %while3A_338, %mul3A_405 : i32
      %iota3A_409 = tpu.iota {dimensions = array<i32: 0>} : vector<16xi32>
      %eq3A_410 = vector.broadcast %sub3A_408 : i32 to vector<16xi32>
      %eq3A_411 = arith.cmpi eq, %iota3A_409, %eq3A_410 : vector<16xi32>
      %jit3A_412 = arith.constant -1 : i32
      %broadcast_in_dim3A_413 = vector.broadcast %jit3A_412 : i32 to vector<16xi32>
      %select_n3A_414 = arith.select %eq3A_411, %get3A_407, %broadcast_in_dim3A_413 : vector<16xi1>, vector<16xi32>
      %reduce_max3A_415 = arith.constant true
      %reduce_max3A_416 = vector.broadcast %reduce_max3A_415 : i1 to vector<16xi1>
      %reduce_max3A_417 = arith.constant -2147483648 : i32
      %reduce_max3A_418 = vector.broadcast %reduce_max3A_417 : i32 to vector<16xi32>
      %reduce_max3A_419 = arith.xori %select_n3A_414, %reduce_max3A_418 : vector<16xi32>
      %reduce_max3A_420 = tpu.scan <max>, %reduce_max3A_419 masked %reduce_max3A_416 : vector<16xi32>, vector<16xi1> -> vector<16xi32>
      %reduce_max3A_421 = arith.xori %reduce_max3A_420, %reduce_max3A_418 : vector<16xi32>
      %reduce_max3A_422 = vector.extract %reduce_max3A_421[15] : i32 from vector<16xi32>
      %iota3A_423 = tpu.iota {dimensions = array<i32: 0>} : vector<16xi32>
      %add3A_424 = arith.constant 0 : i32
      %add3A_425 = vector.broadcast %add3A_424 : i32 to vector<16xi32>
      %add3A_426 = arith.addi %iota3A_423, %add3A_425 : vector<16xi32>
      %broadcast_in_dim3A_427 = vector.broadcast %reduce_max3A_379 : i32 to vector<16xi32>
      %gather3A = tpu.vector_load_idx %arg7[%add3A_426, %broadcast_in_dim3A_427] : memref<64x65xf32, #tpu.memory_space<vmem>>[vector<16xi32>, vector<16xi32>], vector<16xf32>,
      %swap3A_428 = arith.index_cast %while3A_339 : i32 to index
      %swap3A_429 = arith.constant 0 : index
      %swap3A_430 = tpu.vector_load %arg12[%swap3A_428, %swap3A_429] {strides = array<i32>} : memref<32x128xf32, #tpu.memory_space<vmem>>, vector<16xf32>,
      tpu.vector_store %arg12[%swap3A_428, %swap3A_429], %gather3A {strides = array<i32>} : memref<32x128xf32, #tpu.memory_space<vmem>>, vector<16xf32>,
      %iota3A_431 = tpu.iota {dimensions = array<i32: 0>} : vector<16xi32>
      %add3A_432 = arith.constant 16 : i32
      %add3A_433 = vector.broadcast %add3A_432 : i32 to vector<16xi32>
      %add3A_434 = arith.addi %iota3A_431, %add3A_433 : vector<16xi32>
      %broadcast_in_dim3A_435 = vector.broadcast %reduce_max3A_379 : i32 to vector<16xi32>
      %gather3A_436 = tpu.vector_load_idx %arg7[%add3A_434, %broadcast_in_dim3A_435] : memref<64x65xf32, #tpu.memory_space<vmem>>[vector<16xi32>, vector<16xi32>], vector<16xf32>,
      %swap3A_437 = arith.index_cast %while3A_339 : i32 to index
      %swap3A_438 = arith.constant 16 : index
      %swap3A_439 = tpu.vector_load %arg12[%swap3A_437, %swap3A_438] {strides = array<i32>} : memref<32x128xf32, #tpu.memory_space<vmem>>, vector<16xf32>,
      tpu.vector_store %arg12[%swap3A_437, %swap3A_438], %gather3A_436 {strides = array<i32>} : memref<32x128xf32, #tpu.memory_space<vmem>>, vector<16xf32>,
      %iota3A_440 = tpu.iota {dimensions = array<i32: 0>} : vector<16xi32>
      %add3A_441 = arith.constant 32 : i32
      %add3A_442 = vector.broadcast %add3A_441 : i32 to vector<16xi32>
      %add3A_443 = arith.addi %iota3A_440, %add3A_442 : vector<16xi32>
      %broadcast_in_dim3A_444 = vector.broadcast %reduce_max3A_379 : i32 to vector<16xi32>
      %gather3A_445 = tpu.vector_load_idx %arg7[%add3A_443, %broadcast_in_dim3A_444] : memref<64x65xf32, #tpu.memory_space<vmem>>[vector<16xi32>, vector<16xi32>], vector<16xf32>,
      %swap3A_446 = arith.index_cast %while3A_339 : i32 to index
      %swap3A_447 = arith.constant 32 : index
      %swap3A_448 = tpu.vector_load %arg12[%swap3A_446, %swap3A_447] {strides = array<i32>} : memref<32x128xf32, #tpu.memory_space<vmem>>, vector<16xf32>,
      tpu.vector_store %arg12[%swap3A_446, %swap3A_447], %gather3A_445 {strides = array<i32>} : memref<32x128xf32, #tpu.memory_space<vmem>>, vector<16xf32>,
      %iota3A_449 = tpu.iota {dimensions = array<i32: 0>} : vector<16xi32>
      %add3A_450 = arith.constant 48 : i32
      %add3A_451 = vector.broadcast %add3A_450 : i32 to vector<16xi32>
      %add3A_452 = arith.addi %iota3A_449, %add3A_451 : vector<16xi32>
      %broadcast_in_dim3A_453 = vector.broadcast %reduce_max3A_379 : i32 to vector<16xi32>
      %gather3A_454 = tpu.vector_load_idx %arg7[%add3A_452, %broadcast_in_dim3A_453] : memref<64x65xf32, #tpu.memory_space<vmem>>[vector<16xi32>, vector<16xi32>], vector<16xf32>,
      %swap3A_455 = arith.index_cast %while3A_339 : i32 to index
      %swap3A_456 = arith.constant 48 : index
      %swap3A_457 = tpu.vector_load %arg12[%swap3A_455, %swap3A_456] {strides = array<i32>} : memref<32x128xf32, #tpu.memory_space<vmem>>, vector<16xf32>,
      tpu.vector_store %arg12[%swap3A_455, %swap3A_456], %gather3A_454 {strides = array<i32>} : memref<32x128xf32, #tpu.memory_space<vmem>>, vector<16xf32>,
      %jit3A_458 = arith.constant 16 : i32
      %div3A_459 = arith.divsi %while3A_339, %jit3A_458 : i32
      %sign3A_460 = arith.constant 0 : i32
      %sign3A_461 = arith.cmpi sgt, %while3A_339, %sign3A_460 : i32
      %sign3A_462 = arith.extui %sign3A_461 : i1 to i32
      %sign3A_463 = arith.constant 0 : i32
      %sign3A_464 = arith.cmpi slt, %while3A_339, %sign3A_463 : i32
      %sign3A_465 = arith.extui %sign3A_464 : i1 to i32
      %sign3A_466 = arith.subi %sign3A_462, %sign3A_465 : i32
      %sign3A_467 = arith.constant 0 : i32
      %sign3A_468 = arith.cmpi sgt, %jit3A_458, %sign3A_467 : i32
      %sign3A_469 = arith.extui %sign3A_468 : i1 to i32
      %sign3A_470 = arith.constant 0 : i32
      %sign3A_471 = arith.cmpi slt, %jit3A_458, %sign3A_470 : i32
      %sign3A_472 = arith.extui %sign3A_471 : i1 to i32
      %sign3A_473 = arith.subi %sign3A_469, %sign3A_472 : i32
      %ne3A_474 = arith.cmpi ne, %sign3A_466, %sign3A_473 : i32
      %rem3A_475 = arith.remsi %while3A_339, %jit3A_458 : i32
      %ne3A_476 = arith.constant 0 : i32
      %ne3A_477 = arith.cmpi ne, %rem3A_475, %ne3A_476 : i32
      %and3A_478 = arith.andi %ne3A_474, %ne3A_477 : i1
      %sub3A_479 = arith.constant 1 : i32
      %sub3A_480 = arith.subi %div3A_459, %sub3A_479 : i32
      %select_n3A_481 = arith.select %and3A_478, %sub3A_480, %div3A_459 : i32
      %mul3A_482 = arith.constant 16 : i32
      %mul3A_483 = arith.muli %select_n3A_481, %mul3A_482 : i32
      %get3A_484 = arith.index_cast %mul3A_483 : i32 to index
      %get3A_485 = tpu.vector_load %arg13[%get3A_484] {strides = array<i32>} : memref<32xi32, #tpu.memory_space<vmem>>, vector<16xi32>,
      %iota3A_486 = tpu.iota {dimensions = array<i32: 0>} : vector<16xi32>
      %sub3A_487 = arith.subi %while3A_339, %mul3A_483 : i32
      %eq3A_488 = vector.broadcast %sub3A_487 : i32 to vector<16xi32>
      %eq3A_489 = arith.cmpi eq, %iota3A_486, %eq3A_488 : vector<16xi32>
      %broadcast_in_dim3A_490 = vector.broadcast %reduce_max3A_422 : i32 to vector<16xi32>
      %select_n3A_491 = arith.select %eq3A_489, %broadcast_in_dim3A_490, %get3A_485 : vector<16xi1>, vector<16xi32>
      %swap3A_492 = arith.index_cast %mul3A_483 : i32 to index
      %swap3A_493 = tpu.vector_load %arg13[%swap3A_492] {strides = array<i32>} : memref<32xi32, #tpu.memory_space<vmem>>, vector<16xi32>,
      tpu.vector_store %arg13[%swap3A_492], %select_n3A_491 {strides = array<i32>} : memref<32xi32, #tpu.memory_space<vmem>>, vector<16xi32>,
      %add3A_494 = arith.constant 1 : i32
      %add3A_495 = arith.addi %while3A_339, %add3A_494 : i32
      %eq3A_496 = arith.constant 32 : i32
      %eq3A_497 = arith.cmpi eq, %add3A_495, %eq3A_496 : i32
      %convert_element_type3A_498 = arith.extui %eq3A_497 : i1 to i32
      %cond3A_499 = arith.constant 0 : i32
      %cond3A_500 = arith.cmpi ne, %convert_element_type3A_498, %cond3A_499 : i32
      scf.if %cond3A_500 {
        %dma_start3A_505 = arith.constant 0 : i32
        %dma_start3A_506 = arith.constant 0 : i32
        %dma_start3A_507 = tpu.memref_slice %arg4[%dma_start3A_505, %dma_start3A_506] : memref<16392x128xf32, #tpu.memory_space<hbm>> -> memref<16392x128xf32, #tpu.memory_space<hbm>>
        tpu.enqueue_indirect_dma source(%arg12 : memref<32x128xf32, #tpu.memory_space<vmem>>) target(%dma_start3A_507 : memref<16392x128xf32, #tpu.memory_space<hbm>>) offsets(%arg13 : memref<32xi32, #tpu.memory_space<vmem>>) semaphore(%arg15 : memref<!tpu.dma_semaphore, #tpu.memory_space<semaphore_mem>>)
        %dma_wait3A = arith.constant 0 : i32
        %dma_wait3A_508 = arith.constant 0 : i32
        %dma_wait3A_509 = tpu.memref_slice %arg4[%dma_wait3A, %dma_wait3A_508] : memref<16392x128xf32, #tpu.memory_space<hbm>> -> memref<16392x128xf32, #tpu.memory_space<hbm>>
        tpu.wait_indirect_dma semaphore(%arg15 : memref<!tpu.dma_semaphore, #tpu.memory_space<semaphore_mem>>) src(%arg12 : memref<32x128xf32, #tpu.memory_space<vmem>>) dst(%dma_wait3A_509 : memref<16392x128xf32, #tpu.memory_space<hbm>>)
        %broadcast_in_dim3A_510 = arith.constant 16384 : i32
        %broadcast_in_dim3A_511 = vector.broadcast %broadcast_in_dim3A_510 : i32 to vector<16xi32>
        %swap3A_512 = arith.constant 0 : index
        %swap3A_513 = tpu.vector_load %arg13[%swap3A_512] {strides = array<i32>} : memref<32xi32, #tpu.memory_space<vmem>>, vector<16xi32>,
        tpu.vector_store %arg13[%swap3A_512], %broadcast_in_dim3A_511 {strides = array<i32>} : memref<32xi32, #tpu.memory_space<vmem>>, vector<16xi32>,
        %broadcast_in_dim3A_514 = arith.constant 16384 : i32
        %broadcast_in_dim3A_515 = vector.broadcast %broadcast_in_dim3A_514 : i32 to vector<16xi32>
        %swap3A_516 = arith.constant 16 : index
        %swap3A_517 = tpu.vector_load %arg13[%swap3A_516] {strides = array<i32>} : memref<32xi32, #tpu.memory_space<vmem>>, vector<16xi32>,
        tpu.vector_store %arg13[%swap3A_516], %broadcast_in_dim3A_515 {strides = array<i32>} : memref<32xi32, #tpu.memory_space<vmem>>, vector<16xi32>,
      } else {
      }
      %add3A_501 = arith.constant 1 : i32
      %add3A_502 = arith.addi %while3A_339, %add3A_501 : i32
      %jit3A_503 = arith.constant 0 : i32
      %select_n3A_504 = arith.select %eq3A_497, %jit3A_503, %add3A_502 : i32
      scf.yield %select_n3A_504 : i32
    }
    %while3A_333 = arith.constant 1 : i32
    %while3A_334 = scf.for %while3A_338 = %while3A_330 to %while3A_326 step %while3A_333 iter_args(%while3A_339 = %while3A_332) -> (i32)  : i32 {
      %jit3A_340 = arith.constant 16 : i32
      %div3A_341 = arith.divsi %while3A_338, %jit3A_340 : i32
      %sign3A_342 = arith.constant 0 : i32
      %sign3A_343 = arith.cmpi sgt, %while3A_338, %sign3A_342 : i32
      %sign3A_344 = arith.extui %sign3A_343 : i1 to i32
      %sign3A_345 = arith.constant 0 : i32
      %sign3A_346 = arith.cmpi slt, %while3A_338, %sign3A_345 : i32
      %sign3A_347 = arith.extui %sign3A_346 : i1 to i32
      %sign3A_348 = arith.subi %sign3A_344, %sign3A_347 : i32
      %sign3A_349 = arith.constant 0 : i32
      %sign3A_350 = arith.cmpi sgt, %jit3A_340, %sign3A_349 : i32
      %sign3A_351 = arith.extui %sign3A_350 : i1 to i32
      %sign3A_352 = arith.constant 0 : i32
      %sign3A_353 = arith.cmpi slt, %jit3A_340, %sign3A_352 : i32
      %sign3A_354 = arith.extui %sign3A_353 : i1 to i32
      %sign3A_355 = arith.subi %sign3A_351, %sign3A_354 : i32
      %ne3A_356 = arith.cmpi ne, %sign3A_348, %sign3A_355 : i32
      %rem3A_357 = arith.remsi %while3A_338, %jit3A_340 : i32
      %ne3A_358 = arith.constant 0 : i32
      %ne3A_359 = arith.cmpi ne, %rem3A_357, %ne3A_358 : i32
      %and3A_360 = arith.andi %ne3A_356, %ne3A_359 : i1
      %sub3A_361 = arith.constant 1 : i32
      %sub3A_362 = arith.subi %div3A_341, %sub3A_361 : i32
      %select_n3A_363 = arith.select %and3A_360, %sub3A_362, %div3A_341 : i32
      %mul3A_364 = arith.constant 16 : i32
      %mul3A_365 = arith.muli %select_n3A_363, %mul3A_364 : i32
      %get3A = arith.index_cast %mul3A_365 : i32 to index
      %get3A_366 = tpu.vector_load %arg10[%get3A] {strides = array<i32>} : memref<160xi32, #tpu.memory_space<vmem>>, vector<16xi32>,
      %sub3A_367 = arith.subi %while3A_338, %mul3A_365 : i32
      %iota3A = tpu.iota {dimensions = array<i32: 0>} : vector<16xi32>
      %eq3A_368 = vector.broadcast %sub3A_367 : i32 to vector<16xi32>
      %eq3A_369 = arith.cmpi eq, %iota3A, %eq3A_368 : vector<16xi32>
      %jit3A_370 = arith.constant -1 : i32
      %broadcast_in_dim3A_371 = vector.broadcast %jit3A_370 : i32 to vector<16xi32>
      %select_n3A_372 = arith.select %eq3A_369, %get3A_366, %broadcast_in_dim3A_371 : vector<16xi1>, vector<16xi32>
      %reduce_max3A = arith.constant true
      %reduce_max3A_373 = vector.broadcast %reduce_max3A : i1 to vector<16xi1>
      %reduce_max3A_374 = arith.constant -2147483648 : i32
      %reduce_max3A_375 = vector.broadcast %reduce_max3A_374 : i32 to vector<16xi32>
      %reduce_max3A_376 = arith.xori %select_n3A_372, %reduce_max3A_375 : vector<16xi32>
      %reduce_max3A_377 = tpu.scan <max>, %reduce_max3A_376 masked %reduce_max3A_373 : vector<16xi32>, vector<16xi1> -> vector<16xi32>
      %reduce_max3A_378 = arith.xori %reduce_max3A_377, %reduce_max3A_375 : vector<16xi32>
      %reduce_max3A_379 = vector.extract %reduce_max3A_378[15] : i32 from vector<16xi32>
      %jit3A_380 = arith.constant 16 : i32
      %div3A_381 = arith.divsi %while3A_338, %jit3A_380 : i32
      %sign3A_382 = arith.constant 0 : i32
      %sign3A_383 = arith.cmpi sgt, %while3A_338, %sign3A_382 : i32
      %sign3A_384 = arith.extui %sign3A_383 : i1 to i32
      %sign3A_385 = arith.constant 0 : i32
      %sign3A_386 = arith.cmpi slt, %while3A_338, %sign3A_385 : i32
      %sign3A_387 = arith.extui %sign3A_386 : i1 to i32
      %sign3A_388 = arith.subi %sign3A_384, %sign3A_387 : i32
      %sign3A_389 = arith.constant 0 : i32
      %sign3A_390 = arith.cmpi sgt, %jit3A_380, %sign3A_389 : i32
      %sign3A_391 = arith.extui %sign3A_390 : i1 to i32
      %sign3A_392 = arith.constant 0 : i32
      %sign3A_393 = arith.cmpi slt, %jit3A_380, %sign3A_392 : i32
      %sign3A_394 = arith.extui %sign3A_393 : i1 to i32
      %sign3A_395 = arith.subi %sign3A_391, %sign3A_394 : i32
      %ne3A_396 = arith.cmpi ne, %sign3A_388, %sign3A_395 : i32
      %rem3A_397 = arith.remsi %while3A_338, %jit3A_380 : i32
      %ne3A_398 = arith.constant 0 : i32
      %ne3A_399 = arith.cmpi ne, %rem3A_397, %ne3A_398 : i32
      %and3A_400 = arith.andi %ne3A_396, %ne3A_399 : i1
      %sub3A_401 = arith.constant 1 : i32
      %sub3A_402 = arith.subi %div3A_381, %sub3A_401 : i32
      %select_n3A_403 = arith.select %and3A_400, %sub3A_402, %div3A_381 : i32
      %mul3A_404 = arith.constant 16 : i32
      %mul3A_405 = arith.muli %select_n3A_403, %mul3A_404 : i32
      %get3A_406 = arith.index_cast %mul3A_405 : i32 to index
      %get3A_407 = tpu.vector_load %arg11[%get3A_406] {strides = array<i32>} : memref<160xi32, #tpu.memory_space<vmem>>, vector<16xi32>,
      %sub3A_408 = arith.subi %while3A_338, %mul3A_405 : i32
      %iota3A_409 = tpu.iota {dimensions = array<i32: 0>} : vector<16xi32>
      %eq3A_410 = vector.broadcast %sub3A_408 : i32 to vector<16xi32>
      %eq3A_411 = arith.cmpi eq, %iota3A_409, %eq3A_410 : vector<16xi32>
      %jit3A_412 = arith.constant -1 : i32
      %broadcast_in_dim3A_413 = vector.broadcast %jit3A_412 : i32 to vector<16xi32>
      %select_n3A_414 = arith.select %eq3A_411, %get3A_407, %broadcast_in_dim3A_413 : vector<16xi1>, vector<16xi32>
      %reduce_max3A_415 = arith.constant true
      %reduce_max3A_416 = vector.broadcast %reduce_max3A_415 : i1 to vector<16xi1>
      %reduce_max3A_417 = arith.constant -2147483648 : i32
      %reduce_max3A_418 = vector.broadcast %reduce_max3A_417 : i32 to vector<16xi32>
      %reduce_max3A_419 = arith.xori %select_n3A_414, %reduce_max3A_418 : vector<16xi32>
      %reduce_max3A_420 = tpu.scan <max>, %reduce_max3A_419 masked %reduce_max3A_416 : vector<16xi32>, vector<16xi1> -> vector<16xi32>
      %reduce_max3A_421 = arith.xori %reduce_max3A_420, %reduce_max3A_418 : vector<16xi32>
      %reduce_max3A_422 = vector.extract %reduce_max3A_421[15] : i32 from vector<16xi32>
      %iota3A_423 = tpu.iota {dimensions = array<i32: 0>} : vector<16xi32>
      %add3A_424 = arith.constant 0 : i32
      %add3A_425 = vector.broadcast %add3A_424 : i32 to vector<16xi32>
      %add3A_426 = arith.addi %iota3A_423, %add3A_425 : vector<16xi32>
      %broadcast_in_dim3A_427 = vector.broadcast %reduce_max3A_379 : i32 to vector<16xi32>
      %gather3A = tpu.vector_load_idx %arg7[%add3A_426, %broadcast_in_dim3A_427] : memref<64x65xf32, #tpu.memory_space<vmem>>[vector<16xi32>, vector<16xi32>], vector<16xf32>,
      %swap3A_428 = arith.index_cast %while3A_339 : i32 to index
      %swap3A_429 = arith.constant 0 : index
      %swap3A_430 = tpu.vector_load %arg12[%swap3A_428, %swap3A_429] {strides = array<i32>} : memref<32x128xf32, #tpu.memory_space<vmem>>, vector<16xf32>,
      tpu.vector_store %arg12[%swap3A_428, %swap3A_429], %gather3A {strides = array<i32>} : memref<32x128xf32, #tpu.memory_space<vmem>>, vector<16xf32>,
      %iota3A_431 = tpu.iota {dimensions = array<i32: 0>} : vector<16xi32>
      %add3A_432 = arith.constant 16 : i32
      %add3A_433 = vector.broadcast %add3A_432 : i32 to vector<16xi32>
      %add3A_434 = arith.addi %iota3A_431, %add3A_433 : vector<16xi32>
      %broadcast_in_dim3A_435 = vector.broadcast %reduce_max3A_379 : i32 to vector<16xi32>
      %gather3A_436 = tpu.vector_load_idx %arg7[%add3A_434, %broadcast_in_dim3A_435] : memref<64x65xf32, #tpu.memory_space<vmem>>[vector<16xi32>, vector<16xi32>], vector<16xf32>,
      %swap3A_437 = arith.index_cast %while3A_339 : i32 to index
      %swap3A_438 = arith.constant 16 : index
      %swap3A_439 = tpu.vector_load %arg12[%swap3A_437, %swap3A_438] {strides = array<i32>} : memref<32x128xf32, #tpu.memory_space<vmem>>, vector<16xf32>,
      tpu.vector_store %arg12[%swap3A_437, %swap3A_438], %gather3A_436 {strides = array<i32>} : memref<32x128xf32, #tpu.memory_space<vmem>>, vector<16xf32>,
      %iota3A_440 = tpu.iota {dimensions = array<i32: 0>} : vector<16xi32>
      %add3A_441 = arith.constant 32 : i32
      %add3A_442 = vector.broadcast %add3A_441 : i32 to vector<16xi32>
      %add3A_443 = arith.addi %iota3A_440, %add3A_442 : vector<16xi32>
      %broadcast_in_dim3A_444 = vector.broadcast %reduce_max3A_379 : i32 to vector<16xi32>
      %gather3A_445 = tpu.vector_load_idx %arg7[%add3A_443, %broadcast_in_dim3A_444] : memref<64x65xf32, #tpu.memory_space<vmem>>[vector<16xi32>, vector<16xi32>], vector<16xf32>,
      %swap3A_446 = arith.index_cast %while3A_339 : i32 to index
      %swap3A_447 = arith.constant 32 : index
      %swap3A_448 = tpu.vector_load %arg12[%swap3A_446, %swap3A_447] {strides = array<i32>} : memref<32x128xf32, #tpu.memory_space<vmem>>, vector<16xf32>,
      tpu.vector_store %arg12[%swap3A_446, %swap3A_447], %gather3A_445 {strides = array<i32>} : memref<32x128xf32, #tpu.memory_space<vmem>>, vector<16xf32>,
      %iota3A_449 = tpu.iota {dimensions = array<i32: 0>} : vector<16xi32>
      %add3A_450 = arith.constant 48 : i32
      %add3A_451 = vector.broadcast %add3A_450 : i32 to vector<16xi32>
      %add3A_452 = arith.addi %iota3A_449, %add3A_451 : vector<16xi32>
      %broadcast_in_dim3A_453 = vector.broadcast %reduce_max3A_379 : i32 to vector<16xi32>
      %gather3A_454 = tpu.vector_load_idx %arg7[%add3A_452, %broadcast_in_dim3A_453] : memref<64x65xf32, #tpu.memory_space<vmem>>[vector<16xi32>, vector<16xi32>], vector<16xf32>,
      %swap3A_455 = arith.index_cast %while3A_339 : i32 to index
      %swap3A_456 = arith.constant 48 : index
      %swap3A_457 = tpu.vector_load %arg12[%swap3A_455, %swap3A_456] {strides = array<i32>} : memref<32x128xf32, #tpu.memory_space<vmem>>, vector<16xf32>,
      tpu.vector_store %arg12[%swap3A_455, %swap3A_456], %gather3A_454 {strides = array<i32>} : memref<32x128xf32, #tpu.memory_space<vmem>>, vector<16xf32>,
      %jit3A_458 = arith.constant 16 : i32
      %div3A_459 = arith.divsi %while3A_339, %jit3A_458 : i32
      %sign3A_460 = arith.constant 0 : i32
      %sign3A_461 = arith.cmpi sgt, %while3A_339, %sign3A_460 : i32
      %sign3A_462 = arith.extui %sign3A_461 : i1 to i32
      %sign3A_463 = arith.constant 0 : i32
      %sign3A_464 = arith.cmpi slt, %while3A_339, %sign3A_463 : i32
      %sign3A_465 = arith.extui %sign3A_464 : i1 to i32
      %sign3A_466 = arith.subi %sign3A_462, %sign3A_465 : i32
      %sign3A_467 = arith.constant 0 : i32
      %sign3A_468 = arith.cmpi sgt, %jit3A_458, %sign3A_467 : i32
      %sign3A_469 = arith.extui %sign3A_468 : i1 to i32
      %sign3A_470 = arith.constant 0 : i32
      %sign3A_471 = arith.cmpi slt, %jit3A_458, %sign3A_470 : i32
      %sign3A_472 = arith.extui %sign3A_471 : i1 to i32
      %sign3A_473 = arith.subi %sign3A_469, %sign3A_472 : i32
      %ne3A_474 = arith.cmpi ne, %sign3A_466, %sign3A_473 : i32
      %rem3A_475 = arith.remsi %while3A_339, %jit3A_458 : i32
      %ne3A_476 = arith.constant 0 : i32
      %ne3A_477 = arith.cmpi ne, %rem3A_475, %ne3A_476 : i32
      %and3A_478 = arith.andi %ne3A_474, %ne3A_477 : i1
      %sub3A_479 = arith.constant 1 : i32
      %sub3A_480 = arith.subi %div3A_459, %sub3A_479 : i32
      %select_n3A_481 = arith.select %and3A_478, %sub3A_480, %div3A_459 : i32
      %mul3A_482 = arith.constant 16 : i32
      %mul3A_483 = arith.muli %select_n3A_481, %mul3A_482 : i32
      %get3A_484 = arith.index_cast %mul3A_483 : i32 to index
      %get3A_485 = tpu.vector_load %arg13[%get3A_484] {strides = array<i32>} : memref<32xi32, #tpu.memory_space<vmem>>, vector<16xi32>,
      %iota3A_486 = tpu.iota {dimensions = array<i32: 0>} : vector<16xi32>
      %sub3A_487 = arith.subi %while3A_339, %mul3A_483 : i32
      %eq3A_488 = vector.broadcast %sub3A_487 : i32 to vector<16xi32>
      %eq3A_489 = arith.cmpi eq, %iota3A_486, %eq3A_488 : vector<16xi32>
      %broadcast_in_dim3A_490 = vector.broadcast %reduce_max3A_422 : i32 to vector<16xi32>
      %select_n3A_491 = arith.select %eq3A_489, %broadcast_in_dim3A_490, %get3A_485 : vector<16xi1>, vector<16xi32>
      %swap3A_492 = arith.index_cast %mul3A_483 : i32 to index
      %swap3A_493 = tpu.vector_load %arg13[%swap3A_492] {strides = array<i32>} : memref<32xi32, #tpu.memory_space<vmem>>, vector<16xi32>,
      tpu.vector_store %arg13[%swap3A_492], %select_n3A_491 {strides = array<i32>} : memref<32xi32, #tpu.memory_space<vmem>>, vector<16xi32>,
      %add3A_494 = arith.constant 1 : i32
      %add3A_495 = arith.addi %while3A_339, %add3A_494 : i32
      %eq3A_496 = arith.constant 32 : i32
      %eq3A_497 = arith.cmpi eq, %add3A_495, %eq3A_496 : i32
      %convert_element_type3A_498 = arith.extui %eq3A_497 : i1 to i32
      %cond3A_499 = arith.constant 0 : i32
      %cond3A_500 = arith.cmpi ne, %convert_element_type3A_498, %cond3A_499 : i32
      scf.if %cond3A_500 {
        %dma_start3A_505 = arith.constant 0 : i32
        %dma_start3A_506 = arith.constant 0 : i32
        %dma_start3A_507 = tpu.memref_slice %arg4[%dma_start3A_505, %dma_start3A_506] : memref<16392x128xf32, #tpu.memory_space<hbm>> -> memref<16392x128xf32, #tpu.memory_space<hbm>>
        tpu.enqueue_indirect_dma source(%arg12 : memref<32x128xf32, #tpu.memory_space<vmem>>) target(%dma_start3A_507 : memref<16392x128xf32, #tpu.memory_space<hbm>>) offsets(%arg13 : memref<32xi32, #tpu.memory_space<vmem>>) semaphore(%arg15 : memref<!tpu.dma_semaphore, #tpu.memory_space<semaphore_mem>>)
        %dma_wait3A = arith.constant 0 : i32
        %dma_wait3A_508 = arith.constant 0 : i32
        %dma_wait3A_509 = tpu.memref_slice %arg4[%dma_wait3A, %dma_wait3A_508] : memref<16392x128xf32, #tpu.memory_space<hbm>> -> memref<16392x128xf32, #tpu.memory_space<hbm>>
        tpu.wait_indirect_dma semaphore(%arg15 : memref<!tpu.dma_semaphore, #tpu.memory_space<semaphore_mem>>) src(%arg12 : memref<32x128xf32, #tpu.memory_space<vmem>>) dst(%dma_wait3A_509 : memref<16392x128xf32, #tpu.memory_space<hbm>>)
        %broadcast_in_dim3A_510 = arith.constant 16384 : i32
        %broadcast_in_dim3A_511 = vector.broadcast %broadcast_in_dim3A_510 : i32 to vector<16xi32>
        %swap3A_512 = arith.constant 0 : index
        %swap3A_513 = tpu.vector_load %arg13[%swap3A_512] {strides = array<i32>} : memref<32xi32, #tpu.memory_space<vmem>>, vector<16xi32>,
        tpu.vector_store %arg13[%swap3A_512], %broadcast_in_dim3A_511 {strides = array<i32>} : memref<32xi32, #tpu.memory_space<vmem>>, vector<16xi32>,
        %broadcast_in_dim3A_514 = arith.constant 16384 : i32
        %broadcast_in_dim3A_515 = vector.broadcast %broadcast_in_dim3A_514 : i32 to vector<16xi32>
        %swap3A_516 = arith.constant 16 : index
        %swap3A_517 = tpu.vector_load %arg13[%swap3A_516] {strides = array<i32>} : memref<32xi32, #tpu.memory_space<vmem>>, vector<16xi32>,
        tpu.vector_store %arg13[%swap3A_516], %broadcast_in_dim3A_515 {strides = array<i32>} : memref<32xi32, #tpu.memory_space<vmem>>, vector<16xi32>,
      } else {
      }
      %add3A_501 = arith.constant 1 : i32
      %add3A_502 = arith.addi %while3A_339, %add3A_501 : i32
      %jit3A_503 = arith.constant 0 : i32
      %select_n3A_504 = arith.select %eq3A_497, %jit3A_503, %add3A_502 : i32
      scf.yield %select_n3A_504 : i32
    }
    %gt3A = arith.constant 0 : i32
    %gt3A_335 = arith.cmpi sgt, %while3A_334, %gt3A : i32
    %convert_element_type3A_336 = arith.extui %gt3A_335 : i1 to i32
    %cond3A = arith.constant 0 : i32
    %cond3A_337 = arith.cmpi ne, %convert_element_type3A_336, %cond3A : i32
    scf.if %cond3A_337 {
      %dma_start3A_338 = arith.constant 0 : i32
      %dma_start3A_339 = arith.constant 0 : i32
      %dma_start3A_340 = tpu.memref_slice %arg4[%dma_start3A_338, %dma_start3A_339] : memref<16392x128xf32, #tpu.memory_space<hbm>> -> memref<16392x128xf32, #tpu.memory_space<hbm>>
      tpu.enqueue_indirect_dma source(%arg12 : memref<32x128xf32, #tpu.memory_space<vmem>>) target(%dma_start3A_340 : memref<16392x128xf32, #tpu.memory_space<hbm>>) offsets(%arg13 : memref<32xi32, #tpu.memory_space<vmem>>) semaphore(%arg15 : memref<!tpu.dma_semaphore, #tpu.memory_space<semaphore_mem>>)
      %dma_wait3A = arith.constant 0 : i32
      %dma_wait3A_341 = arith.constant 0 : i32
      %dma_wait3A_342 = tpu.memref_slice %arg4[%dma_wait3A, %dma_wait3A_341] : memref<16392x128xf32, #tpu.memory_space<hbm>> -> memref<16392x128xf32, #tpu.memory_space<hbm>>
      tpu.wait_indirect_dma semaphore(%arg15 : memref<!tpu.dma_semaphore, #tpu.memory_space<semaphore_mem>>) src(%arg12 : memref<32x128xf32, #tpu.memory_space<vmem>>) dst(%dma_wait3A_342 : memref<16392x128xf32, #tpu.memory_space<hbm>>)
    } else {
    }
    return
  }
}

module attributes {stable_mosaic.version = 14 : i64} {
  func.func @_mlp_body(%arg0: i32, %arg1: memref<2048x128xf32, #tpu.memory_space<vmem>>, %arg2: memref<64x64xf32, #tpu.memory_space<vmem>>, %arg3: memref<1x64xf32, #tpu.memory_space<vmem>>, %arg4: memref<64x64xf32, #tpu.memory_space<vmem>>, %arg5: memref<1x64xf32, #tpu.memory_space<vmem>>, %arg6: memref<64x2048xf32, #tpu.memory_space<vmem>>) attributes {dimension_semantics = [#tpu.dimension_semantics<arbitrary>], iteration_bounds = array<i64: 8>, scalar_prefetch = 0 : i64, scratch_operands = 0 : i64, tpu.core_type = #tpu.core_type<tc>, window_params = [{transform_indices = @transform_0, window_bounds = array<i64: 2048, 128>}, {pipeline_mode = #tpu.pipeline_mode<synchronous>, transform_indices = @transform_1, window_bounds = array<i64: 64, 64>}, {pipeline_mode = #tpu.pipeline_mode<synchronous>, transform_indices = @transform_2, window_bounds = array<i64: 1, 64>}, {pipeline_mode = #tpu.pipeline_mode<synchronous>, transform_indices = @transform_3, window_bounds = array<i64: 64, 64>}, {pipeline_mode = #tpu.pipeline_mode<synchronous>, transform_indices = @transform_4, window_bounds = array<i64: 1, 64>}, {transform_indices = @transform_5, window_bounds = array<i64: 64, 2048>}]} {
    %get3A = arith.constant 0 : index
    %get3A_0 = arith.constant 0 : index
    %get3A_1 = vector.load %arg1[%get3A, %get3A_0] : memref<2048x128xf32, #tpu.memory_space<vmem>>, vector<2048x64xf32>
    %get3A_2 = arith.constant 0 : index
    %get3A_3 = arith.constant 0 : index
    %get3A_4 = vector.load %arg2[%get3A_2, %get3A_3] : memref<64x64xf32, #tpu.memory_space<vmem>>, vector<64x64xf32>
    %dot_general3A = arith.constant dense<0.000000e+00> : vector<2048x64xf32>
    %dot_general3A_5 = tpu.matmul %get3A_1, %get3A_4, %dot_general3A {dimension_numbers = #tpu.dot_dimension_numbers<[1], [0], [0], [1], [0, 0, 1, 1], [], []>, transpose_lhs_hint = false} : vector<2048x64xf32>, vector<64x64xf32>, vector<2048x64xf32> -> vector<2048x64xf32>
    %get3A_6 = arith.constant 0 : index
    %get3A_7 = arith.constant 0 : index
    %get3A_8 = vector.load %arg3[%get3A_6, %get3A_7] : memref<1x64xf32, #tpu.memory_space<vmem>>, vector<1x64xf32>
    %add3A = vector.broadcast %get3A_8 : vector<1x64xf32> to vector<2048x64xf32>
    %add3A_9 = arith.addf %dot_general3A_5, %add3A : vector<2048x64xf32>
    %max3A = arith.constant 0.000000e+00 : f32
    %max3A_10 = vector.broadcast %max3A : f32 to vector<2048x64xf32>
    %max3A_11 = arith.maximumf %add3A_9, %max3A_10 : vector<2048x64xf32>
    %get3A_12 = arith.constant 0 : index
    %get3A_13 = arith.constant 0 : index
    %get3A_14 = vector.load %arg4[%get3A_12, %get3A_13] : memref<64x64xf32, #tpu.memory_space<vmem>>, vector<64x64xf32>
    %dot_general3A_15 = arith.constant dense<0.000000e+00> : vector<2048x64xf32>
    %dot_general3A_16 = tpu.matmul %max3A_11, %get3A_14, %dot_general3A_15 {dimension_numbers = #tpu.dot_dimension_numbers<[1], [0], [0], [1], [0, 0, 1, 1], [], []>, transpose_lhs_hint = false} : vector<2048x64xf32>, vector<64x64xf32>, vector<2048x64xf32> -> vector<2048x64xf32>
    %get3A_17 = arith.constant 0 : index
    %get3A_18 = arith.constant 0 : index
    %get3A_19 = vector.load %arg5[%get3A_17, %get3A_18] : memref<1x64xf32, #tpu.memory_space<vmem>>, vector<1x64xf32>
    %add3A_20 = vector.broadcast %get3A_19 : vector<1x64xf32> to vector<2048x64xf32>
    %add3A_21 = arith.addf %dot_general3A_16, %add3A_20 : vector<2048x64xf32>
    %transpose3A = tpu.transpose %add3A_21, [1, 0] : vector<2048x64xf32> -> vector<64x2048xf32>
    %swap3A = arith.constant 0 : index
    %swap3A_22 = arith.constant 0 : index
    %swap3A_23 = vector.load %arg6[%swap3A, %swap3A_22] : memref<64x2048xf32, #tpu.memory_space<vmem>>, vector<64x2048xf32>
    tpu.vector_store %arg6[%swap3A, %swap3A_22], %transpose3A {strides = array<i32>} : memref<64x2048xf32, #tpu.memory_space<vmem>>, vector<64x2048xf32>,
    return
  }
  func.func @transform_0(%arg0: i32) -> (i32, i32) {
    %c0_i32 = arith.constant 0 : i32
    %c0_i32_0 = arith.constant 0 : i32
    return %arg0, %c0_i32 : i32, i32
  }
  func.func @transform_1(%arg0: i32) -> (i32, i32) {
    %c0_i32 = arith.constant 0 : i32
    %c0_i32_0 = arith.constant 0 : i32
    %c0_i32_1 = arith.constant 0 : i32
    return %c0_i32, %c0_i32_0 : i32, i32
  }
  func.func @transform_2(%arg0: i32) -> (i32, i32) {
    %c0_i32 = arith.constant 0 : i32
    %c0_i32_0 = arith.constant 0 : i32
    %c0_i32_1 = arith.constant 0 : i32
    return %c0_i32, %c0_i32_0 : i32, i32
  }
  func.func @transform_3(%arg0: i32) -> (i32, i32) {
    %c0_i32 = arith.constant 0 : i32
    %c0_i32_0 = arith.constant 0 : i32
    %c0_i32_1 = arith.constant 0 : i32
    return %c0_i32, %c0_i32_0 : i32, i32
  }
  func.func @transform_4(%arg0: i32) -> (i32, i32) {
    %c0_i32 = arith.constant 0 : i32
    %c0_i32_0 = arith.constant 0 : i32
    %c0_i32_1 = arith.constant 0 : i32
    return %c0_i32, %c0_i32_0 : i32, i32
  }
  func.func @transform_5(%arg0: i32) -> (i32, i32) {
    %c0_i32 = arith.constant 0 : i32
    %c0_i32_0 = arith.constant 0 : i32
    return %c0_i32, %arg0 : i32, i32
  }
}

</mosaic_0001>

<sc_bundles>
// kernel: kernel.4.cloned.1.call-start
scs
__scs_entry_jumppad:
0x0: {  	(pc) =	sbr.rel $0x88, $3  }
0x1: {  	(tag) =	ssettag $0x0;
	lr =	simm.s32 $0x1  }
0x2: {  	[smem:$0x3F9B] =	sst lr;
	_ =	strace $0xD0000000  }
0x3: {  	_ = 	snop  }
0x4: {  	_ = 	snop  }
0x5: {  	_ = 	snop  }
0x6: {  	_ = 	snop  }
0x7: {  	_ = 	snop  }
__scs_overlays_trampoline_lowered:
0x8: {  	[smem:$0x3FAA] =	sst s0  }
0x9: {  	[smem:$0x3FAB] =	sst s1  }
0xa: {  	[smem:$0x3FAC] =	sst s2  }
0xb: {  	[smem:$0x3FAD] =	sst s3  }
0xc: {  	[smem:$0x3FAE] =	sst s4  }
0xd: {  	[smem:$0x3FAF] =	sst s5  }
0xe: {  	[smem:$0x3FB0] =	sst s6  }
0xf: {  	[smem:$0x3FB1] =	sst s7  }
0x10: {  	[smem:$0x3FB2] =	sst s8  }
0x11: {  	[smem:$0x3FB3] =	sst s9;
	s0 =	simm.s32 @!p0 $0x0  }
0x12: {  	s1 =	sld [smem:$0x3F99];
	s0 =	simm.s32 @p0 $0x1  }
0x13: {  	[smem:$0x3FB4] =	sst s0;
	s0 =	simm.s32 @!p1 $0x0  }
0x14: {  	s2 =	sld [smem:$0x3F98];
	s0 =	simm.s32 @p1 $0x1  }
0x15: {  	[smem:$0x3FB5] =	sst s0;
	s0 =	simm.s32 @!p2 $0x0  }
0x16: {  	s3 =	sld [smem:$0x3FDB];
	s0 =	simm.s32 @p2 $0x1  }
0x17: {  	s4 =	simm.s32 $0x1BF5;
	[smem:$0x3FB7] =	sst s0  }
0x18: {  	s0 =	sld [smem:$0x3F9A];
	_ =	swait.ge [sflag:s4], $0x0  }
0x19: {  	s7 =	sld [smem:$0x3F9B]  }
0x1a: {  	s8 =	sadd.s32 $0xFFFFE003, lr  }
0x1b: {  	s9 =	sadd.s32 $0xFFFFFEF7, lr;
	s5 =	simm.s32 $0xFFFFFFFF;
	p2 =	slt.u32 s8, $0xFFFFF086  }
0x1c: {  	p1 =	slt.u32 s9, $0xF7A;
	s5 =	simm.s32 @!p2 $0x0  }
0x1d: {  	s5 =	simm.s32 @p1 $0x1;
	p0 =	seq.s32 s7, s2  }
0x1e: {  	s7 =	smul.u32 @!p0 $0xF7A, s2;
	p2 =	seq.s32 @!p0 s5, $0x0  }
0x1f: {  	s9 =	smul.u32 $0xF7A, s1;
	s8 =	simm.s32 @!p0 $0x1BF5;
	p2 =	por !p2, p0  }
0x20: {  	[sflag:s8] =	ssyncset.s32 @!p0 $0xFFFFF086;
	s6 =	sadd.s32 @!p0 s3, s7;
	s7 =	simm.s32 @!p0 $0x108  }
0x21: {  	s3 =	sadd.s32 s3, s9;
	s6 =	sadd.s32 @!p0 $0x88, s6;
	s7 =	simm.s32 @p2 $0x1082  }
0x22: {  	[simem:s7], [sflag:s8] =	dma.local @!p0 [hbm:s6], $0xF7A  }
0x23: {  	s9 =	sor.u32 $0xD0000000, s2;
	s6 =	simm.s32 $0x108;
	_ =	swait.ge @!p0 [sflag:s8], $0x0  }
0x24: {  	s3 =	sadd.s32 $0x88, s3;
	s6 =	simm.s32 @!p1 $0x1082;
	[sflag:s4] =	ssyncset.s32 $0xFFFFF086  }
0x25: {  	[simem:s6], [sflag:s4] =	dma.local [hbm:s3], $0xF7A  }
0x26: {  	[smem:$0x3F9B] =	sst s1;
	(tag) =	ssettag s2;
	_ =	strace s9  }
0x27: {  	s1 =	sld [smem:$0x3FAB]  }
0x28: {  	s2 =	sld [smem:$0x3FAC]  }
0x29: {  	s4 =	sld [smem:$0x3FAE]  }
0x2a: {  	p0 =	seq.s32 s5, $0x0;
	s5 =	sld [smem:$0x3FAF]  }
0x2b: {  	s6 =	sld [smem:$0x3FB0]  }
0x2c: {  	s7 =	sld [smem:$0x3FB1]  }
0x2d: {  	s3 =	simm.s32 $0x108;
	s8 =	sld [smem:$0x3FB2]  }
0x2e: {  	s3 =	simm.s32 @!p0 $0x1082;
	s9 =	sld [smem:$0x3FB3]  }
0x2f: {  	lr =	sadd.s32 s0, s3;
	s0 =	sld [smem:$0x3FAA]  }
0x30: {  	s3 =	sld [smem:$0x3FAD]  }
0x31: {  	[smem:$0x3FB6] =	sst s10  }
0x32: {  	s10 =	sld [smem:$0x3FB4];
	_ =	sdelay $0x3  }
0x33: {  	p0 =	seq.s32 s10, $0x1;
	s10 =	sld [smem:$0x3FB6];
	_ =	sdelay $0x3  }
0x34: {  	[smem:$0x3FB6] =	sst s10  }
0x35: {  	s10 =	sld [smem:$0x3FB5];
	_ =	sdelay $0x3  }
0x36: {  	p1 =	seq.s32 s10, $0x1;
	s10 =	sld [smem:$0x3FB6];
	_ =	sdelay $0x3  }
0x37: {  	[smem:$0x3FB6] =	sst s10  }
0x38: {  	s10 =	sld [smem:$0x3FB7]  }
0x39: {  	_ = 	snop;
	(pc) =	sbr.ind lr, $3  }
0x3a: {  	_ = 	snop  }
0x3b: {  	_ = 	snop  }
0x3c: {  	p2 =	seq.s32 s10, $0x1;
	s10 =	sld [smem:$0x3FB6]  }
0x3d: {  	_ =	shalt  }
0x3e: {  	_ =	shalt  }
0x3f: {  	_ =	shalt  }
0x40: {  	_ =	shalt  }
0x41: {  	_ =	shalt  }
0x42: {  	_ =	shalt  }
0x43: {  	_ =	shalt  }
0x44: {  	_ =	shalt  }
0x45: {  	_ =	shalt  }
0x46: {  	_ =	shalt  }
0x47: {  	_ =	shalt  }
0x48: {  	_ =	shalt  }
0x49: {  	_ =	shalt  }
0x4a: {  	_ =	shalt  }
0x4b: {  	_ =	shalt  }
0x4c: {  	_ =	shalt  }
0x4d: {  	_ =	shalt  }
0x4e: {  	_ =	shalt  }
0x4f: {  	_ =	shalt  }
0x50: {  	_ =	shalt  }
0x51: {  	_ =	shalt  }
0x52: {  	_ =	shalt  }
0x53: {  	_ =	shalt  }
0x54: {  	_ =	shalt  }
0x55: {  	_ =	shalt  }
0x56: {  	_ =	shalt  }
0x57: {  	_ =	shalt  }
0x58: {  	_ =	shalt  }
0x59: {  	_ =	shalt  }
0x5a: {  	_ =	shalt  }
0x5b: {  	_ =	shalt  }
0x5c: {  	_ =	shalt  }
0x5d: {  	_ =	shalt  }
0x5e: {  	_ =	shalt  }
0x5f: {  	_ =	shalt  }
0x60: {  	_ =	shalt  }
0x61: {  	_ =	shalt  }
0x62: {  	_ =	shalt  }
0x63: {  	_ =	shalt  }
0x64: {  	_ =	shalt  }
0x65: {  	_ =	shalt  }
0x66: {  	_ =	shalt  }
0x67: {  	_ =	shalt  }
0x68: {  	_ =	shalt  }
0x69: {  	_ =	shalt  }
0x6a: {  	_ =	shalt  }
0x6b: {  	_ =	shalt  }
0x6c: {  	_ =	shalt  }
0x6d: {  	_ =	shalt  }
0x6e: {  	_ =	shalt  }
0x6f: {  	_ =	shalt  }
0x70: {  	_ =	shalt  }
0x71: {  	_ =	shalt  }
0x72: {  	_ =	shalt  }
0x73: {  	_ =	shalt  }
0x74: {  	_ =	shalt  }
0x75: {  	_ =	shalt  }
0x76: {  	_ =	shalt  }
0x77: {  	_ =	shalt  }
0x78: {  	_ =	shalt  }
0x79: {  	_ =	shalt  }
0x7a: {  	_ =	shalt  }
0x7b: {  	_ =	shalt  }
0x7c: {  	_ =	shalt  }
0x7d: {  	_ =	shalt  }
0x7e: {  	_ =	shalt  }
0x7f: {  	_ =	shalt  }
0x80: {  	_ =	shalt  }
0x81: {  	_ =	shalt  }
0x82: {  	_ =	shalt  }
0x83: {  	_ =	shalt  }
0x84: {  	_ =	shalt  }
0x85: {  	_ =	shalt  }
0x86: {  	_ =	shalt  }
0x87: {  	_ =	shalt  }
.Lfunc_end0:
.L_simem_size_0:
called_computation_lowered:
.L_overlay_start_0:
0x88: {  	s2 =	sld [smem:$0x3FD9]  }
0x89: {  	s3 =	sld [smem:$0x3FFE];
	_ =	sdelay $0x1  }
0x8a: {  	s1 =	srdreg.scid  }
0x8b: {  	s0 =	sand.u32 $0x1, s1  }
0x8c: {  	s17 =	sshll.u32 s0, $0xA;
	s2 =	sadd.s32 s3, s2  }
0x8d: {  	s2 =	sadd.s32 s2, s17  }
0x8e: {  	[smem:$0x3FC2] =	sst s2  }
0x8f: {  	_ = 	snop  }
0x90: {  	s2 =	sld [smem:$0x3FC9]  }
0x91: {  	s18 =	sld [smem:$0x3FC8];
	(tm) =	ssettm $0x1  }
0x92: {  	s4 =	sld [smem:$0x3FFB];
	_ =	sdelay $0x3  }
0x93: {  	_ =	strace s4  }
0x94: {  	s4 =	sld [smem:$0x3FFC];
	_ =	sdelay $0x3  }
0x95: {  	_ =	strace s4  }
0x96: {  	s4 =	sld [smem:$0x3FFD];
	_ =	sdelay $0x3  }
0x97: {  	_ =	strace s4  }
0x98: {  	_ =	strace $0x8FFFFFFF  }
0x99: {  	s19 =	sld [smem:$0x3FDB];
	_ =	sdelay $0x1  }
0x9a: {  	s5 =	simm.s32 $_scs_section_size  }
0x9b: {  	s6 =	simm.s32 $_size__tile_overlayer_lowered;
	s7 =	simm.s32 $_tile_overlayer_lowered  }
0x9c: {  	s22 =	simm.s32 $0x1BFF;
	s21 =	sshll.u32 s7, $0x1;
	s4 =	sadd.s32 s5, s19  }
0x9d: {  	s8 =	simm.s32 $0x0;
	s20 =	sshll.u32 s6, $0x1;
	s6 =	sadd.s32 s21, s4  }
0x9e: {  	[timem:s8], [sflag:s22] =	dma.local [hbm:s6], s20  }
0x9f: {  	_ =	swait.ge [sflag:s22], s20  }
0xa0: {  	s5 =	ssub.s32 $0x0, s20;
	[sflag:s22] =	ssyncset.done $0x0  }
0xa1: {  	[sflag:s22] =	ssyncadd.s32 s5;
	_ =	sdelay $0x1  }
0xa2: {  	s23 =	simm.s32 $0x1B8B  }
0xa3: {  	_ =	swait.ge [sflag:s23], $0x1  }
0xa4: {  	[sflag:s23] =	ssyncset.done $0x0  }
0xa5: {  	s25 =	simm.s32 $0x1B8E;
	s24 =	sld [smem:$0x3FFE];
	[sflag:s23] =	ssyncadd.s32 $0xFFFFFFFF  }
0xa6: {  	s26 =	simm.s32 $execute0_lowered;
	[smem:$0x3FD2] =	sst s25  }
0xa7: {  	s6 =	sshll.u32 s26, $0x1;
	_ =	strace $0x80000046;
	[dreg:$0x1] =	wrdreg $0xFFFFFFFF  }
0xa8: {  	s28 =	simm.s32 $_size_execute0_lowered;
	s4 =	sadd.s32 s4, s6;
	[dreg:$0x0] =	wrdreg $0x0  }
0xa9: {  	s6 =	sshll.u32 s28, $0x1;
	[dreg:$0x2] =	wrdreg s4  }
0xaa: {  	[dreg:$0x3] =	wrdreg s6  }
0xab: {  	[dreg:$0x4] =	wrdreg $0xC0  }
0xac: {  	_ =	task [dreg:s8], $0x5FFFF  }
0xad: {  	[dreg:$0x1] =	wrdreg $0xFFFFFFFF  }
0xae: {  	[dreg:$0x0] =	wrdreg $0x60  }
0xaf: {  	[dreg:$0x2] =	wrdreg s18  }
0xb0: {  	[dreg:$0x3] =	wrdreg s2  }
0xb1: {  	[dreg:$0x4] =	wrdreg s24  }
0xb2: {  	[dreg:$0x5] =	wrdreg $0x9  }
0xb3: {  	_ =	task.clear_ibuf [dreg:s8], $0x6FFFF;
	_ =	strace $0x90000046  }
0xb4: {  	s29 =	simm.s32 $0x9;
	_ =	strace $0x80000048  }
0xb5: {  	_ =	swait.ge [sflag:s29], $0x1  }
0xb6: {  	[sflag:s29] =	ssyncadd.s32 $0xFFFFFFFF  }
0xb7: {  	_ =	strace $0x90000048  }
0xb8: {  	_ =	sfence  }
0xb9: {  	s30 =	sld [smem:$0x0];
	_ =	sdelay $0x2  }
0xba: {  	s31 =	sshll.u32 s1, $0xD;
	s1 =	sshrl.u32 s1, $0x2  }
0xbb: {  	s3 =	sand.u32 $0x4000, s31;
	s1 =	sadd.s32 s1, s30  }
0xbc: {  	s0 =	sor.u32 s3, s0;
	s1 =	sshll.u32 s1, $0x11  }
0xbd: {  	s0 =	sor.u32 s1, s0  }
0xbe: {  	s0 =	sadd.s32 $0x8F2B, s0  }
0xbf: {  	[sflag:s0] =	ssyncadd.remote.s32 $0x1  }
0xc0: {  	_ =	sfence.sel $0xFFFF  }
0xc1: {  	[dreg:$0x0] =	wrdreg $0xFFFFFFFF;
	(pc) =	sbr.abs _section_cstart, $3  }
0xc2: {  	[dreg:$0x1] =	wrdreg $0xFFFFFFFF  }
0xc3: {  	_ =	task.clear_ibuf [dreg:s8], $0x2FFFF;
	_ =	strace $0x9FFFFFFF  }
0xc4: {  	(tm) =	ssettm $0x7FFFFFFF  }
0xc5: {  	_ =	shalt  }
tec
execute0_lowered:
.L_overlay_start_1:
0x0: {  	(tag) =	ssettag $0x1  }
0x1: {  	v0 =	vimm.s32 $0x1380  }
0x2: {  	vm14 =	vcmask $0x300;
	vm13 =	vcmask $0x704;
	vm12 =	vcmask $0xB08  }
0x3: {  	vm11 =	vcmask $0xF0C;
	vm10 =	vcmask $0x1310;
	vm9 =	vcmask $0x1714  }
0x4: {  	vm8 =	vcmask $0x1B18;
	vm7 =	vcmask $0x1F1C;
	vm6 =	vcmask $0x2320  }
0x5: {  	vm5 =	vcmask $0x2724;
	vm4 =	vcmask $0x2B28;
	vm3 =	vcmask $0x2F2C  }
0x6: {  	vm2 =	vcmask $0x3330;
	vm1 =	vcmask $0x3734;
	vm0 =	vcmask $0x3B38  }
0x7: {  	v6 =	vimm.s32 $0x3380;
	v7 =	vimm.s32 $0x5380;
	v8 =	vimm.s32 $0x7380  }
0x8: {  	v0 =	vsel vm14, $0x0, v0;
	v6 =	vsel vm14, $0x2000, v6;
	v7 =	vsel vm14, $0x4000, v7  }
0x9: {  	v8 =	vsel vm14, $0x6000, v8;
	v0 =	vsel vm13, $0x80, v0;
	v6 =	vsel vm13, $0x2080, v6  }
0xa: {  	v7 =	vsel vm13, $0x4080, v7;
	v8 =	vsel vm13, $0x6080, v8;
	v0 =	vsel vm12, $0x100, v0  }
0xb: {  	v6 =	vsel vm12, $0x2100, v6;
	v7 =	vsel vm12, $0x4100, v7;
	v8 =	vsel vm12, $0x6100, v8  }
0xc: {  	v0 =	vsel vm11, $0x180, v0;
	v6 =	vsel vm11, $0x2180, v6;
	v7 =	vsel vm11, $0x4180, v7  }
0xd: {  	v8 =	vsel vm11, $0x6180, v8;
	v0 =	vsel vm10, $0x200, v0;
	v6 =	vsel vm10, $0x2200, v6  }
0xe: {  	v7 =	vsel vm10, $0x4200, v7;
	v8 =	vsel vm10, $0x6200, v8;
	v0 =	vsel vm9, $0x280, v0  }
0xf: {  	v6 =	vsel vm9, $0x2280, v6;
	v7 =	vsel vm9, $0x4280, v7;
	v8 =	vsel vm9, $0x6280, v8  }
0x10: {  	v0 =	vsel vm8, $0x300, v0;
	v6 =	vsel vm8, $0x2300, v6;
	v7 =	vsel vm8, $0x4300, v7  }
0x11: {  	s0 =	srdreg.scid;
	s1 =	stileid.u32;
	v8 =	vsel vm8, $0x6300, v8;
	v0 =	vsel vm7, $0x380, v0;
	v6 =	vsel vm7, $0x2380, v6  }
0x12: {  	s0 =	sand.u32 $0x1, s0;
	s1 =	sshll.u32 s1, $0x1;
	v7 =	vsel vm7, $0x4380, v7;
	v8 =	vsel vm7, $0x6380, v8;
	v0 =	vsel vm6, $0x1000, v0  }
0x13: {  	s3 =	sor.u32 s0, s1;
	v6 =	vsel vm6, $0x3000, v6;
	v7 =	vsel vm6, $0x5000, v7;
	v8 =	vsel vm6, $0x7000, v8  }
0x14: {  	v1 =	vsel vm5, $0x1080, v0;
	v0 =	vmov s3;
	v6 =	vsel vm5, $0x3080, v6  }
0x15: {  	s2 =	rddreg [dreg:$0x2];
	s7 =	simm.s32 $0x3E;
	v7 =	vsel vm5, $0x5080, v7;
	v8 =	vsel vm5, $0x7080, v8;
	v2 =	vsel vm4, $0x1100, v1  }
0x16: {  	s4 =	simm.s32 $0x0;
	s13 =	simm.s32 $0x7A1400;
	s14 =	simm.s32 $0x1000;
	v1 =	vimm.s32 $0x4000;
	v6 =	vsel vm4, $0x3100, v6;
	v7 =	vsel vm4, $0x5100, v7  }
0x17: {  	s17 =	simm.s32 $0x3;
	s18 =	simm.s32 $0x1E000;
	s19 =	simm.s32 $0x1E400;
	v8 =	vsel vm4, $0x7100, v8;
	v3 =	vsel vm3, $0x1180, v2;
	v2 =	vimm.s32 $0x7FFFFFFF  }
0x18: {  	s20 =	simm.s32 $0x1;
	s21 =	simm.s32 $0x1E800;
	s22 =	simm.s32 $0x1E900;
	v6 =	vsel vm3, $0x3180, v6;
	v7 =	vsel vm3, $0x5180, v7;
	v8 =	vsel vm3, $0x7180, v8  }
0x19: {  	s24 =	simm.s32 $0x1C000;
	s25 =	simm.s32 $0x0;
	[smem:$0x7FF] =	sst s4;
	v4 =	vsel vm2, $0x1200, v3;
	v3 =	vimm.s32 $0x0;
	v6 =	vsel vm2, $0x3200, v6  }
.Ltmp0:
0x1a: {  	s5 =	sadd.s32 $0xE00, s2;
	s0 =	ssub.s32 $0x2, s0;
	v5 =	vsel vm1, $0x1280, v4;
	v4 =	vlaneseq.u32;
	v9 =	vsel vm1, $0x3280, v6;
	(pc) =	sbr.rel .LBB2_1-.Ltmp0, $4  }
0x1b: {  	s1 =	rddreg [dreg:$0x0];
	_ =	strace $0x80000047;
	s6 =	sshrl.u32 s0, $0x1;
	v6 =	vsel vm2, $0x5200, v7;
	v7 =	vsel vm2, $0x7200, v8;
	v5 =	vsel vm0, $0x1300, v5  }
0x1c: {  	p0 =	seq.s32 s3, $0x0;
	s0 =	ssub.s32 s0, s6;
	s6 =	sshll.u32 s3, $0x9;
	v8 =	vsel vm1, $0x5280, v6;
	v10 =	vsel vm1, $0x7280, v7;
	v6 =	vmul.u32 $0x80, v4  }
0x1d: {  	s9 =	sshll.u32 s3, $0xC;
	s11 =	sadd.s32 $0xF4200, s1;
	s8 =	sadd.s32 s1, s6;
	v7 =	vsel vm0, $0x3300, v9;
	v8 =	vsel vm0, $0x5300, v8;
	v9 =	vsel vm0, $0x7300, v10  }
0x1e: {  	s7 =	simm.s32 @!p0 $0x3D;
	s12 =	smax.u32 s0, $0x1;
	s10 =	sadd.s32 $0x4000, s8;
	v10 =	vor.u32 $0x800, v6;
	v11 =	vor.u32 $0x1000, v6;
	v12 =	vor.u32 $0x1800, v6  }
.LBB2_26:
0x1f: {  	[sflag:s0] =	ssyncadd.s32 @!p1 $0xFFFFF000  }
0x20: {  	[tilespmem:$0x1FA00] =	vst @!p1 v13  }
0x21: {  	[tilespmem:$0x1FA10] =	vst @!p1 v13  }
.LBB2_27:
0x22: {  	p0 =	slt.s32 s26, $0x1  }
0x23: {  	s25 =	sadd.s32 $0x1, s25;
	s0 =	simm.s32 @!p0 $0x20  }
0x24: {  	s2 =	simm.s32 @!p0 $0x1FA00;
	s3 =	simm.s32 @!p0 $0x1EA00;
	p1 =	sne.s32 s25, s12  }
0x25: {  	[hbm4b:s5+s0] =	stream.indirect.scatter @!p0 [tilespmem:s3], [sflag:$0x2], $0x80, s2, s0, $0xb8;
	[tilespmem:$0x1FA80] =	vst v63  }
.Ltmp1:
0x26: {  	_ = 	snop;
	(pc) =	sbr.rel @!p1 .LBB2_28-.Ltmp1, $4  }
0x27: {  	s0 =	simm.s32 @!p0 $0x2  }
0x28: {  	_ =	swait.ge @!p0 [sflag:s0], $0x1000  }
0x29: {  	[sflag:s0] =	ssyncset.done @!p0 $0x0  }
0x2a: {  	[sflag:s0] =	ssyncadd.s32 @!p0 $0xFFFFF000  }
.LBB2_1:
0x2b: {  	s0 =	simm.s32 $0x4000  }
0x2c: {  	[tilespmem:s0], [sflag:$0x1] =	stream.strided.gather [hbm4b:s8+s14], $0x8000, s13, s14, $0x38;
	[tilespmem:$0x1FA80] =	vst v63  }
0x2d: {  	s29 =	simm.s32 $0xC000  }
0x2e: {  	[tilespmem:s29], [sflag:$0x1] =	stream.strided.gather [hbm4b:s10+s14], $0x8000, s13, s14, $0x38;
	[tilespmem:$0x1FA80] =	vst v63  }
0x2f: {  	s30 =	rddreg [dreg:$0x1]  }
0x30: {  	[tilespmem:s4], [sflag:$0x3] =	stream.linear.gather [hbm4b:s30+s4], $0x4000, $0x38;
	[tilespmem:$0x1FA80] =	vst v63  }
0x31: {  	_ =	swait.ge [sflag:s17], $0x4000  }
0x32: {  	[sflag:s17] =	ssyncset.done $0x0  }
0x33: {  	[sflag:s17] =	ssyncadd.s32 $0xFFFFC000  }
0x34: {  	[tilespmem:$0x1FA00] =	vst v1  }
0x35: {  	[tilespmem:$0x1FA10] =	vst v1  }
0x36: {  	[tilespmem:$0x1E000] =	vst v2  }
0x37: {  	[tilespmem:$0x1E010] =	vst v2  }
0x38: {  	[tilespmem:$0x1E020] =	vst v2  }
0x39: {  	[tilespmem:$0x1E030] =	vst v2  }
0x3a: {  	[tilespmem:$0x1E040] =	vst v2  }
0x3b: {  	[tilespmem:$0x1E050] =	vst v2  }
0x3c: {  	[tilespmem:$0x1E060] =	vst v2  }
0x3d: {  	[tilespmem:$0x1E070] =	vst v2  }
0x3e: {  	[tilespmem:$0x1E080] =	vst v2  }
0x3f: {  	[tilespmem:$0x1E090] =	vst v2  }
0x40: {  	[tilespmem:$0x1E0A0] =	vst v2  }
0x41: {  	[tilespmem:$0x1E0B0] =	vst v2  }
0x42: {  	[tilespmem:$0x1E0C0] =	vst v2  }
0x43: {  	[tilespmem:$0x1E0D0] =	vst v2  }
0x44: {  	[tilespmem:$0x1E0E0] =	vst v2  }
0x45: {  	[tilespmem:$0x1E0F0] =	vst v2  }
0x46: {  	[tilespmem:$0x1E100] =	vst v2  }
0x47: {  	[tilespmem:$0x1E110] =	vst v2  }
0x48: {  	[tilespmem:$0x1E120] =	vst v2  }
0x49: {  	[tilespmem:$0x1E130] =	vst v2  }
0x4a: {  	[tilespmem:$0x1E140] =	vst v2  }
0x4b: {  	[tilespmem:$0x1E150] =	vst v2  }
0x4c: {  	[tilespmem:$0x1E160] =	vst v2  }
0x4d: {  	[tilespmem:$0x1E170] =	vst v2  }
0x4e: {  	[tilespmem:$0x1E180] =	vst v2  }
0x4f: {  	[tilespmem:$0x1E190] =	vst v2  }
0x50: {  	[tilespmem:$0x1E1A0] =	vst v2  }
0x51: {  	[tilespmem:$0x1E1B0] =	vst v2  }
0x52: {  	[tilespmem:$0x1E1C0] =	vst v2  }
0x53: {  	[tilespmem:$0x1E1D0] =	vst v2  }
0x54: {  	[tilespmem:$0x1E1E0] =	vst v2  }
0x55: {  	[tilespmem:$0x1E1F0] =	vst v2  }
0x56: {  	[tilespmem:$0x1E200] =	vst v2  }
0x57: {  	[tilespmem:$0x1E210] =	vst v2  }
0x58: {  	[tilespmem:$0x1E220] =	vst v2  }
0x59: {  	[tilespmem:$0x1E230] =	vst v2  }
0x5a: {  	[tilespmem:$0x1E240] =	vst v2  }
0x5b: {  	[tilespmem:$0x1E250] =	vst v2  }
0x5c: {  	[tilespmem:$0x1E260] =	vst v2  }
0x5d: {  	[tilespmem:$0x1E270] =	vst v2  }
0x5e: {  	[tilespmem:$0x1E280] =	vst v2  }
0x5f: {  	[tilespmem:$0x1E290] =	vst v2  }
0x60: {  	[tilespmem:$0x1E2A0] =	vst v2  }
0x61: {  	[tilespmem:$0x1E2B0] =	vst v2  }
0x62: {  	[tilespmem:$0x1E2C0] =	vst v2  }
0x63: {  	[tilespmem:$0x1E2D0] =	vst v2  }
0x64: {  	[tilespmem:$0x1E2E0] =	vst v2  }
0x65: {  	[tilespmem:$0x1E2F0] =	vst v2  }
0x66: {  	[tilespmem:$0x1E300] =	vst v2  }
0x67: {  	[tilespmem:$0x1E310] =	vst v2  }
0x68: {  	[tilespmem:$0x1E320] =	vst v2  }
0x69: {  	[tilespmem:$0x1E330] =	vst v2  }
0x6a: {  	[tilespmem:$0x1E340] =	vst v2  }
0x6b: {  	[tilespmem:$0x1E350] =	vst v2  }
0x6c: {  	[tilespmem:$0x1E360] =	vst v2  }
0x6d: {  	[tilespmem:$0x1E370] =	vst v2  }
0x6e: {  	[tilespmem:$0x1E380] =	vst v2  }
0x6f: {  	[tilespmem:$0x1E390] =	vst v2  }
0x70: {  	v13 =	vld [tilespmem:s4+$0x0];
	_ =	sdelay $0x4  }
0x71: {  	v14 =	vshrl.u32 v13, $0x9  }
0x72: {  	v14 =	vand.u32 $0x1F, v14  }
0x73: {  	vm0 =	veq.s32 v14, v0  }
0x74: {  	v14 =	vsel vm0, $0x1, v3  }
0x75: {  	(xrf0) =	vadd.scan.msk.s32 $0xffff, v14;
	_ =	sdelay $0x5  }
0x76: {  	s31 =	simm.s32 $0xFFFFFFFF;
	v14, _, _ =	vpop (xrf0)  }
0x77: {  	v15 =	vadd.s32 s31, v14;
	(v2sf) =	vpush v14, $0xF  }
0x78: {  	v15 =	vnsel vm0, $0x390, v15;
	_ =	sdelay $0x4  }
0x79: {  	[tilespmem:v15+s18+$0x0] =	vst.idx.msk $0xffff, v13;
	v13 =	vor.u32 s4, v4  }
0x7a: {  	s3 =	simm.s32 $0x10;
	[tilespmem:v15+s19+$0x0] =	vst.idx.msk $0xffff, v13  }
0x7b: {  	s2 =	simm.s32 $0x20;
	s15 =	simm.s32 $0x10;
	s0 =	simm.s32 $0x0;
	v13 =	vld [tilespmem:s3+$0x0]  }
.LBB2_2:
0x7c: {  	p0 =	seq.s32 s2, $0x3FF0;
	_ =	sdelay $0x3  }
0x7d: {  	v14 =	vshrl.u32 v13, $0x9  }
0x7e: {  	v14 =	vand.u32 $0x1F, v14  }
0x7f: {  	vm0 =	veq.s32 v14, v0;
	s26 =	spop (v2sf)  }
0x80: {  	v14 =	vsel vm0, $0x1, v3;
	s0 =	sadd.s32 s0, s26  }
0x81: {  	(xrf0) =	vadd.scan.msk.s32 $0xffff, v14;
	p1 =	slt.s32 s0, $0x380  }
0x82: {  	s0 =	simm.s32 @!p1 $0x380  }
0x83: {  	s26 =	sadd.s32 $0xFFFFFFFF, s0;
	_ =	sdelay $0x3  }
0x84: {  	v14, _, _ =	vpop (xrf0)  }
0x85: {  	v15 =	vadd.s32 s26, v14;
	(v2sf) =	vpush v14, $0xF  }
0x86: {  	v14 =	vnsel vm0, $0x390, v15;
	_ =	sdelay $0x2  }
.Ltmp2:
0x87: {  	(pc) =	sbr.rel @!p0 .LBB2_2-.Ltmp2, $4  }
0x88: {  	_ = 	snop  }
0x89: {  	[tilespmem:v14+s18+$0x0] =	vst.idx.msk $0xffff, v13;
	v13 =	vor.u32 s3, v4;
	s3 =	smov.u32 s2  }
0x8a: {  	s15 =	sadd.s32 $0x10, s15;
	[tilespmem:v14+s19+$0x0] =	vst.idx.msk $0xffff, v13  }
0x8b: {  	s2 =	sadd.s32 $0x10, s2;
	v13 =	vld [tilespmem:s15+$0x0]  }
0x8c: {  	_ =	sdelay $0x3  }
0x8d: {  	v14 =	vshrl.u32 v13, $0x9  }
0x8e: {  	v14 =	vand.u32 $0x1F, v14  }
0x8f: {  	vm0 =	veq.s32 v14, v0  }
0x90: {  	v14 =	vsel vm0, $0x1, v3  }
0x91: {  	(xrf0) =	vadd.scan.msk.s32 $0xffff, v14;
	_ =	sdelay $0x5  }
0x92: {  	v14, _, _ =	vpop (xrf0)  }
0x93: {  	(v2sf) =	vpush v14, $0xF;
	_ =	sdelay $0xb  }
0x94: {  	s2 =	spop (v2sf)  }
0x95: {  	s0 =	sadd.s32 s0, s2  }
0x96: {  	p0 =	slt.s32 s0, $0x380  }
0x97: {  	s0 =	simm.s32 @!p0 $0x380;
	s26 =	spop (v2sf)  }
0x98: {  	s23 =	sadd.s32 $0xFFFFFFFF, s0;
	s0 =	sadd.s32 s0, s26  }
0x99: {  	p0 =	slt.s32 s0, $0x380;
	s2 =	smov.u32 s0  }
0x9a: {  	s2 =	simm.s32 @!p0 $0x380  }
0x9b: {  	v14 =	vadd.s32 s23, v14;
	s2 =	sadd.s32 $0xF, s2  }
0x9c: {  	v14 =	vnsel vm0, $0x390, v14;
	s30 =	sand.u32 $0xF, s2  }
0x9d: {  	p6 =	slt.s32 s0, $0xFFFFFFF2;
	s31 =	sshra.s32 s2, $0x1F;
	p1 =	sne.s32 s30, $0x0  }
.Ltmp3:
0x9e: {  	s0 =	sshrl.u32 s31, $0x1C;
	p0 =	por !p6, !p1;
	(pc) =	sbr.rel .LBB2_4-.Ltmp3, $4  }
0x9f: {  	s0 =	sadd.s32 s0, s2;
	s2 =	simm.s32 $0x1;
	p0 =	por !p0, !p0  }
0xa0: {  	s0 =	sshra.s32 s0, $0x4;
	s2 =	simm.s32 @!p0 $0x0  }
0xa1: {  	[tilespmem:v14+s18+$0x0] =	vst.idx.msk $0xffff, v13;
	v13 =	vor.u32 s3, v4;
	s28 =	ssub.s32 s0, s2  }
0xa2: {  	s29 =	simm.s32 $0x0;
	[tilespmem:v14+s19+$0x0] =	vst.idx.msk $0xffff, v13;
	s26 =	simm.s32 $0x0;
	p0 =	slt.s32 s28, $0x1  }
.LBB2_14:
0xa3: {  	[sflag:s0] =	ssyncadd.s32 @!p2 $0xFFFFF000  }
0xa4: {  	[tilespmem:$0x1FA00] =	vst @!p2 v13  }
0xa5: {  	[tilespmem:$0x1FA10] =	vst @!p2 v13  }
.LBB2_15:
0xa6: {  	s29 =	sadd.s32 $0x1, s29  }
0xa7: {  	p1 =	sne.s32 s29, s7  }
.Ltmp4:
0xa8: {  	_ = 	snop;
	(pc) =	sbr.rel @!p1 .LBB2_16-.Ltmp4, $1  }
0xa9: {  	_ =	sdelay $0x3  }
.LBB2_4:
.Ltmp5:
0xaa: {  	(pc) =	sbr.rel @p0 .LBB2_11-.Ltmp5, $2  }
0xab: {  	_ =	sdelay $0x2  }
0xac: {  	s30 =	simm.s32 $0x0  }
0xad: {  	p2 =	sne.s32 s28, $0x1  }
.Ltmp6:
0xae: {  	_ = 	snop;
	(pc) =	sbr.rel @!p2 .LBB2_6-.Ltmp6, $4  }
0xaf: {  	s0 =	sshll.u32 s29, $0xE  }
0xb0: {  	s0 =	sor.u32 s6, s0  }
0xb1: {  	s3 =	simm.s32 $0x0;
	s15 =	simm.s32 $0x1E000;
	s2 =	sadd.s32 $0x200, s0  }
0xb2: {  	s30 =	simm.s32 $0x1E400;
	p1 =	por $0x0, $0x0;
	v15 =	vld [tilespmem:s15+$0x0];
	v13 =	vmov s0;
	s0 =	sadd.s32 $0xFFFFFFFF, s28;
	v14 =	vmov s2  }
0xb3: {  	_ =	sdelay $0x3  }
0xb4: {  	vm0 =	vge.s32 v15, v13;
	vm1 =	vlt.s32 v15, v14  }
0xb5: {  	vm0 =	vmand vm0, vm1  }
0xb6: {  	v16 =	vsel vm0, $0x1, v3  }
0xb7: {  	(xrf0) =	vadd.scan.msk.s32 $0xffff, v16;
	_ =	sdelay $0x5  }
0xb8: {  	s2 =	simm.s32 $0xFFFFFFFF;
	v16, _, _ =	vpop (xrf0)  }
0xb9: {  	v17 =	vadd.s32 s2, v16;
	(v2sf) =	vpush v16, $0xF  }
0xba: {  	v17 =	vnsel vm0, $0x90, v17  }
0xbb: {  	v18 =	vld [tilespmem:s30+$0x0]  }
0xbc: {  	p2 =	sne.s32 s0, $0x1  }
.Ltmp7:
0xbd: {  	_ = 	snop;
	(pc) =	sbr.rel @!p2 .LBB2_8-.Ltmp7, $4  }
0xbe: {  	v15 =	vsub.s32 v15, v13  }
0xbf: {  	[tilespmem:v17+s21+$0x0] =	vst.idx.msk $0xffff, v15  }
0xc0: {  	s15 =	sadd.s32 $0xFFFFFFFF, s0;
	s2 =	simm.s32 $0x1E010;
	[tilespmem:v17+s22+$0x0] =	vst.idx.msk $0xffff, v18  }
0xc1: {  	p1 =	por $0x1, $0x1;
	s0 =	simm.s32 $0x0;
	s31 =	simm.s32 $0x1E400;
	v15 =	vld [tilespmem:s2+$0x0]  }
.LBB2_9:
0xc2: {  	p2 =	sne.s32 s15, $0x1;
	_ =	sdelay $0x3  }
0xc3: {  	vm0 =	vge.s32 v15, v13;
	vm1 =	vlt.s32 v15, v14;
	v15 =	vsub.s32 v15, v13  }
0xc4: {  	vm0 =	vmand vm0, vm1  }
0xc5: {  	v16 =	vsel vm0, $0x1, v3;
	s16 =	spop (v2sf)  }
0xc6: {  	(xrf0) =	vadd.scan.msk.s32 $0xffff, v16;
	s0 =	sadd.s32 s0, s16  }
0xc7: {  	p3 =	slt.s32 s0, $0x80  }
0xc8: {  	s0 =	simm.s32 @!p3 $0x80  }
0xc9: {  	s16 =	sadd.s32 $0xFFFFFFFF, s0;
	_ =	sdelay $0x2  }
0xca: {  	v16, _, _ =	vpop (xrf0)  }
0xcb: {  	v17 =	vadd.s32 s16, v16;
	(v2sf) =	vpush v16, $0xF  }
0xcc: {  	s31 =	sadd.s32 $0x10, s31;
	v16 =	vnsel vm0, $0x90, v17  }
0xcd: {  	v17 =	vld [tilespmem:s31+$0x0];
	_ =	sdelay $0x1  }
.Ltmp8:
0xce: {  	(pc) =	sbr.rel @p2 .LBB2_9-.Ltmp8, $4  }
0xcf: {  	_ = 	snop  }
0xd0: {  	[tilespmem:v16+s21+$0x0] =	vst.idx.msk $0xffff, v15  }
0xd1: {  	s2 =	sadd.s32 $0x10, s2;
	[tilespmem:v16+s22+$0x0] =	vst.idx.msk $0xffff, v17  }
0xd2: {  	s15 =	sadd.s32 $0xFFFFFFFF, s15;
	v15 =	vld [tilespmem:s2+$0x0]  }
.LBB2_10:
0xd3: {  	_ =	sdelay $0x3  }
0xd4: {  	vm0 =	vge.s32 v15, v13;
	vm1 =	vlt.s32 v15, v14  }
0xd5: {  	vm0 =	vmand vm0, vm1  }
0xd6: {  	v14 =	vsel vm0, $0x1, v3  }
0xd7: {  	(xrf0) =	vadd.scan.msk.s32 $0xffff, v14;
	_ =	sdelay $0x5  }
0xd8: {  	v14, _, _ =	vpop (xrf0)  }
0xd9: {  	(v2sf) =	vpush v14, $0xF;
	_ =	sdelay $0x3  }
0xda: {  	s2 =	spop @p1 (v2sf)  }
0xdb: {  	s0 =	sadd.s32 @p1 s0, s2  }
0xdc: {  	p2 =	slt.s32 @p1 s0, $0x80  }
0xdd: {  	p2 =	por !p2, !p1  }
0xde: {  	s0 =	simm.s32 @p2 $0x80  }
0xdf: {  	s3 =	smov.u32 @p1 s0  }
0xe0: {  	s0 =	sadd.s32 $0xFFFFFFFF, s3  }
0xe1: {  	v14 =	vadd.s32 s0, v14;
	s0 =	sadd.s32 @p1 $0x10, s31  }
0xe2: {  	v14 =	vnsel vm0, $0x90, v14;
	s30 =	smov.u32 @p1 s0  }
0xe3: {  	v16 =	vld [tilespmem:s30+$0x0];
	_ =	sdelay $0x1  }
0xe4: {  	s31 =	spop (v2sf)  }
0xe5: {  	v13 =	vsub.s32 v15, v13;
	s30 =	sadd.s32 s3, s31  }
0xe6: {  	[tilespmem:v14+s21+$0x0] =	vst.idx.msk $0xffff, v13;
	p1 =	slt.s32 s30, $0x80  }
0xe7: {  	[tilespmem:v14+s22+$0x0] =	vst.idx.msk $0xffff, v16;
	s30 =	simm.s32 @!p1 $0x80  }
.LBB2_11:
0xe8: {  	s0 =	sadd.s32 $0x2, s29  }
0xe9: {  	p1 =	sge.u32 s0, s7  }
0xea: {  	s2 =	smulhi.u32 @!p1 $0xAAAAAAAB, s0;
	_ =	sdelay $0x1  }
0xeb: {  	s2 =	sshrl.u32 @!p1 s2, $0x1  }
0xec: {  	s2 =	smul.u32 @!p1 $0x3, s2  }
0xed: {  	_ =	swait.ge [sflag:s20], $0x8000  }
0xee: {  	[sflag:s20] =	ssyncset.done $0x0;
	s2 =	ssub.s32 @!p1 s0, s2;
	s0 =	sshll.u32 @!p1 s0, $0x11  }
0xef: {  	[sflag:s20] =	ssyncadd.s32 $0xFFFF8000;
	s0 =	sor.u32 @!p1 s9, s0  }
0xf0: {  	s3 =	simm.s32 @!p1 $0x1000;
	s2 =	sshll.u32 @!p1 s2, $0xF;
	s0 =	sshrl.u32 @!p1 s0, $0x3  }
0xf1: {  	s15 =	simm.s32 @!p1 $0x7A1400;
	s2 =	sor.u32 @!p1 $0x4000, s2;
	s0 =	sadd.s32 @!p1 s1, s0  }
0xf2: {  	[tilespmem:s2], [sflag:$0x1] =	stream.strided.gather @!p1 [hbm4b:s0+s3], $0x8000, s15, s3, $0x38;
	[tilespmem:$0x1FA80] =	vst v63  }
0xf3: {  	p1 =	slt.s32 s30, $0x1  }
.Ltmp9:
0xf4: {  	_ = 	snop;
	(pc) =	sbr.rel @p1 .LBB2_15-.Ltmp9, $1  }
0xf5: {  	_ =	sdelay $0x3  }
0xf6: {  	s0 =	simm.s32 $0x0  }
0xf7: {  	s2 =	sand.u32 $0x7FFFFFF0, s0  }
0xf8: {  	v13 =	vld [tilespmem:s2+$0x1E800];
	_ =	sdelay $0x2  }
0xf9: {  	s0 =	sand.u32 $0xF, s0  }
0xfa: {  	v14 =	vmov s0  }
0xfb: {  	vm0 =	veq.s32 v14, v4;
	v13 =	vxor.u32 $0x80000000, v13  }
0xfc: {  	v13 =	vnsel vm0, $0x7FFFFFFF, v13  }
0xfd: {  	(xrf0) =	vmax.scan.msk.u32 $0xffff, v13;
	_ =	sdelay $0x5  }
0xfe: {  	v13, _, _ =	vpop (xrf0)  }
0xff: {  	v13 =	vbroadcast v13, $0xF;
	_ =	sdelay $0x1  }
0x100: {  	s15 =	smulhi.u32 $0xAAAAAAAB, s29;
	v14 =	vshll.u32 v13, $0x3  }
0x101: {  	v13 =	vand.u32 $0x7F, v13;
	v14 =	vand.u32 $0xFFFFFC00, v14  }
0x102: {  	s0 =	sshrl.u32 s15, $0x1;
	v13 =	vor.u32 v13, v14  }
0x103: {  	s0 =	smul.u32 $0x3, s0;
	v14 =	vadd.s32 v5, v13;
	_ =	sdelay $0x1  }
0x104: {  	s0 =	ssub.s32 s29, s0  }
0x105: {  	v15 =	vld [tilespmem:s2+$0x1E900];
	s0 =	sshll.u32 s0, $0xF  }
0x106: {  	s31 =	sor.u32 $0x4000, s0  }
0x107: {  	v14 =	vld.idx.msk [tilespmem:v14+s31+$0x0], $0xffff  }
0x108: {  	v16 =	vadd.s32 v7, v13;
	_ =	sdelay $0x1  }
0x109: {  	s16 =	sshll.u32 s26, $0x9;
	v15 =	vxor.u32 $0x80000000, v15  }
0x10a: {  	s0 =	sshra.s32 s16, $0x2;
	v15 =	vnsel vm0, $0x7FFFFFFF, v15  }
0x10b: {  	(xrf0) =	vmax.scan.msk.u32 $0xffff, v15;
	[tilespmem:s0+$0x1EA00] =	vst v14  }
0x10c: {  	v14 =	vld.idx.msk [tilespmem:v16+s31+$0x0], $0xffff  }
0x10d: {  	v15 =	vadd.s32 v8, v13;
	_ =	sdelay $0x3  }
0x10e: {  	[tilespmem:s0+$0x1EA10] =	vst v14;
	v14, _, _ =	vpop (xrf0)  }
0x10f: {  	v15 =	vld.idx.msk [tilespmem:v15+s31+$0x0], $0xffff;
	(v2sf) =	vpush v14, $0xF  }
0x110: {  	v13 =	vadd.s32 v9, v13;
	_ =	sdelay $0x3  }
0x111: {  	s23 =	sand.u32 $0xF, s26;
	[tilespmem:s0+$0x1EA20] =	vst v15  }
0x112: {  	s3 =	sshra.s32 s26, $0x1F;
	p1 =	slt.s32 s26, $0x1;
	p2 =	sne.s32 s23, $0x0;
	v13 =	vld.idx.msk [tilespmem:v13+s31+$0x0], $0xffff  }
0x113: {  	s15 =	sshrl.u32 s3, $0x1C;
	p1 =	por !p1, !p2  }
0x114: {  	s3 =	simm.s32 $0x1;
	s2 =	sadd.s32 s15, s26;
	p1 =	por !p1, !p1  }
0x115: {  	s2 =	sshrl.u32 s2, $0x4;
	s3 =	simm.s32 @!p1 $0x0  }
0x116: {  	s2 =	ssub.s32 s2, s3  }
0x117: {  	s2 =	sshll.u32 s2, $0x4;
	[tilespmem:s0+$0x1EA30] =	vst v13  }
0x118: {  	v13 =	vld [tilespmem:s2+$0x1FA00];
	_ =	sdelay $0x1  }
0x119: {  	s16 =	ssub.s32 s26, s2  }
0x11a: {  	s26 =	sadd.s32 $0x1, s26;
	v14 =	vmov s16;
	s23 =	spop (v2sf)  }
0x11b: {  	p1 =	sne.s32 s30, $0x1;
	p2 =	sne.s32 s26, $0x20;
	vm15 =	veq.s32 v14, v4;
	s0 =	sxor.u32 $0x80000000, s23  }
.Ltmp10:
0x11c: {  	s3 =	simm.s32 @!p2 $0x20;
	v13 =	vsel vm15, s0, v13;
	(pc) =	sbr.rel @!p1 .LBB2_14-.Ltmp10, $4  }
0x11d: {  	s15 =	simm.s32 @!p2 $0x1FA00;
	s16 =	simm.s32 @!p2 $0x1EA00;
	s0 =	simm.s32 @!p2 $0x2;
	[tilespmem:s2+$0x1FA00] =	vst v13  }
0x11e: {  	[hbm4b:s5+s3] =	stream.indirect.scatter @!p2 [tilespmem:s16], [sflag:$0x2], $0x80, s15, s3, $0xb8;
	[tilespmem:$0x1FA80] =	vst v63  }
0x11f: {  	_ =	swait.ge @!p2 [sflag:s0], $0x1000  }
0x120: {  	s26 =	simm.s32 @!p2 $0x0;
	v13 =	vimm.s32 @!p2 $0x4000;
	s3 =	simm.s32 $0x1;
	[sflag:s0] =	ssyncset.done @!p2 $0x0  }
.LBB2_13:
0x121: {  	[sflag:s0] =	ssyncadd.s32 @!p2 $0xFFFFF000;
	s0 =	smov.u32 s3;
	s3 =	sadd.s32 $0x1, s3  }
0x122: {  	s2 =	sand.u32 $0x7FFFFFF0, s0;
	p1 =	sne.s32 s30, s3;
	[tilespmem:$0x1FA00] =	vst @!p2 v13  }
0x123: {  	[tilespmem:$0x1FA10] =	vst @!p2 v13  }
0x124: {  	v13 =	vld [tilespmem:s2+$0x1E800];
	_ =	sdelay $0x1  }
0x125: {  	s0 =	sand.u32 $0xF, s0  }
0x126: {  	v14 =	vmov s0  }
0x127: {  	vm0 =	veq.s32 v14, v4  }
0x128: {  	v13 =	vxor.u32 $0x80000000, v13  }
0x129: {  	v13 =	vnsel vm0, $0x7FFFFFFF, v13  }
0x12a: {  	(xrf0) =	vmax.scan.msk.u32 $0xffff, v13;
	_ =	sdelay $0x5  }
0x12b: {  	v13, _, _ =	vpop (xrf0)  }
0x12c: {  	v13 =	vbroadcast v13, $0xF;
	_ =	sdelay $0x1  }
0x12d: {  	v14 =	vand.u32 $0x7F, v13;
	v13 =	vshll.u32 v13, $0x3  }
0x12e: {  	v13 =	vand.u32 $0xFFFFFC00, v13  }
0x12f: {  	v13 =	vor.u32 v14, v13  }
0x130: {  	v14 =	vadd.s32 v5, v13;
	_ =	sdelay $0x4  }
0x131: {  	v14 =	vld.idx.msk [tilespmem:v14+s31+$0x0], $0xffff  }
0x132: {  	v16 =	vadd.s32 v7, v13;
	v15 =	vld [tilespmem:s2+$0x1E900];
	_ =	sdelay $0x1  }
0x133: {  	s0 =	sshll.u32 s26, $0x9  }
0x134: {  	s0 =	sshra.s32 s0, $0x2;
	_ =	sdelay $0x1  }
0x135: {  	v15 =	vxor.u32 $0x80000000, v15;
	[tilespmem:s0+$0x1EA00] =	vst v14  }
0x136: {  	v14 =	vnsel vm0, $0x7FFFFFFF, v15;
	v15 =	vld.idx.msk [tilespmem:v16+s31+$0x0], $0xffff  }
0x137: {  	v16 =	vadd.s32 v8, v13;
	(xrf0) =	vmax.scan.msk.u32 $0xffff, v14;
	_ =	sdelay $0x4  }
0x138: {  	[tilespmem:s0+$0x1EA10] =	vst v15  }
0x139: {  	v14 =	vld.idx.msk [tilespmem:v16+s31+$0x0], $0xffff;
	v15, _, _ =	vpop (xrf0)  }
0x13a: {  	v13 =	vadd.s32 v9, v13;
	(v2sf) =	vpush v15, $0xF;
	_ =	sdelay $0x4  }
0x13b: {  	s2 =	sand.u32 $0xF, s26;
	[tilespmem:s0+$0x1EA20] =	vst v14  }
0x13c: {  	s15 =	sshra.s32 s26, $0x1F;
	p2 =	slt.s32 s26, $0x1;
	p3 =	sne.s32 s2, $0x0;
	v13 =	vld.idx.msk [tilespmem:v13+s31+$0x0], $0xffff  }
0x13d: {  	s2 =	sshrl.u32 s15, $0x1C;
	p2 =	por !p2, !p3  }
0x13e: {  	s15 =	simm.s32 $0x1;
	s2 =	sadd.s32 s2, s26;
	p2 =	por !p2, !p2  }
0x13f: {  	s2 =	sshrl.u32 s2, $0x4;
	s15 =	simm.s32 @!p2 $0x0  }
0x140: {  	s2 =	ssub.s32 s2, s15  }
0x141: {  	s2 =	sshll.u32 s2, $0x4  }
0x142: {  	[tilespmem:s0+$0x1EA30] =	vst v13;
	s0 =	ssub.s32 s26, s2  }
0x143: {  	v13 =	vld [tilespmem:s2+$0x1FA00];
	v14 =	vmov s0;
	_ =	sdelay $0x1  }
0x144: {  	s26 =	sadd.s32 $0x1, s26;
	s0 =	spop (v2sf)  }
0x145: {  	p2 =	sne.s32 s26, $0x20;
	vm0 =	veq.s32 v14, v4;
	s0 =	sxor.u32 $0x80000000, s0  }
0x146: {  	s15 =	simm.s32 @!p2 $0x20  }
.Ltmp11:
0x147: {  	s16 =	simm.s32 @!p2 $0x1FA00;
	s23 =	simm.s32 @!p2 $0x1EA00;
	v14 =	vsel vm0, s0, v13;
	v13 =	vimm.s32 @!p2 $0x4000;
	(pc) =	sbr.rel @p1 .LBB2_13-.Ltmp11, $4  }
0x148: {  	s26 =	simm.s32 @!p2 $0x0;
	s0 =	simm.s32 @!p2 $0x2;
	[tilespmem:s2+$0x1FA00] =	vst v14  }
0x149: {  	[hbm4b:s5+s15] =	stream.indirect.scatter @!p2 [tilespmem:s23], [sflag:$0x2], $0x80, s16, s15, $0xb8;
	[tilespmem:$0x1FA80] =	vst v63  }
0x14a: {  	_ =	swait.ge @!p2 [sflag:s0], $0x1000  }
0x14b: {  	[sflag:s0] =	ssyncset.done @!p2 $0x0  }
.Ltmp12:
0x14c: {  	_ = 	snop;
	(pc) =	sbr.rel .LBB2_14-.Ltmp12, $1  }
0x14d: {  	_ =	sdelay $0x3  }
.LBB2_6:
.Ltmp13:
0x14e: {  	(pc) =	sbr.rel .LBB2_10-.Ltmp13, $2  }
0x14f: {  	_ =	sdelay $0x2  }
0x150: {  	s0 =	simm.s32 $0x0;
	s31 =	simm.s32 $0x1E400  }
.LBB2_8:
.Ltmp14:
0x151: {  	(pc) =	sbr.rel .LBB2_10-.Ltmp14, $2  }
0x152: {  	_ =	sdelay $0x2  }
0x153: {  	s0 =	simm.s32 $0x0;
	s31 =	simm.s32 $0x1E400  }
.LBB2_16:
.Ltmp15:
0x154: {  	(pc) =	sbr.rel @p0 .LBB2_23-.Ltmp15, $2  }
0x155: {  	_ =	sdelay $0x2  }
0x156: {  	s3 =	simm.s32 $0x0;
	s29 =	simm.s32 $0x0  }
0x157: {  	p1 =	sne.s32 s28, $0x1  }
.Ltmp16:
0x158: {  	_ = 	snop;
	(pc) =	sbr.rel @!p1 .LBB2_18-.Ltmp16, $3  }
0x159: {  	_ =	sdelay $0x1  }
0x15a: {  	s0 =	simm.s32 $0x1E000  }
0x15b: {  	s29 =	simm.s32 $0x1E400;
	p0 =	por $0x0, $0x0;
	v13 =	vld [tilespmem:s0+$0x0];
	s0 =	sadd.s32 $0xFFFFFFFF, s28  }
0x15c: {  	_ =	sdelay $0x3  }
0x15d: {  	v14 =	vand.u32 $0xFFFFFE00, v13  }
0x15e: {  	vm0 =	veq.s32 v14, $0xF4200  }
0x15f: {  	v14 =	vsel vm0, $0x1, v3  }
0x160: {  	(xrf0) =	vadd.scan.msk.s32 $0xffff, v14;
	_ =	sdelay $0x5  }
0x161: {  	s2 =	simm.s32 $0xFFFFFFFF;
	v14, _, _ =	vpop (xrf0)  }
0x162: {  	v15 =	vadd.s32 s2, v14;
	(v2sf) =	vpush v14, $0xF  }
0x163: {  	v15 =	vnsel vm0, $0x90, v15  }
0x164: {  	v16 =	vld [tilespmem:s29+$0x0]  }
0x165: {  	p1 =	sne.s32 s0, $0x1  }
.Ltmp17:
0x166: {  	_ = 	snop;
	(pc) =	sbr.rel @!p1 .LBB2_20-.Ltmp17, $4  }
0x167: {  	v13 =	vadd.s32 $0xFFF0BE00, v13  }
0x168: {  	[tilespmem:v15+s21+$0x0] =	vst.idx.msk $0xffff, v13  }
0x169: {  	s15 =	sadd.s32 $0xFFFFFFFF, s0;
	s2 =	simm.s32 $0x1E010;
	[tilespmem:v15+s22+$0x0] =	vst.idx.msk $0xffff, v16  }
0x16a: {  	p0 =	por $0x1, $0x1;
	s0 =	simm.s32 $0x0;
	s28 =	simm.s32 $0x1E400;
	v13 =	vld [tilespmem:s2+$0x0]  }
.LBB2_21:
0x16b: {  	p1 =	sne.s32 s15, $0x1;
	_ =	sdelay $0x3  }
0x16c: {  	v14 =	vand.u32 $0xFFFFFE00, v13;
	v13 =	vadd.s32 $0xFFF0BE00, v13  }
0x16d: {  	vm0 =	veq.s32 v14, $0xF4200  }
0x16e: {  	v14 =	vsel vm0, $0x1, v3;
	s16 =	spop (v2sf)  }
0x16f: {  	(xrf0) =	vadd.scan.msk.s32 $0xffff, v14;
	s0 =	sadd.s32 s0, s16  }
0x170: {  	p2 =	slt.s32 s0, $0x80  }
0x171: {  	s0 =	simm.s32 @!p2 $0x80  }
0x172: {  	s16 =	sadd.s32 $0xFFFFFFFF, s0;
	_ =	sdelay $0x2  }
0x173: {  	v14, _, _ =	vpop (xrf0)  }
0x174: {  	v15 =	vadd.s32 s16, v14;
	(v2sf) =	vpush v14, $0xF  }
0x175: {  	s28 =	sadd.s32 $0x10, s28;
	v14 =	vnsel vm0, $0x90, v15  }
0x176: {  	v15 =	vld [tilespmem:s28+$0x0];
	_ =	sdelay $0x1  }
.Ltmp18:
0x177: {  	(pc) =	sbr.rel @p1 .LBB2_21-.Ltmp18, $4  }
0x178: {  	_ = 	snop  }
0x179: {  	[tilespmem:v14+s21+$0x0] =	vst.idx.msk $0xffff, v13  }
0x17a: {  	s2 =	sadd.s32 $0x10, s2;
	[tilespmem:v14+s22+$0x0] =	vst.idx.msk $0xffff, v15  }
0x17b: {  	s15 =	sadd.s32 $0xFFFFFFFF, s15;
	v13 =	vld [tilespmem:s2+$0x0]  }
.LBB2_22:
0x17c: {  	_ =	sdelay $0x3  }
0x17d: {  	v14 =	vand.u32 $0xFFFFFE00, v13  }
0x17e: {  	vm0 =	veq.s32 v14, $0xF4200  }
0x17f: {  	v14 =	vsel vm0, $0x1, v3  }
0x180: {  	(xrf0) =	vadd.scan.msk.s32 $0xffff, v14;
	_ =	sdelay $0x5  }
0x181: {  	v14, _, _ =	vpop (xrf0)  }
0x182: {  	(v2sf) =	vpush v14, $0xF;
	_ =	sdelay $0x3  }
0x183: {  	s2 =	spop @p0 (v2sf)  }
0x184: {  	s0 =	sadd.s32 @p0 s0, s2  }
0x185: {  	p1 =	slt.s32 @p0 s0, $0x80  }
0x186: {  	p1 =	por !p1, !p0  }
0x187: {  	s2 =	simm.s32 $0x0;
	s0 =	simm.s32 @p1 $0x80  }
0x188: {  	s2 =	smov.u32 @p0 s0  }
0x189: {  	s0 =	sadd.s32 $0xFFFFFFFF, s2  }
0x18a: {  	v14 =	vadd.s32 s0, v14;
	s0 =	sadd.s32 @p0 $0x10, s28  }
0x18b: {  	v14 =	vnsel vm0, $0x90, v14;
	s29 =	smov.u32 @p0 s0  }
0x18c: {  	v15 =	vld [tilespmem:s29+$0x0];
	_ =	sdelay $0x1  }
0x18d: {  	s31 =	spop (v2sf)  }
0x18e: {  	v13 =	vadd.s32 $0xFFF0BE00, v13;
	s29 =	sadd.s32 s2, s31  }
0x18f: {  	[tilespmem:v14+s21+$0x0] =	vst.idx.msk $0xffff, v13;
	p0 =	slt.s32 s29, $0x80  }
0x190: {  	[tilespmem:v14+s22+$0x0] =	vst.idx.msk $0xffff, v15;
	s29 =	simm.s32 @!p0 $0x80  }
.LBB2_23:
0x191: {  	p0 =	slt.s32 s29, $0x1  }
.Ltmp19:
0x192: {  	s0 =	simm.s32 $0x400;
	(pc) =	sbr.rel @p0 .LBB2_27-.Ltmp19, $4  }
0x193: {  	[tilespmem:s24], [sflag:$0x3] =	stream.strided.gather [hbm4b:s11+s0], $0x2000, s13, s0, $0x38;
	[tilespmem:$0x1FA80] =	vst v63  }
0x194: {  	_ =	swait.ge [sflag:s17], $0x2000  }
0x195: {  	[sflag:s17] =	ssyncset.done $0x0  }
0x196: {  	[sflag:s17] =	ssyncadd.s32 $0xFFFFE000  }
0x197: {  	s0 =	sand.u32 $0x7FFFFFF0, s3  }
0x198: {  	v13 =	vld [tilespmem:s0+$0x1E800];
	_ =	sdelay $0x2  }
0x199: {  	s2 =	sand.u32 $0xF, s3  }
0x19a: {  	v14 =	vmov s2  }
0x19b: {  	vm0 =	veq.s32 v14, v4;
	v13 =	vxor.u32 $0x80000000, v13  }
0x19c: {  	v13 =	vnsel vm0, $0x7FFFFFFF, v13  }
0x19d: {  	(xrf0) =	vmax.scan.msk.u32 $0xffff, v13;
	_ =	sdelay $0x5  }
0x19e: {  	v13, _, _ =	vpop (xrf0)  }
0x19f: {  	(v2sf) =	vpush v13, $0xF;
	_ =	sdelay $0xe  }
0x1a0: {  	s31 =	spop (v2sf)  }
0x1a1: {  	s2 =	sxor.u32 $0x80000000, s31  }
0x1a2: {  	v13 =	vadd.s32 s2, v6;
	_ =	sdelay $0x2  }
0x1a3: {  	v14 =	vld [tilespmem:s0+$0x1E900];
	_ =	sdelay $0x1  }
0x1a4: {  	v13 =	vld.idx.msk [tilespmem:v13+s24+$0x0], $0xffff  }
0x1a5: {  	v15 =	vadd.s32 s2, v10;
	_ =	sdelay $0x1  }
0x1a6: {  	s3 =	sshll.u32 s26, $0x9;
	v14 =	vxor.u32 $0x80000000, v14  }
0x1a7: {  	s0 =	sshra.s32 s3, $0x2;
	v14 =	vnsel vm0, $0x7FFFFFFF, v14  }
0x1a8: {  	(xrf0) =	vmax.scan.msk.u32 $0xffff, v14;
	[tilespmem:s0+$0x1EA00] =	vst v13  }
0x1a9: {  	v13 =	vld.idx.msk [tilespmem:v15+s24+$0x0], $0xffff  }
0x1aa: {  	v14 =	vadd.s32 s2, v11;
	_ =	sdelay $0x3  }
0x1ab: {  	[tilespmem:s0+$0x1EA10] =	vst v13;
	v13, _, _ =	vpop (xrf0)  }
0x1ac: {  	v14 =	vld.idx.msk [tilespmem:v14+s24+$0x0], $0xffff;
	(v2sf) =	vpush v13, $0xF  }
0x1ad: {  	v13 =	vadd.s32 s2, v12;
	_ =	sdelay $0x3  }
0x1ae: {  	s15 =	sand.u32 $0xF, s26;
	[tilespmem:s0+$0x1EA20] =	vst v14  }
0x1af: {  	s16 =	sshra.s32 s26, $0x1F;
	p0 =	slt.s32 s26, $0x1;
	p1 =	sne.s32 s15, $0x0;
	v13 =	vld.idx.msk [tilespmem:v13+s24+$0x0], $0xffff  }
0x1b0: {  	s23 =	sshrl.u32 s16, $0x1C;
	p0 =	por !p0, !p1  }
0x1b1: {  	s3 =	simm.s32 $0x1;
	p0 =	por !p0, !p0;
	s2 =	sadd.s32 s23, s26  }
0x1b2: {  	s3 =	simm.s32 @!p0 $0x0;
	s2 =	sshrl.u32 s2, $0x4  }
0x1b3: {  	s2 =	ssub.s32 s2, s3  }
0x1b4: {  	s2 =	sshll.u32 s2, $0x4;
	[tilespmem:s0+$0x1EA30] =	vst v13  }
0x1b5: {  	v13 =	vld [tilespmem:s2+$0x1FA00];
	_ =	sdelay $0x1  }
0x1b6: {  	s30 =	ssub.s32 s26, s2  }
0x1b7: {  	s26 =	sadd.s32 $0x1, s26;
	v14 =	vmov s30;
	s31 =	spop (v2sf)  }
0x1b8: {  	p0 =	sne.s32 s29, $0x1;
	p1 =	sne.s32 s26, $0x20;
	vm15 =	veq.s32 v14, v4;
	s0 =	sxor.u32 $0x80000000, s31  }
.Ltmp20:
0x1b9: {  	s3 =	simm.s32 @!p1 $0x20;
	v13 =	vsel vm15, s0, v13;
	(pc) =	sbr.rel @!p0 .LBB2_26-.Ltmp20, $4  }
0x1ba: {  	s15 =	simm.s32 @!p1 $0x1FA00;
	s16 =	simm.s32 @!p1 $0x1EA00;
	s0 =	simm.s32 @!p1 $0x2;
	[tilespmem:s2+$0x1FA00] =	vst v13  }
0x1bb: {  	[hbm4b:s5+s3] =	stream.indirect.scatter @!p1 [tilespmem:s16], [sflag:$0x2], $0x80, s15, s3, $0xb8;
	[tilespmem:$0x1FA80] =	vst v63  }
0x1bc: {  	_ =	swait.ge @!p1 [sflag:s0], $0x1000  }
0x1bd: {  	s28 =	simm.s32 $0x1;
	s26 =	simm.s32 @!p1 $0x0;
	v13 =	vimm.s32 @!p1 $0x4000;
	[sflag:s0] =	ssyncset.done @!p1 $0x0  }
.LBB2_25:
0x1be: {  	[sflag:s0] =	ssyncadd.s32 @!p1 $0xFFFFF000;
	s0 =	smov.u32 s28;
	s28 =	sadd.s32 $0x1, s28  }
0x1bf: {  	s2 =	sand.u32 $0x7FFFFFF0, s0;
	p0 =	sne.s32 s29, s28;
	[tilespmem:$0x1FA00] =	vst @!p1 v13  }
0x1c0: {  	[tilespmem:$0x1FA10] =	vst @!p1 v13  }
0x1c1: {  	v13 =	vld [tilespmem:s2+$0x1E800];
	_ =	sdelay $0x1  }
0x1c2: {  	s0 =	sand.u32 $0xF, s0  }
0x1c3: {  	v14 =	vmov s0  }
0x1c4: {  	vm0 =	veq.s32 v14, v4  }
0x1c5: {  	v13 =	vxor.u32 $0x80000000, v13  }
0x1c6: {  	v13 =	vnsel vm0, $0x7FFFFFFF, v13  }
0x1c7: {  	(xrf0) =	vmax.scan.msk.u32 $0xffff, v13;
	_ =	sdelay $0x5  }
0x1c8: {  	v13, _, _ =	vpop (xrf0)  }
0x1c9: {  	(v2sf) =	vpush v13, $0xF;
	_ =	sdelay $0xe  }
0x1ca: {  	s0 =	spop (v2sf)  }
0x1cb: {  	s0 =	sxor.u32 $0x80000000, s0  }
0x1cc: {  	v13 =	vadd.s32 s0, v6;
	_ =	sdelay $0x4  }
0x1cd: {  	v13 =	vld.idx.msk [tilespmem:v13+s24+$0x0], $0xffff  }
0x1ce: {  	v15 =	vadd.s32 s0, v10;
	v14 =	vld [tilespmem:s2+$0x1E900];
	_ =	sdelay $0x1  }
0x1cf: {  	s2 =	sshll.u32 s26, $0x9  }
0x1d0: {  	s2 =	sshra.s32 s2, $0x2;
	_ =	sdelay $0x1  }
0x1d1: {  	v14 =	vxor.u32 $0x80000000, v14;
	[tilespmem:s2+$0x1EA00] =	vst v13  }
0x1d2: {  	v13 =	vnsel vm0, $0x7FFFFFFF, v14;
	v14 =	vld.idx.msk [tilespmem:v15+s24+$0x0], $0xffff  }
0x1d3: {  	v15 =	vadd.s32 s0, v11;
	(xrf0) =	vmax.scan.msk.u32 $0xffff, v13;
	_ =	sdelay $0x4  }
0x1d4: {  	[tilespmem:s2+$0x1EA10] =	vst v14  }
0x1d5: {  	v13 =	vld.idx.msk [tilespmem:v15+s24+$0x0], $0xffff;
	v14, _, _ =	vpop (xrf0)  }
0x1d6: {  	v15 =	vadd.s32 s0, v12;
	(v2sf) =	vpush v14, $0xF;
	_ =	sdelay $0x4  }
0x1d7: {  	s0 =	sand.u32 $0xF, s26;
	[tilespmem:s2+$0x1EA20] =	vst v13  }
0x1d8: {  	s3 =	sshra.s32 s26, $0x1F;
	p1 =	slt.s32 s26, $0x1;
	p2 =	sne.s32 s0, $0x0;
	v13 =	vld.idx.msk [tilespmem:v15+s24+$0x0], $0xffff  }
0x1d9: {  	s0 =	sshrl.u32 s3, $0x1C;
	p1 =	por !p1, !p2  }
0x1da: {  	s3 =	simm.s32 $0x1;
	s0 =	sadd.s32 s0, s26;
	p1 =	por !p1, !p1  }
0x1db: {  	s0 =	sshrl.u32 s0, $0x4;
	s3 =	simm.s32 @!p1 $0x0  }
0x1dc: {  	s0 =	ssub.s32 s0, s3  }
0x1dd: {  	s0 =	sshll.u32 s0, $0x4  }
0x1de: {  	[tilespmem:s2+$0x1EA30] =	vst v13;
	s2 =	ssub.s32 s26, s0  }
0x1df: {  	v13 =	vld [tilespmem:s0+$0x1FA00];
	_ =	sdelay $0x1  }
0x1e0: {  	s26 =	sadd.s32 $0x1, s26;
	v14 =	vmov s2;
	s2 =	spop (v2sf)  }
0x1e1: {  	p1 =	sne.s32 s26, $0x20;
	vm0 =	veq.s32 v14, v4;
	s2 =	sxor.u32 $0x80000000, s2  }
0x1e2: {  	s3 =	simm.s32 @!p1 $0x1FA00  }
.Ltmp21:
0x1e3: {  	s15 =	simm.s32 @!p1 $0x1EA00;
	v14 =	vsel vm0, s2, v13;
	s2 =	simm.s32 @!p1 $0x20;
	v13 =	vimm.s32 @!p1 $0x4000;
	(pc) =	sbr.rel @p0 .LBB2_25-.Ltmp21, $4  }
0x1e4: {  	s26 =	simm.s32 @!p1 $0x0;
	[tilespmem:s0+$0x1FA00] =	vst v14;
	s0 =	simm.s32 @!p1 $0x2  }
0x1e5: {  	[hbm4b:s5+s2] =	stream.indirect.scatter @!p1 [tilespmem:s15], [sflag:$0x2], $0x80, s3, s2, $0xb8;
	[tilespmem:$0x1FA80] =	vst v63  }
0x1e6: {  	_ =	swait.ge @!p1 [sflag:s0], $0x1000  }
0x1e7: {  	[sflag:s0] =	ssyncset.done @!p1 $0x0  }
.Ltmp22:
0x1e8: {  	_ = 	snop;
	(pc) =	sbr.rel .LBB2_26-.Ltmp22, $1  }
0x1e9: {  	_ =	sdelay $0x3  }
.LBB2_18:
.Ltmp23:
0x1ea: {  	(pc) =	sbr.rel .LBB2_22-.Ltmp23, $2  }
0x1eb: {  	_ =	sdelay $0x2  }
0x1ec: {  	s0 =	simm.s32 $0x0;
	s28 =	simm.s32 $0x1E400  }
.LBB2_20:
.Ltmp24:
0x1ed: {  	(pc) =	sbr.rel .LBB2_22-.Ltmp24, $2  }
0x1ee: {  	_ =	sdelay $0x2  }
0x1ef: {  	s0 =	simm.s32 $0x0;
	s28 =	simm.s32 $0x1E400  }
.LBB2_28:
0x1f0: {  	_ =	sfence.sel $0x180000  }
0x1f1: {  	[bflag:$0x0] =	sbarrier.arrive $0xFFFF  }
0x1f2: {  	_ =	strace $0x90000047  }
0x1f3: {  	s0 =	stileid.u32;
	[bflag:$0x2] =	sbarrier.arrive $0xFFFF  }
0x1f4: {  	p0 =	sne.s32 s0, $0x0;
	s0 =	rddreg [dreg:$0x3]  }
0x1f5: {  	s0 =	sadd.s32 @!p0 $0x100000, s0  }
0x1f6: {  	[sflag:s0] =	ssyncadd.tile.s32 @!p0 $0x1;
	_ =	shalt  }
.Lfunc_end2:
_tile_overlayer_lowered:
.L_overlay_start_2:
0x1f7: {  	(tag) =	ssettag $0x2  }
0x1f8: {  	s0 =	rddreg [dreg:$0x0];
	s2 =	stileid.u32  }
0x1f9: {  	s1 =	rddreg [dreg:$0x1];
	p0 =	sne.s32 s2, $0x0  }
0x1fa: {  	s3 =	rddreg [dreg:$0x2];
	[bflag:$0x3] =	sbarrier.arrive $0xFFFF;
	s2 =	simm.s32 @!p0 $0x1C03  }
0x1fb: {  	[timem:s3], [sflag:s2] =	dma.local @!p0 [hbm:s0], s1  }
0x1fc: {  	s0 =	simm.s32 @!p0 $0x3  }
0x1fd: {  	_ =	swait.ge @!p0 [sflag:s0], s1  }
0x1fe: {  	s1 =	ssub.s32 @!p0 $0x0, s1;
	[sflag:s0] =	ssyncset.done @!p0 $0x0  }
0x1ff: {  	[sflag:s0] =	ssyncadd.s32 @!p0 s1  }
0x200: {  	[bflag:$0x3] =	sbarrier.arrive $0xFFFF  }
0x201: {  	_ =	shalt  }

</sc_bundles>
